<compile_context>
chip_gen: v7x
topology: tpu7x:2x2x1
jax: 0.10.2.dev20260603
libtpu: 0.0.44.dev20260713+nightly
codegen_flags: <defaults>
</compile_context>

<pallas_src>
import functools

import jax
import jax.numpy as jnp
from jax import lax
from jax.experimental import pallas as pl
from jax.experimental.pallas import tpu as pltpu
from jax.experimental.pallas import tpu_sc as plsc

N_NODES = 10000
N_EDGES = 320000
D = 128
NC, NS, L = 2, 16, 16
NW = NC * NS
E0 = 160000
E1 = N_EDGES - E0
K = 40
SEG = 25
STRIPE = 640
TAIL = N_NODES - 15 * STRIPE
EBLK = 3200


def _mm_bias_body(x_ref, w_ref, b_ref, o_ref):
    o_ref[...] = (
        jnp.dot(x_ref[...], w_ref[...], preferred_element_type=jnp.float32)
        + b_ref[...]
    )


def _mm_bias(x, w, b, block_rows):
    m, k = x.shape
    n = w.shape[1]
    return pl.pallas_call(
        _mm_bias_body,
        grid=(m // block_rows,),
        in_specs=[
            pl.BlockSpec((block_rows, k), lambda i: (i, 0)),
            pl.BlockSpec((k, n), lambda i: (0, 0)),
            pl.BlockSpec((1, n), lambda i: (0, 0)),
        ],
        out_specs=pl.BlockSpec((block_rows, n), lambda i: (i, 0)),
        out_shape=jax.ShapeDtypeStruct((m, n), jnp.float32),
    )(x, w, b.reshape(1, n))


def _edge_mm_body(xt_ref, w_ref, b_ref, o_ref):
    y = jax.lax.dot_general(
        xt_ref[...], w_ref[...], (((0,), (0,)), ((), ())),
        preferred_element_type=jnp.float32,
    ) + b_ref[...]
    o_ref[...] = y


def _edge_mm_part(xt, w, b, eoff, ne):
    k = xt.shape[0]
    n = w.shape[1]
    off = eoff // EBLK
    return pl.pallas_call(
        _edge_mm_body,
        grid=(ne // EBLK,),
        in_specs=[
            pl.BlockSpec((k, EBLK), lambda i: (0, i + off)),
            pl.BlockSpec((k, n), lambda i: (0, 0)),
            pl.BlockSpec((1, n), lambda i: (0, 0)),
        ],
        out_specs=pl.BlockSpec((EBLK, n), lambda i: (i, 0)),
        out_shape=jax.ShapeDtypeStruct((ne, n), jnp.float32),
    )(xt, w, b.reshape(1, n))


def _final_body(p0_ref, p1_ref, w_ref, b_ref, o_ref):
    a = p0_ref[0] + p0_ref[1] + p1_ref[0] + p1_ref[1]
    o_ref[...] = (
        jnp.dot(a, w_ref[...], preferred_element_type=jnp.float32) + b_ref[...]
    )


def _final_mm(p0, p1, w, b, block_rows):
    _, m, n = p0.shape
    pspec = pl.BlockSpec((2, block_rows, n), lambda i: (0, i, 0))
    return pl.pallas_call(
        _final_body,
        grid=(m // block_rows,),
        in_specs=[
            pspec,
            pspec,
            pl.BlockSpec((n, n), lambda i: (0, 0)),
            pl.BlockSpec((1, n), lambda i: (0, 0)),
        ],
        out_specs=pl.BlockSpec((block_rows, n), lambda i: (i, 0)),
        out_shape=jax.ShapeDtypeStruct((m, n), jnp.float32),
    )(p0, p1, w, b.reshape(1, n))


_mesh = plsc.VectorSubcoreMesh(core_axis_name="c", subcore_axis_name="s")


def _make_sc_half(half, epw, nseg):
    @functools.partial(
        pl.kernel,
        out_type=jax.ShapeDtypeStruct((NC, N_NODES, D), jnp.float32),
        mesh=_mesh,
        scratch_types=[
            pltpu.VMEM((SEG, K), jnp.int32),
            pltpu.VMEM((SEG, K), jnp.int32),
            pltpu.VMEM((K, D), jnp.float32),
            pltpu.VMEM((K, D), jnp.float32),
            pltpu.VMEM((K, D), jnp.float32),
            pltpu.VMEM((K, D), jnp.float32),
            pltpu.VMEM((K, D), jnp.float32),
            pltpu.VMEM((K, D), jnp.float32),
            pltpu.VMEM_SHARED((N_NODES, D), jnp.float32),
            pltpu.SemaphoreType.DMA,
            pltpu.SemaphoreType.DMA,
            pltpu.SemaphoreType.DMA,
            pltpu.SemaphoreType.DMA,
            pltpu.SemaphoreType.DMA,
            pltpu.SemaphoreType.DMA,
        ],
        name=f"sc_gather_mul_scatter_h{half}",
    )
    def _sc_half(
        node_t, edge_t, src5, dst5, out,
        src_v, dst_v, gat0, gat1, edg0, edg1, sb0, sb1, agg_sh,
        gsem0, gsem1, esem0, esem1, ssem0, ssem1,
    ):
        c = lax.axis_index("c")
        s = lax.axis_index("s")
        wid = s * NC + c
        gat = (gat0, gat1)
        edg = (edg0, edg1)
        sb = (sb0, sb1)
        gsem = (gsem0, gsem1)
        esem = (esem0, esem1)
        ssem = (ssem0, ssem1)

        zvec = jnp.zeros((L,), jnp.float32)

        def zrow(r, carry):
            for v in range(D // L):
                gat0[r, pl.ds(v * L, L)] = zvec
            return carry

        lax.fori_loop(0, K, zrow, 0)
        base = s * STRIPE
        for z in range(TAIL // K):
            pltpu.sync_copy(gat0, agg_sh.at[pl.ds(base + z * K, K)])

        @pl.when(s < NS - 1)
        def _zero_rest():
            for z in range(TAIL // K, STRIPE // K):
                pltpu.sync_copy(gat0, agg_sh.at[pl.ds(base + z * K, K)])

        plsc.subcore_barrier()

        ebase = wid * epw

        def seg_body(seg, carry):
            soff = seg * SEG
            pltpu.sync_copy(src5.at[wid, seg], src_v)
            pltpu.sync_copy(dst5.at[wid, seg], dst_v)

            def fetch(l, b):
                pltpu.async_copy(
                    edge_t.at[pl.ds(ebase + (soff + l) * K, K)],
                    edg[b], esem[b])
                pltpu.async_copy(node_t.at[src_v.at[l]], gat[b], gsem[b])

            def wait_fetch(l, b):
                pltpu.make_async_copy(
                    edge_t.at[pl.ds(ebase + (soff + l) * K, K)],
                    edg[b], esem[b]).wait()
                pltpu.make_async_copy(
                    node_t.at[src_v.at[l]], gat[b], gsem[b]).wait()

            def multiply(b):
                ga, eb, sbb = gat[b], edg[b], sb[b]

                def mul(e, inner):
                    for v in range(D // L):
                        sl = pl.ds(v * L, L)
                        sbb[e, sl] = ga[e, sl] * eb[e, sl]
                    return inner

                lax.fori_loop(0, K, mul, 0)

            def scatter(l, b):
                pltpu.async_copy(
                    sb[b], agg_sh.at[dst_v.at[l]], ssem[b], add=True)

            def wait_scatter(l, b):
                pltpu.make_async_copy(
                    sb[b], agg_sh.at[dst_v.at[l]], ssem[b]).wait()

            fetch(0, 0)

            def pair(p, inner):
                la, lb = 2 * p, 2 * p + 1
                fetch(lb, 1)
                wait_fetch(la, 0)

                @pl.when(p > 0)
                def _ws0():
                    wait_scatter(la - 2, 0)

                multiply(0)
                scatter(la, 0)
                fetch(la + 2, 0)
                wait_fetch(lb, 1)

                @pl.when(p > 0)
                def _ws1():
                    wait_scatter(lb - 2, 1)

                multiply(1)
                scatter(lb, 1)
                return inner

            lax.fori_loop(0, SEG // 2, pair, 0)

            wait_fetch(SEG - 1, 0)
            wait_scatter(SEG - 3, 0)
            multiply(0)
            scatter(SEG - 1, 0)
            wait_scatter(SEG - 1, 0)
            wait_scatter(SEG - 2, 1)
            return carry

        lax.fori_loop(0, nseg, seg_body, 0)

        plsc.subcore_barrier()
        pltpu.sync_copy(
            agg_sh.at[pl.ds(base, TAIL)],
            out.at[c, pl.ds(base, TAIL)],
        )

        @pl.when(s < NS - 1)
        def _write_rest():
            pltpu.sync_copy(
                agg_sh.at[pl.ds(base + TAIL, STRIPE - TAIL)],
                out.at[c, pl.ds(base + TAIL, STRIPE - TAIL)],
            )

    return _sc_half


_sc_half0 = _make_sc_half(0, E0 // NW, E0 // NW // K // SEG)
_sc_half1 = _make_sc_half(1, E1 // NW, E1 // NW // K // SEG)


def kernel(node_features, edge_features, edge_indices,
           W_node, b_node, W_edge, b_edge, W_out, b_out):
    node_t = _mm_bias(node_features, W_node, b_node, 1000)
    eft = edge_features.T
    eit = edge_indices.astype(jnp.int32).T
    src0 = eit[0, :E0].reshape(NW, E0 // NW // K // SEG, SEG, K)
    dst0 = eit[1, :E0].reshape(NW, E0 // NW // K // SEG, SEG, K)
    src1 = eit[0, E0:].reshape(NW, E1 // NW // K // SEG, SEG, K)
    dst1 = eit[1, E0:].reshape(NW, E1 // NW // K // SEG, SEG, K)
    edge_t0 = _edge_mm_part(eft, W_edge, b_edge, 0, E0)
    p0 = _sc_half0(node_t, edge_t0, src0, dst0)
    edge_t1 = _edge_mm_part(eft, W_edge, b_edge, E0, E1)
    p1 = _sc_half1(node_t, edge_t1, src1, dst1)
    return _final_mm(p0, p1, W_out, b_out, 1000)

# --- scband reference (transcript-rebuilt; emitter-appended) ---
"""Pipeline reference for scband-crystal-graph-conv-layer-71519795413187 (READ-ONLY COPY).

The authoritative reference and input builder live on the scoring server;
editing this copy changes nothing except your own understanding.
"""

import jax, jax.numpy as jnp
import numpy as np

N_NODES = 10000
N_EDGES = 320000
NODE_DIM = 128
EDGE_DIM = 16


def setup_inputs(seed: int = 0) -> dict:
    key = jax.random.key(seed)
    ks = jax.random.split(key, 9)
    node_features = jax.random.normal(ks[0], (N_NODES, NODE_DIM), dtype=jnp.float32)
    edge_features = jax.random.normal(ks[1], (N_EDGES, EDGE_DIM), dtype=jnp.float32)
    edge_indices = jax.random.randint(ks[2], (N_EDGES, 2), 0, N_NODES)
    s_node = 1.0 / np.sqrt(NODE_DIM)
    s_edge = 1.0 / np.sqrt(EDGE_DIM)
    W_node = jax.random.uniform(ks[3], (NODE_DIM, NODE_DIM), jnp.float32, -s_node, s_node)
    b_node = jax.random.uniform(ks[4], (NODE_DIM,), jnp.float32, -s_node, s_node)
    W_edge = jax.random.uniform(ks[5], (EDGE_DIM, NODE_DIM), jnp.float32, -s_edge, s_edge)
    b_edge = jax.random.uniform(ks[6], (NODE_DIM,), jnp.float32, -s_edge, s_edge)
    W_out = jax.random.uniform(ks[7], (NODE_DIM, NODE_DIM), jnp.float32, -s_node, s_node)
    b_out = jax.random.uniform(ks[8], (NODE_DIM,), jnp.float32, -s_node, s_node)
    return {
        "node_features": node_features,
        "edge_features": edge_features,
        "edge_indices": edge_indices,
        "W_node": W_node,
        "b_node": b_node,
        "W_edge": W_edge,
        "b_edge": b_edge,
        "W_out": W_out,
        "b_out": b_out,
    }


def reference(node_features, edge_features, edge_indices, W_node, b_node, W_edge, b_edge, W_out, b_out):
    node_transformed = node_features @ W_node + b_node
    edge_transformed = edge_features @ W_edge + b_edge
    src = edge_indices[:, 0]
    dst = edge_indices[:, 1]
    messages = jnp.take(node_transformed, src, axis=0) * edge_transformed
    aggregated = jnp.zeros_like(node_transformed).at[dst].add(messages)
    output = aggregated @ W_out + b_out
    return output

if __name__ == "__main__":
    import jax
    _d = setup_inputs()
    print(jax.jit(kernel)(*tuple(_d.values())))

</pallas_src>

<mosaic_0001>
#map = affine_map<(d0, d1) -> (0, 0)>
#map1 = affine_map<(d0, d1) -> (0, 0, 0, 0)>
#map2 = affine_map<(d0, d1) -> (0, 0, 0)>
module attributes {stable_mosaic.version = 14 : i64} {
  func.func @sc_gather_mul_scatter_h1(%arg0: i32, %arg1: i32, %arg2: memref<10000x128xf32, #tpu.memory_space<hbm>>, %arg3: memref<160000x128xf32, #tpu.memory_space<hbm>>, %arg4: memref<32x5x25x40xi32, #tpu.memory_space<hbm>>, %arg5: memref<32x5x25x40xi32, #tpu.memory_space<hbm>>, %arg6: memref<2x10000x128xf32, #tpu.memory_space<hbm>>, %arg7: memref<25x40xi32, #tpu.memory_space<vmem>>, %arg8: memref<25x40xi32, #tpu.memory_space<vmem>>, %arg9: memref<40x128xf32, #tpu.memory_space<vmem>>, %arg10: memref<40x128xf32, #tpu.memory_space<vmem>>, %arg11: memref<40x128xf32, #tpu.memory_space<vmem>>, %arg12: memref<40x128xf32, #tpu.memory_space<vmem>>, %arg13: memref<40x128xf32, #tpu.memory_space<vmem>>, %arg14: memref<40x128xf32, #tpu.memory_space<vmem>>, %arg15: memref<10000x128xf32, #tpu.memory_space<vmem_shared>>, %arg16: memref<!tpu.dma_semaphore, #tpu.memory_space<semaphore_mem>>, %arg17: memref<!tpu.dma_semaphore, #tpu.memory_space<semaphore_mem>>, %arg18: memref<!tpu.dma_semaphore, #tpu.memory_space<semaphore_mem>>, %arg19: memref<!tpu.dma_semaphore, #tpu.memory_space<semaphore_mem>>, %arg20: memref<!tpu.dma_semaphore, #tpu.memory_space<semaphore_mem>>, %arg21: memref<!tpu.dma_semaphore, #tpu.memory_space<semaphore_mem>>) attributes {dimension_semantics = [#tpu.dimension_semantics<core_parallel>, #tpu.dimension_semantics<subcore_parallel>], iteration_bounds = array<i64: 2, 16>, scalar_prefetch = 0 : i64, scratch_operands = 15 : i64, tpu.core_type = #tpu.core_type<sc_vector_subcore>, window_params = [{transform_indices = #map}, {transform_indices = #map}, {transform_indices = #map1}, {transform_indices = #map1}, {transform_indices = #map2}]} {
    %mul3A = arith.constant 2 : i32
    %mul3A_0 = arith.muli %arg1, %mul3A : i32
    %add3A = arith.addi %mul3A_0, %arg0 : i32
    %broadcast_in_dim3A = arith.constant 0.000000e+00 : f32
    %broadcast_in_dim3A_1 = vector.broadcast %broadcast_in_dim3A : f32 to vector<16xf32>
    %scan3A = arith.constant 0 : i32
    %scan3A_2 = arith.constant 0 : i32
    %scan3A_3 = arith.constant 40 : i32
    %scan3A_4 = arith.addi %scan3A_2, %scan3A_3 : i32
    %scan3A_5 = arith.constant 1 : i32
    scf.for %scan3A_45 = %scan3A_2 to %scan3A_4 step %scan3A_5  : i32 {
      %swap3A = arith.index_cast %scan3A_45 : i32 to index
      %swap3A_46 = arith.constant 0 : index
      %swap3A_47 = tpu.vector_load %arg9[%swap3A, %swap3A_46] {strides = array<i32>} : memref<40x128xf32, #tpu.memory_space<vmem>>, vector<1x16xf32>,
      %swap3A_48 = vector.shape_cast %swap3A_47 : vector<1x16xf32> to vector<16xf32>
      %swap3A_49 = vector.shape_cast %broadcast_in_dim3A_1 : vector<16xf32> to vector<1x16xf32>
      tpu.vector_store %arg9[%swap3A, %swap3A_46], %swap3A_49 {strides = array<i32>} : memref<40x128xf32, #tpu.memory_space<vmem>>, vector<1x16xf32>,
      %swap3A_50 = arith.index_cast %scan3A_45 : i32 to index
      %swap3A_51 = arith.constant 16 : index
      %swap3A_52 = tpu.vector_load %arg9[%swap3A_50, %swap3A_51] {strides = array<i32>} : memref<40x128xf32, #tpu.memory_space<vmem>>, vector<1x16xf32>,
      %swap3A_53 = vector.shape_cast %swap3A_52 : vector<1x16xf32> to vector<16xf32>
      %swap3A_54 = vector.shape_cast %broadcast_in_dim3A_1 : vector<16xf32> to vector<1x16xf32>
      tpu.vector_store %arg9[%swap3A_50, %swap3A_51], %swap3A_54 {strides = array<i32>} : memref<40x128xf32, #tpu.memory_space<vmem>>, vector<1x16xf32>,
      %swap3A_55 = arith.index_cast %scan3A_45 : i32 to index
      %swap3A_56 = arith.constant 32 : index
      %swap3A_57 = tpu.vector_load %arg9[%swap3A_55, %swap3A_56] {strides = array<i32>} : memref<40x128xf32, #tpu.memory_space<vmem>>, vector<1x16xf32>,
      %swap3A_58 = vector.shape_cast %swap3A_57 : vector<1x16xf32> to vector<16xf32>
      %swap3A_59 = vector.shape_cast %broadcast_in_dim3A_1 : vector<16xf32> to vector<1x16xf32>
      tpu.vector_store %arg9[%swap3A_55, %swap3A_56], %swap3A_59 {strides = array<i32>} : memref<40x128xf32, #tpu.memory_space<vmem>>, vector<1x16xf32>,
      %swap3A_60 = arith.index_cast %scan3A_45 : i32 to index
      %swap3A_61 = arith.constant 48 : index
      %swap3A_62 = tpu.vector_load %arg9[%swap3A_60, %swap3A_61] {strides = array<i32>} : memref<40x128xf32, #tpu.memory_space<vmem>>, vector<1x16xf32>,
      %swap3A_63 = vector.shape_cast %swap3A_62 : vector<1x16xf32> to vector<16xf32>
      %swap3A_64 = vector.shape_cast %broadcast_in_dim3A_1 : vector<16xf32> to vector<1x16xf32>
      tpu.vector_store %arg9[%swap3A_60, %swap3A_61], %swap3A_64 {strides = array<i32>} : memref<40x128xf32, #tpu.memory_space<vmem>>, vector<1x16xf32>,
      %swap3A_65 = arith.index_cast %scan3A_45 : i32 to index
      %swap3A_66 = arith.constant 64 : index
      %swap3A_67 = tpu.vector_load %arg9[%swap3A_65, %swap3A_66] {strides = array<i32>} : memref<40x128xf32, #tpu.memory_space<vmem>>, vector<1x16xf32>,
      %swap3A_68 = vector.shape_cast %swap3A_67 : vector<1x16xf32> to vector<16xf32>
      %swap3A_69 = vector.shape_cast %broadcast_in_dim3A_1 : vector<16xf32> to vector<1x16xf32>
      tpu.vector_store %arg9[%swap3A_65, %swap3A_66], %swap3A_69 {strides = array<i32>} : memref<40x128xf32, #tpu.memory_space<vmem>>, vector<1x16xf32>,
      %swap3A_70 = arith.index_cast %scan3A_45 : i32 to index
      %swap3A_71 = arith.constant 80 : index
      %swap3A_72 = tpu.vector_load %arg9[%swap3A_70, %swap3A_71] {strides = array<i32>} : memref<40x128xf32, #tpu.memory_space<vmem>>, vector<1x16xf32>,
      %swap3A_73 = vector.shape_cast %swap3A_72 : vector<1x16xf32> to vector<16xf32>
      %swap3A_74 = vector.shape_cast %broadcast_in_dim3A_1 : vector<16xf32> to vector<1x16xf32>
      tpu.vector_store %arg9[%swap3A_70, %swap3A_71], %swap3A_74 {strides = array<i32>} : memref<40x128xf32, #tpu.memory_space<vmem>>, vector<1x16xf32>,
      %swap3A_75 = arith.index_cast %scan3A_45 : i32 to index
      %swap3A_76 = arith.constant 96 : index
      %swap3A_77 = tpu.vector_load %arg9[%swap3A_75, %swap3A_76] {strides = array<i32>} : memref<40x128xf32, #tpu.memory_space<vmem>>, vector<1x16xf32>,
      %swap3A_78 = vector.shape_cast %swap3A_77 : vector<1x16xf32> to vector<16xf32>
      %swap3A_79 = vector.shape_cast %broadcast_in_dim3A_1 : vector<16xf32> to vector<1x16xf32>
      tpu.vector_store %arg9[%swap3A_75, %swap3A_76], %swap3A_79 {strides = array<i32>} : memref<40x128xf32, #tpu.memory_space<vmem>>, vector<1x16xf32>,
      %swap3A_80 = arith.index_cast %scan3A_45 : i32 to index
      %swap3A_81 = arith.constant 112 : index
      %swap3A_82 = tpu.vector_load %arg9[%swap3A_80, %swap3A_81] {strides = array<i32>} : memref<40x128xf32, #tpu.memory_space<vmem>>, vector<1x16xf32>,
      %swap3A_83 = vector.shape_cast %swap3A_82 : vector<1x16xf32> to vector<16xf32>
      %swap3A_84 = vector.shape_cast %broadcast_in_dim3A_1 : vector<16xf32> to vector<1x16xf32>
      tpu.vector_store %arg9[%swap3A_80, %swap3A_81], %swap3A_84 {strides = array<i32>} : memref<40x128xf32, #tpu.memory_space<vmem>>, vector<1x16xf32>,
    }
    %scan3A_6 = arith.constant 40 : i32
    %mul3A_7 = arith.constant 640 : i32
    %mul3A_8 = arith.muli %arg1, %mul3A_7 : i32
    %add3A_9 = arith.constant 0 : i32
    %add3A_10 = arith.addi %mul3A_8, %add3A_9 : i32
    "tpu.region"() ({
      %run_scoped3A = tpu.sem_alloc : memref<!tpu.dma_semaphore, #tpu.memory_space<semaphore_mem>>
      %dma_start3A = arith.constant 0 : i32
      %dma_start3A_45 = tpu.memref_slice %arg15[%add3A_10, %dma_start3A] : memref<10000x128xf32, #tpu.memory_space<vmem_shared>> -> memref<40x128xf32, #tpu.memory_space<vmem_shared>>
      %dma_start3A_46 = arith.constant 0 : i32
      %dma_start3A_47 = tpu.memref_slice %arg15[%add3A_10, %dma_start3A_46] : memref<10000x128xf32, #tpu.memory_space<vmem_shared>> -> memref<40x128xf32, #tpu.memory_space<vmem_shared>>
      tpu.enqueue_dma source(%arg9 : memref<40x128xf32, #tpu.memory_space<vmem>>) target(%dma_start3A_47 : memref<40x128xf32, #tpu.memory_space<vmem_shared>>) target_semaphore(%run_scoped3A : memref<!tpu.dma_semaphore, #tpu.memory_space<semaphore_mem>>)
      %dma_wait3A = arith.constant 0 : i32
      %dma_wait3A_48 = tpu.memref_slice %arg15[%add3A_10, %dma_wait3A] : memref<10000x128xf32, #tpu.memory_space<vmem_shared>> -> memref<40x128xf32, #tpu.memory_space<vmem_shared>>
      %dma_wait3A_49 = arith.constant 0 : i32
      %dma_wait3A_50 = tpu.memref_slice %arg15[%add3A_10, %dma_wait3A_49] : memref<10000x128xf32, #tpu.memory_space<vmem_shared>> -> memref<40x128xf32, #tpu.memory_space<vmem_shared>>
      tpu.wait_dma2 semaphore(%run_scoped3A : memref<!tpu.dma_semaphore, #tpu.memory_space<semaphore_mem>>) src(%arg9 : memref<40x128xf32, #tpu.memory_space<vmem>>) dst(%dma_wait3A_50 : memref<40x128xf32, #tpu.memory_space<vmem_shared>>)
      tpu.yield
    }) : () -> ()
    %add3A_11 = arith.constant 40 : i32
    %add3A_12 = arith.addi %mul3A_8, %add3A_11 : i32
    "tpu.region"() ({
      %run_scoped3A = tpu.sem_alloc : memref<!tpu.dma_semaphore, #tpu.memory_space<semaphore_mem>>
      %dma_start3A = arith.constant 0 : i32
      %dma_start3A_45 = tpu.memref_slice %arg15[%add3A_12, %dma_start3A] : memref<10000x128xf32, #tpu.memory_space<vmem_shared>> -> memref<40x128xf32, #tpu.memory_space<vmem_shared>>
      %dma_start3A_46 = arith.constant 0 : i32
      %dma_start3A_47 = tpu.memref_slice %arg15[%add3A_12, %dma_start3A_46] : memref<10000x128xf32, #tpu.memory_space<vmem_shared>> -> memref<40x128xf32, #tpu.memory_space<vmem_shared>>
      tpu.enqueue_dma source(%arg9 : memref<40x128xf32, #tpu.memory_space<vmem>>) target(%dma_start3A_47 : memref<40x128xf32, #tpu.memory_space<vmem_shared>>) target_semaphore(%run_scoped3A : memref<!tpu.dma_semaphore, #tpu.memory_space<semaphore_mem>>)
      %dma_wait3A = arith.constant 0 : i32
      %dma_wait3A_48 = tpu.memref_slice %arg15[%add3A_12, %dma_wait3A] : memref<10000x128xf32, #tpu.memory_space<vmem_shared>> -> memref<40x128xf32, #tpu.memory_space<vmem_shared>>
      %dma_wait3A_49 = arith.constant 0 : i32
      %dma_wait3A_50 = tpu.memref_slice %arg15[%add3A_12, %dma_wait3A_49] : memref<10000x128xf32, #tpu.memory_space<vmem_shared>> -> memref<40x128xf32, #tpu.memory_space<vmem_shared>>
      tpu.wait_dma2 semaphore(%run_scoped3A : memref<!tpu.dma_semaphore, #tpu.memory_space<semaphore_mem>>) src(%arg9 : memref<40x128xf32, #tpu.memory_space<vmem>>) dst(%dma_wait3A_50 : memref<40x128xf32, #tpu.memory_space<vmem_shared>>)
      tpu.yield
    }) : () -> ()
    %add3A_13 = arith.constant 80 : i32
    %add3A_14 = arith.addi %mul3A_8, %add3A_13 : i32
    "tpu.region"() ({
      %run_scoped3A = tpu.sem_alloc : memref<!tpu.dma_semaphore, #tpu.memory_space<semaphore_mem>>
      %dma_start3A = arith.constant 0 : i32
      %dma_start3A_45 = tpu.memref_slice %arg15[%add3A_14, %dma_start3A] : memref<10000x128xf32, #tpu.memory_space<vmem_shared>> -> memref<40x128xf32, #tpu.memory_space<vmem_shared>>
      %dma_start3A_46 = arith.constant 0 : i32
      %dma_start3A_47 = tpu.memref_slice %arg15[%add3A_14, %dma_start3A_46] : memref<10000x128xf32, #tpu.memory_space<vmem_shared>> -> memref<40x128xf32, #tpu.memory_space<vmem_shared>>
      tpu.enqueue_dma source(%arg9 : memref<40x128xf32, #tpu.memory_space<vmem>>) target(%dma_start3A_47 : memref<40x128xf32, #tpu.memory_space<vmem_shared>>) target_semaphore(%run_scoped3A : memref<!tpu.dma_semaphore, #tpu.memory_space<semaphore_mem>>)
      %dma_wait3A = arith.constant 0 : i32
      %dma_wait3A_48 = tpu.memref_slice %arg15[%add3A_14, %dma_wait3A] : memref<10000x128xf32, #tpu.memory_space<vmem_shared>> -> memref<40x128xf32, #tpu.memory_space<vmem_shared>>
      %dma_wait3A_49 = arith.constant 0 : i32
      %dma_wait3A_50 = tpu.memref_slice %arg15[%add3A_14, %dma_wait3A_49] : memref<10000x128xf32, #tpu.memory_space<vmem_shared>> -> memref<40x128xf32, #tpu.memory_space<vmem_shared>>
      tpu.wait_dma2 semaphore(%run_scoped3A : memref<!tpu.dma_semaphore, #tpu.memory_space<semaphore_mem>>) src(%arg9 : memref<40x128xf32, #tpu.memory_space<vmem>>) dst(%dma_wait3A_50 : memref<40x128xf32, #tpu.memory_space<vmem_shared>>)
      tpu.yield
    }) : () -> ()
    %add3A_15 = arith.constant 120 : i32
    %add3A_16 = arith.addi %mul3A_8, %add3A_15 : i32
    "tpu.region"() ({
      %run_scoped3A = tpu.sem_alloc : memref<!tpu.dma_semaphore, #tpu.memory_space<semaphore_mem>>
      %dma_start3A = arith.constant 0 : i32
      %dma_start3A_45 = tpu.memref_slice %arg15[%add3A_16, %dma_start3A] : memref<10000x128xf32, #tpu.memory_space<vmem_shared>> -> memref<40x128xf32, #tpu.memory_space<vmem_shared>>
      %dma_start3A_46 = arith.constant 0 : i32
      %dma_start3A_47 = tpu.memref_slice %arg15[%add3A_16, %dma_start3A_46] : memref<10000x128xf32, #tpu.memory_space<vmem_shared>> -> memref<40x128xf32, #tpu.memory_space<vmem_shared>>
      tpu.enqueue_dma source(%arg9 : memref<40x128xf32, #tpu.memory_space<vmem>>) target(%dma_start3A_47 : memref<40x128xf32, #tpu.memory_space<vmem_shared>>) target_semaphore(%run_scoped3A : memref<!tpu.dma_semaphore, #tpu.memory_space<semaphore_mem>>)
      %dma_wait3A = arith.constant 0 : i32
      %dma_wait3A_48 = tpu.memref_slice %arg15[%add3A_16, %dma_wait3A] : memref<10000x128xf32, #tpu.memory_space<vmem_shared>> -> memref<40x128xf32, #tpu.memory_space<vmem_shared>>
      %dma_wait3A_49 = arith.constant 0 : i32
      %dma_wait3A_50 = tpu.memref_slice %arg15[%add3A_16, %dma_wait3A_49] : memref<10000x128xf32, #tpu.memory_space<vmem_shared>> -> memref<40x128xf32, #tpu.memory_space<vmem_shared>>
      tpu.wait_dma2 semaphore(%run_scoped3A : memref<!tpu.dma_semaphore, #tpu.memory_space<semaphore_mem>>) src(%arg9 : memref<40x128xf32, #tpu.memory_space<vmem>>) dst(%dma_wait3A_50 : memref<40x128xf32, #tpu.memory_space<vmem_shared>>)
      tpu.yield
    }) : () -> ()
    %add3A_17 = arith.constant 160 : i32
    %add3A_18 = arith.addi %mul3A_8, %add3A_17 : i32
    "tpu.region"() ({
      %run_scoped3A = tpu.sem_alloc : memref<!tpu.dma_semaphore, #tpu.memory_space<semaphore_mem>>
      %dma_start3A = arith.constant 0 : i32
      %dma_start3A_45 = tpu.memref_slice %arg15[%add3A_18, %dma_start3A] : memref<10000x128xf32, #tpu.memory_space<vmem_shared>> -> memref<40x128xf32, #tpu.memory_space<vmem_shared>>
      %dma_start3A_46 = arith.constant 0 : i32
      %dma_start3A_47 = tpu.memref_slice %arg15[%add3A_18, %dma_start3A_46] : memref<10000x128xf32, #tpu.memory_space<vmem_shared>> -> memref<40x128xf32, #tpu.memory_space<vmem_shared>>
      tpu.enqueue_dma source(%arg9 : memref<40x128xf32, #tpu.memory_space<vmem>>) target(%dma_start3A_47 : memref<40x128xf32, #tpu.memory_space<vmem_shared>>) target_semaphore(%run_scoped3A : memref<!tpu.dma_semaphore, #tpu.memory_space<semaphore_mem>>)
      %dma_wait3A = arith.constant 0 : i32
      %dma_wait3A_48 = tpu.memref_slice %arg15[%add3A_18, %dma_wait3A] : memref<10000x128xf32, #tpu.memory_space<vmem_shared>> -> memref<40x128xf32, #tpu.memory_space<vmem_shared>>
      %dma_wait3A_49 = arith.constant 0 : i32
      %dma_wait3A_50 = tpu.memref_slice %arg15[%add3A_18, %dma_wait3A_49] : memref<10000x128xf32, #tpu.memory_space<vmem_shared>> -> memref<40x128xf32, #tpu.memory_space<vmem_shared>>
      tpu.wait_dma2 semaphore(%run_scoped3A : memref<!tpu.dma_semaphore, #tpu.memory_space<semaphore_mem>>) src(%arg9 : memref<40x128xf32, #tpu.memory_space<vmem>>) dst(%dma_wait3A_50 : memref<40x128xf32, #tpu.memory_space<vmem_shared>>)
      tpu.yield
    }) : () -> ()
    %add3A_19 = arith.constant 200 : i32
    %add3A_20 = arith.addi %mul3A_8, %add3A_19 : i32
    "tpu.region"() ({
      %run_scoped3A = tpu.sem_alloc : memref<!tpu.dma_semaphore, #tpu.memory_space<semaphore_mem>>
      %dma_start3A = arith.constant 0 : i32
      %dma_start3A_45 = tpu.memref_slice %arg15[%add3A_20, %dma_start3A] : memref<10000x128xf32, #tpu.memory_space<vmem_shared>> -> memref<40x128xf32, #tpu.memory_space<vmem_shared>>
      %dma_start3A_46 = arith.constant 0 : i32
      %dma_start3A_47 = tpu.memref_slice %arg15[%add3A_20, %dma_start3A_46] : memref<10000x128xf32, #tpu.memory_space<vmem_shared>> -> memref<40x128xf32, #tpu.memory_space<vmem_shared>>
      tpu.enqueue_dma source(%arg9 : memref<40x128xf32, #tpu.memory_space<vmem>>) target(%dma_start3A_47 : memref<40x128xf32, #tpu.memory_space<vmem_shared>>) target_semaphore(%run_scoped3A : memref<!tpu.dma_semaphore, #tpu.memory_space<semaphore_mem>>)
      %dma_wait3A = arith.constant 0 : i32
      %dma_wait3A_48 = tpu.memref_slice %arg15[%add3A_20, %dma_wait3A] : memref<10000x128xf32, #tpu.memory_space<vmem_shared>> -> memref<40x128xf32, #tpu.memory_space<vmem_shared>>
      %dma_wait3A_49 = arith.constant 0 : i32
      %dma_wait3A_50 = tpu.memref_slice %arg15[%add3A_20, %dma_wait3A_49] : memref<10000x128xf32, #tpu.memory_space<vmem_shared>> -> memref<40x128xf32, #tpu.memory_space<vmem_shared>>
      tpu.wait_dma2 semaphore(%run_scoped3A : memref<!tpu.dma_semaphore, #tpu.memory_space<semaphore_mem>>) src(%arg9 : memref<40x128xf32, #tpu.memory_space<vmem>>) dst(%dma_wait3A_50 : memref<40x128xf32, #tpu.memory_space<vmem_shared>>)
      tpu.yield
    }) : () -> ()
    %add3A_21 = arith.constant 240 : i32
    %add3A_22 = arith.addi %mul3A_8, %add3A_21 : i32
    "tpu.region"() ({
      %run_scoped3A = tpu.sem_alloc : memref<!tpu.dma_semaphore, #tpu.memory_space<semaphore_mem>>
      %dma_start3A = arith.constant 0 : i32
      %dma_start3A_45 = tpu.memref_slice %arg15[%add3A_22, %dma_start3A] : memref<10000x128xf32, #tpu.memory_space<vmem_shared>> -> memref<40x128xf32, #tpu.memory_space<vmem_shared>>
      %dma_start3A_46 = arith.constant 0 : i32
      %dma_start3A_47 = tpu.memref_slice %arg15[%add3A_22, %dma_start3A_46] : memref<10000x128xf32, #tpu.memory_space<vmem_shared>> -> memref<40x128xf32, #tpu.memory_space<vmem_shared>>
      tpu.enqueue_dma source(%arg9 : memref<40x128xf32, #tpu.memory_space<vmem>>) target(%dma_start3A_47 : memref<40x128xf32, #tpu.memory_space<vmem_shared>>) target_semaphore(%run_scoped3A : memref<!tpu.dma_semaphore, #tpu.memory_space<semaphore_mem>>)
      %dma_wait3A = arith.constant 0 : i32
      %dma_wait3A_48 = tpu.memref_slice %arg15[%add3A_22, %dma_wait3A] : memref<10000x128xf32, #tpu.memory_space<vmem_shared>> -> memref<40x128xf32, #tpu.memory_space<vmem_shared>>
      %dma_wait3A_49 = arith.constant 0 : i32
      %dma_wait3A_50 = tpu.memref_slice %arg15[%add3A_22, %dma_wait3A_49] : memref<10000x128xf32, #tpu.memory_space<vmem_shared>> -> memref<40x128xf32, #tpu.memory_space<vmem_shared>>
      tpu.wait_dma2 semaphore(%run_scoped3A : memref<!tpu.dma_semaphore, #tpu.memory_space<semaphore_mem>>) src(%arg9 : memref<40x128xf32, #tpu.memory_space<vmem>>) dst(%dma_wait3A_50 : memref<40x128xf32, #tpu.memory_space<vmem_shared>>)
      tpu.yield
    }) : () -> ()
    %add3A_23 = arith.constant 280 : i32
    %add3A_24 = arith.addi %mul3A_8, %add3A_23 : i32
    "tpu.region"() ({
      %run_scoped3A = tpu.sem_alloc : memref<!tpu.dma_semaphore, #tpu.memory_space<semaphore_mem>>
      %dma_start3A = arith.constant 0 : i32
      %dma_start3A_45 = tpu.memref_slice %arg15[%add3A_24, %dma_start3A] : memref<10000x128xf32, #tpu.memory_space<vmem_shared>> -> memref<40x128xf32, #tpu.memory_space<vmem_shared>>
      %dma_start3A_46 = arith.constant 0 : i32
      %dma_start3A_47 = tpu.memref_slice %arg15[%add3A_24, %dma_start3A_46] : memref<10000x128xf32, #tpu.memory_space<vmem_shared>> -> memref<40x128xf32, #tpu.memory_space<vmem_shared>>
      tpu.enqueue_dma source(%arg9 : memref<40x128xf32, #tpu.memory_space<vmem>>) target(%dma_start3A_47 : memref<40x128xf32, #tpu.memory_space<vmem_shared>>) target_semaphore(%run_scoped3A : memref<!tpu.dma_semaphore, #tpu.memory_space<semaphore_mem>>)
      %dma_wait3A = arith.constant 0 : i32
      %dma_wait3A_48 = tpu.memref_slice %arg15[%add3A_24, %dma_wait3A] : memref<10000x128xf32, #tpu.memory_space<vmem_shared>> -> memref<40x128xf32, #tpu.memory_space<vmem_shared>>
      %dma_wait3A_49 = arith.constant 0 : i32
      %dma_wait3A_50 = tpu.memref_slice %arg15[%add3A_24, %dma_wait3A_49] : memref<10000x128xf32, #tpu.memory_space<vmem_shared>> -> memref<40x128xf32, #tpu.memory_space<vmem_shared>>
      tpu.wait_dma2 semaphore(%run_scoped3A : memref<!tpu.dma_semaphore, #tpu.memory_space<semaphore_mem>>) src(%arg9 : memref<40x128xf32, #tpu.memory_space<vmem>>) dst(%dma_wait3A_50 : memref<40x128xf32, #tpu.memory_space<vmem_shared>>)
      tpu.yield
    }) : () -> ()
    %add3A_25 = arith.constant 320 : i32
    %add3A_26 = arith.addi %mul3A_8, %add3A_25 : i32
    "tpu.region"() ({
      %run_scoped3A = tpu.sem_alloc : memref<!tpu.dma_semaphore, #tpu.memory_space<semaphore_mem>>
      %dma_start3A = arith.constant 0 : i32
      %dma_start3A_45 = tpu.memref_slice %arg15[%add3A_26, %dma_start3A] : memref<10000x128xf32, #tpu.memory_space<vmem_shared>> -> memref<40x128xf32, #tpu.memory_space<vmem_shared>>
      %dma_start3A_46 = arith.constant 0 : i32
      %dma_start3A_47 = tpu.memref_slice %arg15[%add3A_26, %dma_start3A_46] : memref<10000x128xf32, #tpu.memory_space<vmem_shared>> -> memref<40x128xf32, #tpu.memory_space<vmem_shared>>
      tpu.enqueue_dma source(%arg9 : memref<40x128xf32, #tpu.memory_space<vmem>>) target(%dma_start3A_47 : memref<40x128xf32, #tpu.memory_space<vmem_shared>>) target_semaphore(%run_scoped3A : memref<!tpu.dma_semaphore, #tpu.memory_space<semaphore_mem>>)
      %dma_wait3A = arith.constant 0 : i32
      %dma_wait3A_48 = tpu.memref_slice %arg15[%add3A_26, %dma_wait3A] : memref<10000x128xf32, #tpu.memory_space<vmem_shared>> -> memref<40x128xf32, #tpu.memory_space<vmem_shared>>
      %dma_wait3A_49 = arith.constant 0 : i32
      %dma_wait3A_50 = tpu.memref_slice %arg15[%add3A_26, %dma_wait3A_49] : memref<10000x128xf32, #tpu.memory_space<vmem_shared>> -> memref<40x128xf32, #tpu.memory_space<vmem_shared>>
      tpu.wait_dma2 semaphore(%run_scoped3A : memref<!tpu.dma_semaphore, #tpu.memory_space<semaphore_mem>>) src(%arg9 : memref<40x128xf32, #tpu.memory_space<vmem>>) dst(%dma_wait3A_50 : memref<40x128xf32, #tpu.memory_space<vmem_shared>>)
      tpu.yield
    }) : () -> ()
    %add3A_27 = arith.constant 360 : i32
    %add3A_28 = arith.addi %mul3A_8, %add3A_27 : i32
    "tpu.region"() ({
      %run_scoped3A = tpu.sem_alloc : memref<!tpu.dma_semaphore, #tpu.memory_space<semaphore_mem>>
      %dma_start3A = arith.constant 0 : i32
      %dma_start3A_45 = tpu.memref_slice %arg15[%add3A_28, %dma_start3A] : memref<10000x128xf32, #tpu.memory_space<vmem_shared>> -> memref<40x128xf32, #tpu.memory_space<vmem_shared>>
      %dma_start3A_46 = arith.constant 0 : i32
      %dma_start3A_47 = tpu.memref_slice %arg15[%add3A_28, %dma_start3A_46] : memref<10000x128xf32, #tpu.memory_space<vmem_shared>> -> memref<40x128xf32, #tpu.memory_space<vmem_shared>>
      tpu.enqueue_dma source(%arg9 : memref<40x128xf32, #tpu.memory_space<vmem>>) target(%dma_start3A_47 : memref<40x128xf32, #tpu.memory_space<vmem_shared>>) target_semaphore(%run_scoped3A : memref<!tpu.dma_semaphore, #tpu.memory_space<semaphore_mem>>)
      %dma_wait3A = arith.constant 0 : i32
      %dma_wait3A_48 = tpu.memref_slice %arg15[%add3A_28, %dma_wait3A] : memref<10000x128xf32, #tpu.memory_space<vmem_shared>> -> memref<40x128xf32, #tpu.memory_space<vmem_shared>>
      %dma_wait3A_49 = arith.constant 0 : i32
      %dma_wait3A_50 = tpu.memref_slice %arg15[%add3A_28, %dma_wait3A_49] : memref<10000x128xf32, #tpu.memory_space<vmem_shared>> -> memref<40x128xf32, #tpu.memory_space<vmem_shared>>
      tpu.wait_dma2 semaphore(%run_scoped3A : memref<!tpu.dma_semaphore, #tpu.memory_space<semaphore_mem>>) src(%arg9 : memref<40x128xf32, #tpu.memory_space<vmem>>) dst(%dma_wait3A_50 : memref<40x128xf32, #tpu.memory_space<vmem_shared>>)
      tpu.yield
    }) : () -> ()
    %lt3A = arith.constant 15 : i32
    %lt3A_29 = arith.cmpi slt, %arg1, %lt3A : i32
    %convert_element_type3A = arith.extui %lt3A_29 : i1 to i32
    %cond3A = arith.constant 0 : i32
    %cond3A_30 = arith.cmpi ne, %convert_element_type3A, %cond3A : i32
    scf.if %cond3A_30 {
      %add3A_45 = arith.constant 400 : i32
      %add3A_46 = arith.addi %mul3A_8, %add3A_45 : i32
      "tpu.region"() ({
        %run_scoped3A = tpu.sem_alloc : memref<!tpu.dma_semaphore, #tpu.memory_space<semaphore_mem>>
        %dma_start3A = arith.constant 0 : i32
        %dma_start3A_57 = tpu.memref_slice %arg15[%add3A_46, %dma_start3A] : memref<10000x128xf32, #tpu.memory_space<vmem_shared>> -> memref<40x128xf32, #tpu.memory_space<vmem_shared>>
        %dma_start3A_58 = arith.constant 0 : i32
        %dma_start3A_59 = tpu.memref_slice %arg15[%add3A_46, %dma_start3A_58] : memref<10000x128xf32, #tpu.memory_space<vmem_shared>> -> memref<40x128xf32, #tpu.memory_space<vmem_shared>>
        tpu.enqueue_dma source(%arg9 : memref<40x128xf32, #tpu.memory_space<vmem>>) target(%dma_start3A_59 : memref<40x128xf32, #tpu.memory_space<vmem_shared>>) target_semaphore(%run_scoped3A : memref<!tpu.dma_semaphore, #tpu.memory_space<semaphore_mem>>)
        %dma_wait3A = arith.constant 0 : i32
        %dma_wait3A_60 = tpu.memref_slice %arg15[%add3A_46, %dma_wait3A] : memref<10000x128xf32, #tpu.memory_space<vmem_shared>> -> memref<40x128xf32, #tpu.memory_space<vmem_shared>>
        %dma_wait3A_61 = arith.constant 0 : i32
        %dma_wait3A_62 = tpu.memref_slice %arg15[%add3A_46, %dma_wait3A_61] : memref<10000x128xf32, #tpu.memory_space<vmem_shared>> -> memref<40x128xf32, #tpu.memory_space<vmem_shared>>
        tpu.wait_dma2 semaphore(%run_scoped3A : memref<!tpu.dma_semaphore, #tpu.memory_space<semaphore_mem>>) src(%arg9 : memref<40x128xf32, #tpu.memory_space<vmem>>) dst(%dma_wait3A_62 : memref<40x128xf32, #tpu.memory_space<vmem_shared>>)
        tpu.yield
      }) : () -> ()
      %add3A_47 = arith.constant 440 : i32
      %add3A_48 = arith.addi %mul3A_8, %add3A_47 : i32
      "tpu.region"() ({
        %run_scoped3A = tpu.sem_alloc : memref<!tpu.dma_semaphore, #tpu.memory_space<semaphore_mem>>
        %dma_start3A = arith.constant 0 : i32
        %dma_start3A_57 = tpu.memref_slice %arg15[%add3A_48, %dma_start3A] : memref<10000x128xf32, #tpu.memory_space<vmem_shared>> -> memref<40x128xf32, #tpu.memory_space<vmem_shared>>
        %dma_start3A_58 = arith.constant 0 : i32
        %dma_start3A_59 = tpu.memref_slice %arg15[%add3A_48, %dma_start3A_58] : memref<10000x128xf32, #tpu.memory_space<vmem_shared>> -> memref<40x128xf32, #tpu.memory_space<vmem_shared>>
        tpu.enqueue_dma source(%arg9 : memref<40x128xf32, #tpu.memory_space<vmem>>) target(%dma_start3A_59 : memref<40x128xf32, #tpu.memory_space<vmem_shared>>) target_semaphore(%run_scoped3A : memref<!tpu.dma_semaphore, #tpu.memory_space<semaphore_mem>>)
        %dma_wait3A = arith.constant 0 : i32
        %dma_wait3A_60 = tpu.memref_slice %arg15[%add3A_48, %dma_wait3A] : memref<10000x128xf32, #tpu.memory_space<vmem_shared>> -> memref<40x128xf32, #tpu.memory_space<vmem_shared>>
        %dma_wait3A_61 = arith.constant 0 : i32
        %dma_wait3A_62 = tpu.memref_slice %arg15[%add3A_48, %dma_wait3A_61] : memref<10000x128xf32, #tpu.memory_space<vmem_shared>> -> memref<40x128xf32, #tpu.memory_space<vmem_shared>>
        tpu.wait_dma2 semaphore(%run_scoped3A : memref<!tpu.dma_semaphore, #tpu.memory_space<semaphore_mem>>) src(%arg9 : memref<40x128xf32, #tpu.memory_space<vmem>>) dst(%dma_wait3A_62 : memref<40x128xf32, #tpu.memory_space<vmem_shared>>)
        tpu.yield
      }) : () -> ()
      %add3A_49 = arith.constant 480 : i32
      %add3A_50 = arith.addi %mul3A_8, %add3A_49 : i32
      "tpu.region"() ({
        %run_scoped3A = tpu.sem_alloc : memref<!tpu.dma_semaphore, #tpu.memory_space<semaphore_mem>>
        %dma_start3A = arith.constant 0 : i32
        %dma_start3A_57 = tpu.memref_slice %arg15[%add3A_50, %dma_start3A] : memref<10000x128xf32, #tpu.memory_space<vmem_shared>> -> memref<40x128xf32, #tpu.memory_space<vmem_shared>>
        %dma_start3A_58 = arith.constant 0 : i32
        %dma_start3A_59 = tpu.memref_slice %arg15[%add3A_50, %dma_start3A_58] : memref<10000x128xf32, #tpu.memory_space<vmem_shared>> -> memref<40x128xf32, #tpu.memory_space<vmem_shared>>
        tpu.enqueue_dma source(%arg9 : memref<40x128xf32, #tpu.memory_space<vmem>>) target(%dma_start3A_59 : memref<40x128xf32, #tpu.memory_space<vmem_shared>>) target_semaphore(%run_scoped3A : memref<!tpu.dma_semaphore, #tpu.memory_space<semaphore_mem>>)
        %dma_wait3A = arith.constant 0 : i32
        %dma_wait3A_60 = tpu.memref_slice %arg15[%add3A_50, %dma_wait3A] : memref<10000x128xf32, #tpu.memory_space<vmem_shared>> -> memref<40x128xf32, #tpu.memory_space<vmem_shared>>
        %dma_wait3A_61 = arith.constant 0 : i32
        %dma_wait3A_62 = tpu.memref_slice %arg15[%add3A_50, %dma_wait3A_61] : memref<10000x128xf32, #tpu.memory_space<vmem_shared>> -> memref<40x128xf32, #tpu.memory_space<vmem_shared>>
        tpu.wait_dma2 semaphore(%run_scoped3A : memref<!tpu.dma_semaphore, #tpu.memory_space<semaphore_mem>>) src(%arg9 : memref<40x128xf32, #tpu.memory_space<vmem>>) dst(%dma_wait3A_62 : memref<40x128xf32, #tpu.memory_space<vmem_shared>>)
        tpu.yield
      }) : () -> ()
      %add3A_51 = arith.constant 520 : i32
      %add3A_52 = arith.addi %mul3A_8, %add3A_51 : i32
      "tpu.region"() ({
        %run_scoped3A = tpu.sem_alloc : memref<!tpu.dma_semaphore, #tpu.memory_space<semaphore_mem>>
        %dma_start3A = arith.constant 0 : i32
        %dma_start3A_57 = tpu.memref_slice %arg15[%add3A_52, %dma_start3A] : memref<10000x128xf32, #tpu.memory_space<vmem_shared>> -> memref<40x128xf32, #tpu.memory_space<vmem_shared>>
        %dma_start3A_58 = arith.constant 0 : i32
        %dma_start3A_59 = tpu.memref_slice %arg15[%add3A_52, %dma_start3A_58] : memref<10000x128xf32, #tpu.memory_space<vmem_shared>> -> memref<40x128xf32, #tpu.memory_space<vmem_shared>>
        tpu.enqueue_dma source(%arg9 : memref<40x128xf32, #tpu.memory_space<vmem>>) target(%dma_start3A_59 : memref<40x128xf32, #tpu.memory_space<vmem_shared>>) target_semaphore(%run_scoped3A : memref<!tpu.dma_semaphore, #tpu.memory_space<semaphore_mem>>)
        %dma_wait3A = arith.constant 0 : i32
        %dma_wait3A_60 = tpu.memref_slice %arg15[%add3A_52, %dma_wait3A] : memref<10000x128xf32, #tpu.memory_space<vmem_shared>> -> memref<40x128xf32, #tpu.memory_space<vmem_shared>>
        %dma_wait3A_61 = arith.constant 0 : i32
        %dma_wait3A_62 = tpu.memref_slice %arg15[%add3A_52, %dma_wait3A_61] : memref<10000x128xf32, #tpu.memory_space<vmem_shared>> -> memref<40x128xf32, #tpu.memory_space<vmem_shared>>
        tpu.wait_dma2 semaphore(%run_scoped3A : memref<!tpu.dma_semaphore, #tpu.memory_space<semaphore_mem>>) src(%arg9 : memref<40x128xf32, #tpu.memory_space<vmem>>) dst(%dma_wait3A_62 : memref<40x128xf32, #tpu.memory_space<vmem_shared>>)
        tpu.yield
      }) : () -> ()
      %add3A_53 = arith.constant 560 : i32
      %add3A_54 = arith.addi %mul3A_8, %add3A_53 : i32
      "tpu.region"() ({
        %run_scoped3A = tpu.sem_alloc : memref<!tpu.dma_semaphore, #tpu.memory_space<semaphore_mem>>
        %dma_start3A = arith.constant 0 : i32
        %dma_start3A_57 = tpu.memref_slice %arg15[%add3A_54, %dma_start3A] : memref<10000x128xf32, #tpu.memory_space<vmem_shared>> -> memref<40x128xf32, #tpu.memory_space<vmem_shared>>
        %dma_start3A_58 = arith.constant 0 : i32
        %dma_start3A_59 = tpu.memref_slice %arg15[%add3A_54, %dma_start3A_58] : memref<10000x128xf32, #tpu.memory_space<vmem_shared>> -> memref<40x128xf32, #tpu.memory_space<vmem_shared>>
        tpu.enqueue_dma source(%arg9 : memref<40x128xf32, #tpu.memory_space<vmem>>) target(%dma_start3A_59 : memref<40x128xf32, #tpu.memory_space<vmem_shared>>) target_semaphore(%run_scoped3A : memref<!tpu.dma_semaphore, #tpu.memory_space<semaphore_mem>>)
        %dma_wait3A = arith.constant 0 : i32
        %dma_wait3A_60 = tpu.memref_slice %arg15[%add3A_54, %dma_wait3A] : memref<10000x128xf32, #tpu.memory_space<vmem_shared>> -> memref<40x128xf32, #tpu.memory_space<vmem_shared>>
        %dma_wait3A_61 = arith.constant 0 : i32
        %dma_wait3A_62 = tpu.memref_slice %arg15[%add3A_54, %dma_wait3A_61] : memref<10000x128xf32, #tpu.memory_space<vmem_shared>> -> memref<40x128xf32, #tpu.memory_space<vmem_shared>>
        tpu.wait_dma2 semaphore(%run_scoped3A : memref<!tpu.dma_semaphore, #tpu.memory_space<semaphore_mem>>) src(%arg9 : memref<40x128xf32, #tpu.memory_space<vmem>>) dst(%dma_wait3A_62 : memref<40x128xf32, #tpu.memory_space<vmem_shared>>)
        tpu.yield
      }) : () -> ()
      %add3A_55 = arith.constant 600 : i32
      %add3A_56 = arith.addi %mul3A_8, %add3A_55 : i32
      "tpu.region"() ({
        %run_scoped3A = tpu.sem_alloc : memref<!tpu.dma_semaphore, #tpu.memory_space<semaphore_mem>>
        %dma_start3A = arith.constant 0 : i32
        %dma_start3A_57 = tpu.memref_slice %arg15[%add3A_56, %dma_start3A] : memref<10000x128xf32, #tpu.memory_space<vmem_shared>> -> memref<40x128xf32, #tpu.memory_space<vmem_shared>>
        %dma_start3A_58 = arith.constant 0 : i32
        %dma_start3A_59 = tpu.memref_slice %arg15[%add3A_56, %dma_start3A_58] : memref<10000x128xf32, #tpu.memory_space<vmem_shared>> -> memref<40x128xf32, #tpu.memory_space<vmem_shared>>
        tpu.enqueue_dma source(%arg9 : memref<40x128xf32, #tpu.memory_space<vmem>>) target(%dma_start3A_59 : memref<40x128xf32, #tpu.memory_space<vmem_shared>>) target_semaphore(%run_scoped3A : memref<!tpu.dma_semaphore, #tpu.memory_space<semaphore_mem>>)
        %dma_wait3A = arith.constant 0 : i32
        %dma_wait3A_60 = tpu.memref_slice %arg15[%add3A_56, %dma_wait3A] : memref<10000x128xf32, #tpu.memory_space<vmem_shared>> -> memref<40x128xf32, #tpu.memory_space<vmem_shared>>
        %dma_wait3A_61 = arith.constant 0 : i32
        %dma_wait3A_62 = tpu.memref_slice %arg15[%add3A_56, %dma_wait3A_61] : memref<10000x128xf32, #tpu.memory_space<vmem_shared>> -> memref<40x128xf32, #tpu.memory_space<vmem_shared>>
        tpu.wait_dma2 semaphore(%run_scoped3A : memref<!tpu.dma_semaphore, #tpu.memory_space<semaphore_mem>>) src(%arg9 : memref<40x128xf32, #tpu.memory_space<vmem>>) dst(%dma_wait3A_62 : memref<40x128xf32, #tpu.memory_space<vmem_shared>>)
        tpu.yield
      }) : () -> ()
    } else {
    }
    %barrier3A = arith.constant 0 : index
    tpu.barrier barrier_id(%barrier3A)
    %mul3A_31 = arith.constant 5000 : i32
    %mul3A_32 = arith.muli %add3A, %mul3A_31 : i32
    %scan3A_33 = arith.constant 0 : i32
    %scan3A_34 = arith.constant 0 : i32
    %scan3A_35 = arith.constant 5 : i32
    %scan3A_36 = arith.addi %scan3A_34, %scan3A_35 : i32
    %scan3A_37 = arith.constant 1 : i32
    scf.for %scan3A_45 = %scan3A_34 to %scan3A_36 step %scan3A_37  : i32 {
      %mul3A_46 = arith.constant 25 : i32
      %mul3A_47 = arith.muli %scan3A_45, %mul3A_46 : i32
      "tpu.region"() ({
        %run_scoped3A = tpu.sem_alloc : memref<!tpu.dma_semaphore, #tpu.memory_space<semaphore_mem>>
        %dma_start3A_118 = arith.constant 0 : i32
        %dma_start3A_119 = arith.constant 0 : i32
        %dma_start3A_120 = tpu.memref_slice %arg4[%add3A, %scan3A_45, %dma_start3A_118, %dma_start3A_119] : memref<32x5x25x40xi32, #tpu.memory_space<hbm>> -> memref<1x1x25x40xi32, #tpu.memory_space<hbm>>
        %dma_start3A_121 = tpu.memref_squeeze %dma_start3A_120 : memref<1x1x25x40xi32, #tpu.memory_space<hbm>> -> memref<25x40xi32, #tpu.memory_space<hbm>>
        %dma_start3A_122 = arith.constant 0 : i32
        %dma_start3A_123 = arith.constant 0 : i32
        %dma_start3A_124 = tpu.memref_slice %arg4[%add3A, %scan3A_45, %dma_start3A_122, %dma_start3A_123] : memref<32x5x25x40xi32, #tpu.memory_space<hbm>> -> memref<1x1x25x40xi32, #tpu.memory_space<hbm>>
        %dma_start3A_125 = tpu.memref_squeeze %dma_start3A_124 : memref<1x1x25x40xi32, #tpu.memory_space<hbm>> -> memref<25x40xi32, #tpu.memory_space<hbm>>
        tpu.enqueue_dma source(%dma_start3A_125 : memref<25x40xi32, #tpu.memory_space<hbm>>) target(%arg7 : memref<25x40xi32, #tpu.memory_space<vmem>>) target_semaphore(%run_scoped3A : memref<!tpu.dma_semaphore, #tpu.memory_space<semaphore_mem>>)
        %dma_wait3A_126 = arith.constant 0 : i32
        %dma_wait3A_127 = arith.constant 0 : i32
        %dma_wait3A_128 = tpu.memref_slice %arg4[%add3A, %scan3A_45, %dma_wait3A_126, %dma_wait3A_127] : memref<32x5x25x40xi32, #tpu.memory_space<hbm>> -> memref<1x1x25x40xi32, #tpu.memory_space<hbm>>
        %dma_wait3A_129 = tpu.memref_squeeze %dma_wait3A_128 : memref<1x1x25x40xi32, #tpu.memory_space<hbm>> -> memref<25x40xi32, #tpu.memory_space<hbm>>
        %dma_wait3A_130 = arith.constant 0 : i32
        %dma_wait3A_131 = arith.constant 0 : i32
        %dma_wait3A_132 = tpu.memref_slice %arg4[%add3A, %scan3A_45, %dma_wait3A_130, %dma_wait3A_131] : memref<32x5x25x40xi32, #tpu.memory_space<hbm>> -> memref<1x1x25x40xi32, #tpu.memory_space<hbm>>
        %dma_wait3A_133 = tpu.memref_squeeze %dma_wait3A_132 : memref<1x1x25x40xi32, #tpu.memory_space<hbm>> -> memref<25x40xi32, #tpu.memory_space<hbm>>
        tpu.wait_dma2 semaphore(%run_scoped3A : memref<!tpu.dma_semaphore, #tpu.memory_space<semaphore_mem>>) src(%dma_wait3A_133 : memref<25x40xi32, #tpu.memory_space<hbm>>) dst(%arg7 : memref<25x40xi32, #tpu.memory_space<vmem>>)
        tpu.yield
      }) : () -> ()
      "tpu.region"() ({
        %run_scoped3A = tpu.sem_alloc : memref<!tpu.dma_semaphore, #tpu.memory_space<semaphore_mem>>
        %dma_start3A_118 = arith.constant 0 : i32
        %dma_start3A_119 = arith.constant 0 : i32
        %dma_start3A_120 = tpu.memref_slice %arg5[%add3A, %scan3A_45, %dma_start3A_118, %dma_start3A_119] : memref<32x5x25x40xi32, #tpu.memory_space<hbm>> -> memref<1x1x25x40xi32, #tpu.memory_space<hbm>>
        %dma_start3A_121 = tpu.memref_squeeze %dma_start3A_120 : memref<1x1x25x40xi32, #tpu.memory_space<hbm>> -> memref<25x40xi32, #tpu.memory_space<hbm>>
        %dma_start3A_122 = arith.constant 0 : i32
        %dma_start3A_123 = arith.constant 0 : i32
        %dma_start3A_124 = tpu.memref_slice %arg5[%add3A, %scan3A_45, %dma_start3A_122, %dma_start3A_123] : memref<32x5x25x40xi32, #tpu.memory_space<hbm>> -> memref<1x1x25x40xi32, #tpu.memory_space<hbm>>
        %dma_start3A_125 = tpu.memref_squeeze %dma_start3A_124 : memref<1x1x25x40xi32, #tpu.memory_space<hbm>> -> memref<25x40xi32, #tpu.memory_space<hbm>>
        tpu.enqueue_dma source(%dma_start3A_125 : memref<25x40xi32, #tpu.memory_space<hbm>>) target(%arg8 : memref<25x40xi32, #tpu.memory_space<vmem>>) target_semaphore(%run_scoped3A : memref<!tpu.dma_semaphore, #tpu.memory_space<semaphore_mem>>)
        %dma_wait3A_126 = arith.constant 0 : i32
        %dma_wait3A_127 = arith.constant 0 : i32
        %dma_wait3A_128 = tpu.memref_slice %arg5[%add3A, %scan3A_45, %dma_wait3A_126, %dma_wait3A_127] : memref<32x5x25x40xi32, #tpu.memory_space<hbm>> -> memref<1x1x25x40xi32, #tpu.memory_space<hbm>>
        %dma_wait3A_129 = tpu.memref_squeeze %dma_wait3A_128 : memref<1x1x25x40xi32, #tpu.memory_space<hbm>> -> memref<25x40xi32, #tpu.memory_space<hbm>>
        %dma_wait3A_130 = arith.constant 0 : i32
        %dma_wait3A_131 = arith.constant 0 : i32
        %dma_wait3A_132 = tpu.memref_slice %arg5[%add3A, %scan3A_45, %dma_wait3A_130, %dma_wait3A_131] : memref<32x5x25x40xi32, #tpu.memory_space<hbm>> -> memref<1x1x25x40xi32, #tpu.memory_space<hbm>>
        %dma_wait3A_133 = tpu.memref_squeeze %dma_wait3A_132 : memref<1x1x25x40xi32, #tpu.memory_space<hbm>> -> memref<25x40xi32, #tpu.memory_space<hbm>>
        tpu.wait_dma2 semaphore(%run_scoped3A : memref<!tpu.dma_semaphore, #tpu.memory_space<semaphore_mem>>) src(%dma_wait3A_133 : memref<25x40xi32, #tpu.memory_space<hbm>>) dst(%arg8 : memref<25x40xi32, #tpu.memory_space<vmem>>)
        tpu.yield
      }) : () -> ()
      %add3A_48 = arith.constant 0 : i32
      %add3A_49 = arith.addi %mul3A_47, %add3A_48 : i32
      %mul3A_50 = arith.constant 40 : i32
      %mul3A_51 = arith.muli %add3A_49, %mul3A_50 : i32
      %add3A_52 = arith.addi %mul3A_32, %mul3A_51 : i32
      %dma_start3A = arith.constant 0 : i32
      %dma_start3A_53 = tpu.memref_slice %arg3[%add3A_52, %dma_start3A] : memref<160000x128xf32, #tpu.memory_space<hbm>> -> memref<40x128xf32, #tpu.memory_space<hbm>>
      %dma_start3A_54 = arith.constant 0 : i32
      %dma_start3A_55 = tpu.memref_slice %arg3[%add3A_52, %dma_start3A_54] : memref<160000x128xf32, #tpu.memory_space<hbm>> -> memref<40x128xf32, #tpu.memory_space<hbm>>
      tpu.enqueue_dma source(%dma_start3A_55 : memref<40x128xf32, #tpu.memory_space<hbm>>) target(%arg11 : memref<40x128xf32, #tpu.memory_space<vmem>>) target_semaphore(%arg18 : memref<!tpu.dma_semaphore, #tpu.memory_space<semaphore_mem>>)
      %dma_start3A_56 = arith.constant 0 : i32
      %dma_start3A_57 = arith.constant 0 : i32
      %dma_start3A_58 = tpu.memref_slice %arg7[%dma_start3A_56, %dma_start3A_57] : memref<25x40xi32, #tpu.memory_space<vmem>> -> memref<1x40xi32, #tpu.memory_space<vmem>>
      %dma_start3A_59 = tpu.memref_squeeze %dma_start3A_58 : memref<1x40xi32, #tpu.memory_space<vmem>> -> memref<40xi32, #tpu.memory_space<vmem>>
      %dma_start3A_60 = arith.constant 0 : i32
      %dma_start3A_61 = arith.constant 0 : i32
      %dma_start3A_62 = tpu.memref_slice %arg2[%dma_start3A_60, %dma_start3A_61] : memref<10000x128xf32, #tpu.memory_space<hbm>> -> memref<10000x128xf32, #tpu.memory_space<hbm>>
      tpu.enqueue_indirect_dma source(%dma_start3A_62 : memref<10000x128xf32, #tpu.memory_space<hbm>>) target(%arg9 : memref<40x128xf32, #tpu.memory_space<vmem>>) offsets(%dma_start3A_59 : memref<40xi32, #tpu.memory_space<vmem>>) semaphore(%arg16 : memref<!tpu.dma_semaphore, #tpu.memory_space<semaphore_mem>>)
      %scan3A_63 = arith.constant 0 : i32
      %scan3A_64 = arith.constant 0 : i32
      %scan3A_65 = arith.constant 12 : i32
      %scan3A_66 = arith.addi %scan3A_64, %scan3A_65 : i32
      %scan3A_67 = arith.constant 1 : i32
      scf.for %scan3A_118 = %scan3A_64 to %scan3A_66 step %scan3A_67  : i32 {
        %mul3A_119 = arith.constant 2 : i32
        %mul3A_120 = arith.muli %mul3A_119, %scan3A_118 : i32
        %mul3A_121 = arith.constant 2 : i32
        %mul3A_122 = arith.muli %mul3A_121, %scan3A_118 : i32
        %add3A_123 = arith.constant 1 : i32
        %add3A_124 = arith.addi %mul3A_122, %add3A_123 : i32
        %add3A_125 = arith.addi %mul3A_47, %add3A_124 : i32
        %mul3A_126 = arith.constant 40 : i32
        %mul3A_127 = arith.muli %add3A_125, %mul3A_126 : i32
        %add3A_128 = arith.addi %mul3A_32, %mul3A_127 : i32
        %dma_start3A_129 = arith.constant 0 : i32
        %dma_start3A_130 = tpu.memref_slice %arg3[%add3A_128, %dma_start3A_129] : memref<160000x128xf32, #tpu.memory_space<hbm>> -> memref<40x128xf32, #tpu.memory_space<hbm>>
        %dma_start3A_131 = arith.constant 0 : i32
        %dma_start3A_132 = tpu.memref_slice %arg3[%add3A_128, %dma_start3A_131] : memref<160000x128xf32, #tpu.memory_space<hbm>> -> memref<40x128xf32, #tpu.memory_space<hbm>>
        tpu.enqueue_dma source(%dma_start3A_132 : memref<40x128xf32, #tpu.memory_space<hbm>>) target(%arg12 : memref<40x128xf32, #tpu.memory_space<vmem>>) target_semaphore(%arg19 : memref<!tpu.dma_semaphore, #tpu.memory_space<semaphore_mem>>)
        %dma_start3A_133 = arith.constant 0 : i32
        %dma_start3A_134 = tpu.memref_slice %arg7[%add3A_124, %dma_start3A_133] : memref<25x40xi32, #tpu.memory_space<vmem>> -> memref<1x40xi32, #tpu.memory_space<vmem>>
        %dma_start3A_135 = tpu.memref_squeeze %dma_start3A_134 : memref<1x40xi32, #tpu.memory_space<vmem>> -> memref<40xi32, #tpu.memory_space<vmem>>
        %dma_start3A_136 = arith.constant 0 : i32
        %dma_start3A_137 = arith.constant 0 : i32
        %dma_start3A_138 = tpu.memref_slice %arg2[%dma_start3A_136, %dma_start3A_137] : memref<10000x128xf32, #tpu.memory_space<hbm>> -> memref<10000x128xf32, #tpu.memory_space<hbm>>
        tpu.enqueue_indirect_dma source(%dma_start3A_138 : memref<10000x128xf32, #tpu.memory_space<hbm>>) target(%arg10 : memref<40x128xf32, #tpu.memory_space<vmem>>) offsets(%dma_start3A_135 : memref<40xi32, #tpu.memory_space<vmem>>) semaphore(%arg17 : memref<!tpu.dma_semaphore, #tpu.memory_space<semaphore_mem>>)
        %add3A_139 = arith.addi %mul3A_47, %mul3A_120 : i32
        %mul3A_140 = arith.constant 40 : i32
        %mul3A_141 = arith.muli %add3A_139, %mul3A_140 : i32
        %add3A_142 = arith.addi %mul3A_32, %mul3A_141 : i32
        %dma_wait3A_143 = arith.constant 0 : i32
        %dma_wait3A_144 = tpu.memref_slice %arg3[%add3A_142, %dma_wait3A_143] : memref<160000x128xf32, #tpu.memory_space<hbm>> -> memref<40x128xf32, #tpu.memory_space<hbm>>
        %dma_wait3A_145 = arith.constant 0 : i32
        %dma_wait3A_146 = tpu.memref_slice %arg3[%add3A_142, %dma_wait3A_145] : memref<160000x128xf32, #tpu.memory_space<hbm>> -> memref<40x128xf32, #tpu.memory_space<hbm>>
        tpu.wait_dma2 semaphore(%arg18 : memref<!tpu.dma_semaphore, #tpu.memory_space<semaphore_mem>>) src(%dma_wait3A_146 : memref<40x128xf32, #tpu.memory_space<hbm>>) dst(%arg11 : memref<40x128xf32, #tpu.memory_space<vmem>>)
        %dma_wait3A_147 = arith.constant 0 : i32
        %dma_wait3A_148 = tpu.memref_slice %arg7[%mul3A_120, %dma_wait3A_147] : memref<25x40xi32, #tpu.memory_space<vmem>> -> memref<1x40xi32, #tpu.memory_space<vmem>>
        %dma_wait3A_149 = tpu.memref_squeeze %dma_wait3A_148 : memref<1x40xi32, #tpu.memory_space<vmem>> -> memref<40xi32, #tpu.memory_space<vmem>>
        %dma_wait3A_150 = arith.constant 0 : i32
        %dma_wait3A_151 = arith.constant 0 : i32
        %dma_wait3A_152 = tpu.memref_slice %arg2[%dma_wait3A_150, %dma_wait3A_151] : memref<10000x128xf32, #tpu.memory_space<hbm>> -> memref<10000x128xf32, #tpu.memory_space<hbm>>
        tpu.wait_indirect_dma semaphore(%arg16 : memref<!tpu.dma_semaphore, #tpu.memory_space<semaphore_mem>>) src(%dma_wait3A_152 : memref<10000x128xf32, #tpu.memory_space<hbm>>) dst(%arg9 : memref<40x128xf32, #tpu.memory_space<vmem>>)
        %gt3A = arith.constant 0 : i32
        %gt3A_153 = arith.cmpi sgt, %scan3A_118, %gt3A : i32
        %convert_element_type3A_154 = arith.extui %gt3A_153 : i1 to i32
        %cond3A_155 = arith.constant 0 : i32
        %cond3A_156 = arith.cmpi ne, %convert_element_type3A_154, %cond3A_155 : i32
        scf.if %cond3A_156 {
          %sub3A = arith.constant 2 : i32
          %sub3A_216 = arith.subi %mul3A_120, %sub3A : i32
          %dma_wait3A_217 = arith.constant 0 : i32
          %dma_wait3A_218 = tpu.memref_slice %arg8[%sub3A_216, %dma_wait3A_217] : memref<25x40xi32, #tpu.memory_space<vmem>> -> memref<1x40xi32, #tpu.memory_space<vmem>>
          %dma_wait3A_219 = tpu.memref_squeeze %dma_wait3A_218 : memref<1x40xi32, #tpu.memory_space<vmem>> -> memref<40xi32, #tpu.memory_space<vmem>>
          %dma_wait3A_220 = arith.constant 0 : i32
          %dma_wait3A_221 = arith.constant 0 : i32
          %dma_wait3A_222 = tpu.memref_slice %arg15[%dma_wait3A_220, %dma_wait3A_221] : memref<10000x128xf32, #tpu.memory_space<vmem_shared>> -> memref<10000x128xf32, #tpu.memory_space<vmem_shared>>
          tpu.wait_indirect_dma semaphore(%arg20 : memref<!tpu.dma_semaphore, #tpu.memory_space<semaphore_mem>>) src(%arg13 : memref<40x128xf32, #tpu.memory_space<vmem>>) dst(%dma_wait3A_222 : memref<10000x128xf32, #tpu.memory_space<vmem_shared>>)
        } else {
        }
        %scan3A_157 = arith.constant 0 : i32
        %scan3A_158 = arith.constant 0 : i32
        %scan3A_159 = arith.constant 40 : i32
        %scan3A_160 = arith.addi %scan3A_158, %scan3A_159 : i32
        %scan3A_161 = arith.constant 1 : i32
        scf.for %scan3A_216 = %scan3A_158 to %scan3A_160 step %scan3A_161  : i32 {
          %get3A = arith.index_cast %scan3A_216 : i32 to index
          %get3A_217 = arith.constant 0 : index
          %get3A_218 = tpu.vector_load %arg9[%get3A, %get3A_217] {strides = array<i32>} : memref<40x128xf32, #tpu.memory_space<vmem>>, vector<1x16xf32>,
          %get3A_219 = vector.shape_cast %get3A_218 : vector<1x16xf32> to vector<16xf32>
          %get3A_220 = arith.index_cast %scan3A_216 : i32 to index
          %get3A_221 = arith.constant 0 : index
          %get3A_222 = tpu.vector_load %arg11[%get3A_220, %get3A_221] {strides = array<i32>} : memref<40x128xf32, #tpu.memory_space<vmem>>, vector<1x16xf32>,
          %get3A_223 = vector.shape_cast %get3A_222 : vector<1x16xf32> to vector<16xf32>
          %mul3A_224 = arith.mulf %get3A_219, %get3A_223 : vector<16xf32>
          %swap3A = arith.index_cast %scan3A_216 : i32 to index
          %swap3A_225 = arith.constant 0 : index
          %swap3A_226 = tpu.vector_load %arg13[%swap3A, %swap3A_225] {strides = array<i32>} : memref<40x128xf32, #tpu.memory_space<vmem>>, vector<1x16xf32>,
          %swap3A_227 = vector.shape_cast %swap3A_226 : vector<1x16xf32> to vector<16xf32>
          %swap3A_228 = vector.shape_cast %mul3A_224 : vector<16xf32> to vector<1x16xf32>
          tpu.vector_store %arg13[%swap3A, %swap3A_225], %swap3A_228 {strides = array<i32>} : memref<40x128xf32, #tpu.memory_space<vmem>>, vector<1x16xf32>,
          %get3A_229 = arith.index_cast %scan3A_216 : i32 to index
          %get3A_230 = arith.constant 16 : index
          %get3A_231 = tpu.vector_load %arg9[%get3A_229, %get3A_230] {strides = array<i32>} : memref<40x128xf32, #tpu.memory_space<vmem>>, vector<1x16xf32>,
          %get3A_232 = vector.shape_cast %get3A_231 : vector<1x16xf32> to vector<16xf32>
          %get3A_233 = arith.index_cast %scan3A_216 : i32 to index
          %get3A_234 = arith.constant 16 : index
          %get3A_235 = tpu.vector_load %arg11[%get3A_233, %get3A_234] {strides = array<i32>} : memref<40x128xf32, #tpu.memory_space<vmem>>, vector<1x16xf32>,
          %get3A_236 = vector.shape_cast %get3A_235 : vector<1x16xf32> to vector<16xf32>
          %mul3A_237 = arith.mulf %get3A_232, %get3A_236 : vector<16xf32>
          %swap3A_238 = arith.index_cast %scan3A_216 : i32 to index
          %swap3A_239 = arith.constant 16 : index
          %swap3A_240 = tpu.vector_load %arg13[%swap3A_238, %swap3A_239] {strides = array<i32>} : memref<40x128xf32, #tpu.memory_space<vmem>>, vector<1x16xf32>,
          %swap3A_241 = vector.shape_cast %swap3A_240 : vector<1x16xf32> to vector<16xf32>
          %swap3A_242 = vector.shape_cast %mul3A_237 : vector<16xf32> to vector<1x16xf32>
          tpu.vector_store %arg13[%swap3A_238, %swap3A_239], %swap3A_242 {strides = array<i32>} : memref<40x128xf32, #tpu.memory_space<vmem>>, vector<1x16xf32>,
          %get3A_243 = arith.index_cast %scan3A_216 : i32 to index
          %get3A_244 = arith.constant 32 : index
          %get3A_245 = tpu.vector_load %arg9[%get3A_243, %get3A_244] {strides = array<i32>} : memref<40x128xf32, #tpu.memory_space<vmem>>, vector<1x16xf32>,
          %get3A_246 = vector.shape_cast %get3A_245 : vector<1x16xf32> to vector<16xf32>
          %get3A_247 = arith.index_cast %scan3A_216 : i32 to index
          %get3A_248 = arith.constant 32 : index
          %get3A_249 = tpu.vector_load %arg11[%get3A_247, %get3A_248] {strides = array<i32>} : memref<40x128xf32, #tpu.memory_space<vmem>>, vector<1x16xf32>,
          %get3A_250 = vector.shape_cast %get3A_249 : vector<1x16xf32> to vector<16xf32>
          %mul3A_251 = arith.mulf %get3A_246, %get3A_250 : vector<16xf32>
          %swap3A_252 = arith.index_cast %scan3A_216 : i32 to index
          %swap3A_253 = arith.constant 32 : index
          %swap3A_254 = tpu.vector_load %arg13[%swap3A_252, %swap3A_253] {strides = array<i32>} : memref<40x128xf32, #tpu.memory_space<vmem>>, vector<1x16xf32>,
          %swap3A_255 = vector.shape_cast %swap3A_254 : vector<1x16xf32> to vector<16xf32>
          %swap3A_256 = vector.shape_cast %mul3A_251 : vector<16xf32> to vector<1x16xf32>
          tpu.vector_store %arg13[%swap3A_252, %swap3A_253], %swap3A_256 {strides = array<i32>} : memref<40x128xf32, #tpu.memory_space<vmem>>, vector<1x16xf32>,
          %get3A_257 = arith.index_cast %scan3A_216 : i32 to index
          %get3A_258 = arith.constant 48 : index
          %get3A_259 = tpu.vector_load %arg9[%get3A_257, %get3A_258] {strides = array<i32>} : memref<40x128xf32, #tpu.memory_space<vmem>>, vector<1x16xf32>,
          %get3A_260 = vector.shape_cast %get3A_259 : vector<1x16xf32> to vector<16xf32>
          %get3A_261 = arith.index_cast %scan3A_216 : i32 to index
          %get3A_262 = arith.constant 48 : index
          %get3A_263 = tpu.vector_load %arg11[%get3A_261, %get3A_262] {strides = array<i32>} : memref<40x128xf32, #tpu.memory_space<vmem>>, vector<1x16xf32>,
          %get3A_264 = vector.shape_cast %get3A_263 : vector<1x16xf32> to vector<16xf32>
          %mul3A_265 = arith.mulf %get3A_260, %get3A_264 : vector<16xf32>
          %swap3A_266 = arith.index_cast %scan3A_216 : i32 to index
          %swap3A_267 = arith.constant 48 : index
          %swap3A_268 = tpu.vector_load %arg13[%swap3A_266, %swap3A_267] {strides = array<i32>} : memref<40x128xf32, #tpu.memory_space<vmem>>, vector<1x16xf32>,
          %swap3A_269 = vector.shape_cast %swap3A_268 : vector<1x16xf32> to vector<16xf32>
          %swap3A_270 = vector.shape_cast %mul3A_265 : vector<16xf32> to vector<1x16xf32>
          tpu.vector_store %arg13[%swap3A_266, %swap3A_267], %swap3A_270 {strides = array<i32>} : memref<40x128xf32, #tpu.memory_space<vmem>>, vector<1x16xf32>,
          %get3A_271 = arith.index_cast %scan3A_216 : i32 to index
          %get3A_272 = arith.constant 64 : index
          %get3A_273 = tpu.vector_load %arg9[%get3A_271, %get3A_272] {strides = array<i32>} : memref<40x128xf32, #tpu.memory_space<vmem>>, vector<1x16xf32>,
          %get3A_274 = vector.shape_cast %get3A_273 : vector<1x16xf32> to vector<16xf32>
          %get3A_275 = arith.index_cast %scan3A_216 : i32 to index
          %get3A_276 = arith.constant 64 : index
          %get3A_277 = tpu.vector_load %arg11[%get3A_275, %get3A_276] {strides = array<i32>} : memref<40x128xf32, #tpu.memory_space<vmem>>, vector<1x16xf32>,
          %get3A_278 = vector.shape_cast %get3A_277 : vector<1x16xf32> to vector<16xf32>
          %mul3A_279 = arith.mulf %get3A_274, %get3A_278 : vector<16xf32>
          %swap3A_280 = arith.index_cast %scan3A_216 : i32 to index
          %swap3A_281 = arith.constant 64 : index
          %swap3A_282 = tpu.vector_load %arg13[%swap3A_280, %swap3A_281] {strides = array<i32>} : memref<40x128xf32, #tpu.memory_space<vmem>>, vector<1x16xf32>,
          %swap3A_283 = vector.shape_cast %swap3A_282 : vector<1x16xf32> to vector<16xf32>
          %swap3A_284 = vector.shape_cast %mul3A_279 : vector<16xf32> to vector<1x16xf32>
          tpu.vector_store %arg13[%swap3A_280, %swap3A_281], %swap3A_284 {strides = array<i32>} : memref<40x128xf32, #tpu.memory_space<vmem>>, vector<1x16xf32>,
          %get3A_285 = arith.index_cast %scan3A_216 : i32 to index
          %get3A_286 = arith.constant 80 : index
          %get3A_287 = tpu.vector_load %arg9[%get3A_285, %get3A_286] {strides = array<i32>} : memref<40x128xf32, #tpu.memory_space<vmem>>, vector<1x16xf32>,
          %get3A_288 = vector.shape_cast %get3A_287 : vector<1x16xf32> to vector<16xf32>
          %get3A_289 = arith.index_cast %scan3A_216 : i32 to index
          %get3A_290 = arith.constant 80 : index
          %get3A_291 = tpu.vector_load %arg11[%get3A_289, %get3A_290] {strides = array<i32>} : memref<40x128xf32, #tpu.memory_space<vmem>>, vector<1x16xf32>,
          %get3A_292 = vector.shape_cast %get3A_291 : vector<1x16xf32> to vector<16xf32>
          %mul3A_293 = arith.mulf %get3A_288, %get3A_292 : vector<16xf32>
          %swap3A_294 = arith.index_cast %scan3A_216 : i32 to index
          %swap3A_295 = arith.constant 80 : index
          %swap3A_296 = tpu.vector_load %arg13[%swap3A_294, %swap3A_295] {strides = array<i32>} : memref<40x128xf32, #tpu.memory_space<vmem>>, vector<1x16xf32>,
          %swap3A_297 = vector.shape_cast %swap3A_296 : vector<1x16xf32> to vector<16xf32>
          %swap3A_298 = vector.shape_cast %mul3A_293 : vector<16xf32> to vector<1x16xf32>
          tpu.vector_store %arg13[%swap3A_294, %swap3A_295], %swap3A_298 {strides = array<i32>} : memref<40x128xf32, #tpu.memory_space<vmem>>, vector<1x16xf32>,
          %get3A_299 = arith.index_cast %scan3A_216 : i32 to index
          %get3A_300 = arith.constant 96 : index
          %get3A_301 = tpu.vector_load %arg9[%get3A_299, %get3A_300] {strides = array<i32>} : memref<40x128xf32, #tpu.memory_space<vmem>>, vector<1x16xf32>,
          %get3A_302 = vector.shape_cast %get3A_301 : vector<1x16xf32> to vector<16xf32>
          %get3A_303 = arith.index_cast %scan3A_216 : i32 to index
          %get3A_304 = arith.constant 96 : index
          %get3A_305 = tpu.vector_load %arg11[%get3A_303, %get3A_304] {strides = array<i32>} : memref<40x128xf32, #tpu.memory_space<vmem>>, vector<1x16xf32>,
          %get3A_306 = vector.shape_cast %get3A_305 : vector<1x16xf32> to vector<16xf32>
          %mul3A_307 = arith.mulf %get3A_302, %get3A_306 : vector<16xf32>
          %swap3A_308 = arith.index_cast %scan3A_216 : i32 to index
          %swap3A_309 = arith.constant 96 : index
          %swap3A_310 = tpu.vector_load %arg13[%swap3A_308, %swap3A_309] {strides = array<i32>} : memref<40x128xf32, #tpu.memory_space<vmem>>, vector<1x16xf32>,
          %swap3A_311 = vector.shape_cast %swap3A_310 : vector<1x16xf32> to vector<16xf32>
          %swap3A_312 = vector.shape_cast %mul3A_307 : vector<16xf32> to vector<1x16xf32>
          tpu.vector_store %arg13[%swap3A_308, %swap3A_309], %swap3A_312 {strides = array<i32>} : memref<40x128xf32, #tpu.memory_space<vmem>>, vector<1x16xf32>,
          %get3A_313 = arith.index_cast %scan3A_216 : i32 to index
          %get3A_314 = arith.constant 112 : index
          %get3A_315 = tpu.vector_load %arg9[%get3A_313, %get3A_314] {strides = array<i32>} : memref<40x128xf32, #tpu.memory_space<vmem>>, vector<1x16xf32>,
          %get3A_316 = vector.shape_cast %get3A_315 : vector<1x16xf32> to vector<16xf32>
          %get3A_317 = arith.index_cast %scan3A_216 : i32 to index
          %get3A_318 = arith.constant 112 : index
          %get3A_319 = tpu.vector_load %arg11[%get3A_317, %get3A_318] {strides = array<i32>} : memref<40x128xf32, #tpu.memory_space<vmem>>, vector<1x16xf32>,
          %get3A_320 = vector.shape_cast %get3A_319 : vector<1x16xf32> to vector<16xf32>
          %mul3A_321 = arith.mulf %get3A_316, %get3A_320 : vector<16xf32>
          %swap3A_322 = arith.index_cast %scan3A_216 : i32 to index
          %swap3A_323 = arith.constant 112 : index
          %swap3A_324 = tpu.vector_load %arg13[%swap3A_322, %swap3A_323] {strides = array<i32>} : memref<40x128xf32, #tpu.memory_space<vmem>>, vector<1x16xf32>,
          %swap3A_325 = vector.shape_cast %swap3A_324 : vector<1x16xf32> to vector<16xf32>
          %swap3A_326 = vector.shape_cast %mul3A_321 : vector<16xf32> to vector<1x16xf32>
          tpu.vector_store %arg13[%swap3A_322, %swap3A_323], %swap3A_326 {strides = array<i32>} : memref<40x128xf32, #tpu.memory_space<vmem>>, vector<1x16xf32>,
        }
        %scan3A_162 = arith.constant 40 : i32
        %dma_start3A_163 = arith.constant 0 : i32
        %dma_start3A_164 = tpu.memref_slice %arg8[%mul3A_120, %dma_start3A_163] : memref<25x40xi32, #tpu.memory_space<vmem>> -> memref<1x40xi32, #tpu.memory_space<vmem>>
        %dma_start3A_165 = tpu.memref_squeeze %dma_start3A_164 : memref<1x40xi32, #tpu.memory_space<vmem>> -> memref<40xi32, #tpu.memory_space<vmem>>
        %dma_start3A_166 = arith.constant 0 : i32
        %dma_start3A_167 = arith.constant 0 : i32
        %dma_start3A_168 = tpu.memref_slice %arg15[%dma_start3A_166, %dma_start3A_167] : memref<10000x128xf32, #tpu.memory_space<vmem_shared>> -> memref<10000x128xf32, #tpu.memory_space<vmem_shared>>
        tpu.enqueue_indirect_dma source(%arg13 : memref<40x128xf32, #tpu.memory_space<vmem>>) target(%dma_start3A_168 : memref<10000x128xf32, #tpu.memory_space<vmem_shared>>) offsets(%dma_start3A_165 : memref<40xi32, #tpu.memory_space<vmem>>) semaphore(%arg20 : memref<!tpu.dma_semaphore, #tpu.memory_space<semaphore_mem>>) {add = true}
        %add3A_169 = arith.constant 2 : i32
        %add3A_170 = arith.addi %mul3A_120, %add3A_169 : i32
        %add3A_171 = arith.addi %mul3A_47, %add3A_170 : i32
        %mul3A_172 = arith.constant 40 : i32
        %mul3A_173 = arith.muli %add3A_171, %mul3A_172 : i32
        %add3A_174 = arith.addi %mul3A_32, %mul3A_173 : i32
        %dma_start3A_175 = arith.constant 0 : i32
        %dma_start3A_176 = tpu.memref_slice %arg3[%add3A_174, %dma_start3A_175] : memref<160000x128xf32, #tpu.memory_space<hbm>> -> memref<40x128xf32, #tpu.memory_space<hbm>>
        %dma_start3A_177 = arith.constant 0 : i32
        %dma_start3A_178 = tpu.memref_slice %arg3[%add3A_174, %dma_start3A_177] : memref<160000x128xf32, #tpu.memory_space<hbm>> -> memref<40x128xf32, #tpu.memory_space<hbm>>
        tpu.enqueue_dma source(%dma_start3A_178 : memref<40x128xf32, #tpu.memory_space<hbm>>) target(%arg11 : memref<40x128xf32, #tpu.memory_space<vmem>>) target_semaphore(%arg18 : memref<!tpu.dma_semaphore, #tpu.memory_space<semaphore_mem>>)
        %dma_start3A_179 = arith.constant 0 : i32
        %dma_start3A_180 = tpu.memref_slice %arg7[%add3A_170, %dma_start3A_179] : memref<25x40xi32, #tpu.memory_space<vmem>> -> memref<1x40xi32, #tpu.memory_space<vmem>>
        %dma_start3A_181 = tpu.memref_squeeze %dma_start3A_180 : memref<1x40xi32, #tpu.memory_space<vmem>> -> memref<40xi32, #tpu.memory_space<vmem>>
        %dma_start3A_182 = arith.constant 0 : i32
        %dma_start3A_183 = arith.constant 0 : i32
        %dma_start3A_184 = tpu.memref_slice %arg2[%dma_start3A_182, %dma_start3A_183] : memref<10000x128xf32, #tpu.memory_space<hbm>> -> memref<10000x128xf32, #tpu.memory_space<hbm>>
        tpu.enqueue_indirect_dma source(%dma_start3A_184 : memref<10000x128xf32, #tpu.memory_space<hbm>>) target(%arg9 : memref<40x128xf32, #tpu.memory_space<vmem>>) offsets(%dma_start3A_181 : memref<40xi32, #tpu.memory_space<vmem>>) semaphore(%arg16 : memref<!tpu.dma_semaphore, #tpu.memory_space<semaphore_mem>>)
        %add3A_185 = arith.addi %mul3A_47, %add3A_124 : i32
        %mul3A_186 = arith.constant 40 : i32
        %mul3A_187 = arith.muli %add3A_185, %mul3A_186 : i32
        %add3A_188 = arith.addi %mul3A_32, %mul3A_187 : i32
        %dma_wait3A_189 = arith.constant 0 : i32
        %dma_wait3A_190 = tpu.memref_slice %arg3[%add3A_188, %dma_wait3A_189] : memref<160000x128xf32, #tpu.memory_space<hbm>> -> memref<40x128xf32, #tpu.memory_space<hbm>>
        %dma_wait3A_191 = arith.constant 0 : i32
        %dma_wait3A_192 = tpu.memref_slice %arg3[%add3A_188, %dma_wait3A_191] : memref<160000x128xf32, #tpu.memory_space<hbm>> -> memref<40x128xf32, #tpu.memory_space<hbm>>
        tpu.wait_dma2 semaphore(%arg19 : memref<!tpu.dma_semaphore, #tpu.memory_space<semaphore_mem>>) src(%dma_wait3A_192 : memref<40x128xf32, #tpu.memory_space<hbm>>) dst(%arg12 : memref<40x128xf32, #tpu.memory_space<vmem>>)
        %dma_wait3A_193 = arith.constant 0 : i32
        %dma_wait3A_194 = tpu.memref_slice %arg7[%add3A_124, %dma_wait3A_193] : memref<25x40xi32, #tpu.memory_space<vmem>> -> memref<1x40xi32, #tpu.memory_space<vmem>>
        %dma_wait3A_195 = tpu.memref_squeeze %dma_wait3A_194 : memref<1x40xi32, #tpu.memory_space<vmem>> -> memref<40xi32, #tpu.memory_space<vmem>>
        %dma_wait3A_196 = arith.constant 0 : i32
        %dma_wait3A_197 = arith.constant 0 : i32
        %dma_wait3A_198 = tpu.memref_slice %arg2[%dma_wait3A_196, %dma_wait3A_197] : memref<10000x128xf32, #tpu.memory_space<hbm>> -> memref<10000x128xf32, #tpu.memory_space<hbm>>
        tpu.wait_indirect_dma semaphore(%arg17 : memref<!tpu.dma_semaphore, #tpu.memory_space<semaphore_mem>>) src(%dma_wait3A_198 : memref<10000x128xf32, #tpu.memory_space<hbm>>) dst(%arg10 : memref<40x128xf32, #tpu.memory_space<vmem>>)
        %gt3A_199 = arith.constant 0 : i32
        %gt3A_200 = arith.cmpi sgt, %scan3A_118, %gt3A_199 : i32
        %convert_element_type3A_201 = arith.extui %gt3A_200 : i1 to i32
        %cond3A_202 = arith.constant 0 : i32
        %cond3A_203 = arith.cmpi ne, %convert_element_type3A_201, %cond3A_202 : i32
        scf.if %cond3A_203 {
          %sub3A = arith.constant 2 : i32
          %sub3A_216 = arith.subi %add3A_124, %sub3A : i32
          %dma_wait3A_217 = arith.constant 0 : i32
          %dma_wait3A_218 = tpu.memref_slice %arg8[%sub3A_216, %dma_wait3A_217] : memref<25x40xi32, #tpu.memory_space<vmem>> -> memref<1x40xi32, #tpu.memory_space<vmem>>
          %dma_wait3A_219 = tpu.memref_squeeze %dma_wait3A_218 : memref<1x40xi32, #tpu.memory_space<vmem>> -> memref<40xi32, #tpu.memory_space<vmem>>
          %dma_wait3A_220 = arith.constant 0 : i32
          %dma_wait3A_221 = arith.constant 0 : i32
          %dma_wait3A_222 = tpu.memref_slice %arg15[%dma_wait3A_220, %dma_wait3A_221] : memref<10000x128xf32, #tpu.memory_space<vmem_shared>> -> memref<10000x128xf32, #tpu.memory_space<vmem_shared>>
          tpu.wait_indirect_dma semaphore(%arg21 : memref<!tpu.dma_semaphore, #tpu.memory_space<semaphore_mem>>) src(%arg14 : memref<40x128xf32, #tpu.memory_space<vmem>>) dst(%dma_wait3A_222 : memref<10000x128xf32, #tpu.memory_space<vmem_shared>>)
        } else {
        }
        %scan3A_204 = arith.constant 0 : i32
        %scan3A_205 = arith.constant 0 : i32
        %scan3A_206 = arith.constant 40 : i32
        %scan3A_207 = arith.addi %scan3A_205, %scan3A_206 : i32
        %scan3A_208 = arith.constant 1 : i32
        scf.for %scan3A_216 = %scan3A_205 to %scan3A_207 step %scan3A_208  : i32 {
          %get3A = arith.index_cast %scan3A_216 : i32 to index
          %get3A_217 = arith.constant 0 : index
          %get3A_218 = tpu.vector_load %arg10[%get3A, %get3A_217] {strides = array<i32>} : memref<40x128xf32, #tpu.memory_space<vmem>>, vector<1x16xf32>,
          %get3A_219 = vector.shape_cast %get3A_218 : vector<1x16xf32> to vector<16xf32>
          %get3A_220 = arith.index_cast %scan3A_216 : i32 to index
          %get3A_221 = arith.constant 0 : index
          %get3A_222 = tpu.vector_load %arg12[%get3A_220, %get3A_221] {strides = array<i32>} : memref<40x128xf32, #tpu.memory_space<vmem>>, vector<1x16xf32>,
          %get3A_223 = vector.shape_cast %get3A_222 : vector<1x16xf32> to vector<16xf32>
          %mul3A_224 = arith.mulf %get3A_219, %get3A_223 : vector<16xf32>
          %swap3A = arith.index_cast %scan3A_216 : i32 to index
          %swap3A_225 = arith.constant 0 : index
          %swap3A_226 = tpu.vector_load %arg14[%swap3A, %swap3A_225] {strides = array<i32>} : memref<40x128xf32, #tpu.memory_space<vmem>>, vector<1x16xf32>,
          %swap3A_227 = vector.shape_cast %swap3A_226 : vector<1x16xf32> to vector<16xf32>
          %swap3A_228 = vector.shape_cast %mul3A_224 : vector<16xf32> to vector<1x16xf32>
          tpu.vector_store %arg14[%swap3A, %swap3A_225], %swap3A_228 {strides = array<i32>} : memref<40x128xf32, #tpu.memory_space<vmem>>, vector<1x16xf32>,
          %get3A_229 = arith.index_cast %scan3A_216 : i32 to index
          %get3A_230 = arith.constant 16 : index
          %get3A_231 = tpu.vector_load %arg10[%get3A_229, %get3A_230] {strides = array<i32>} : memref<40x128xf32, #tpu.memory_space<vmem>>, vector<1x16xf32>,
          %get3A_232 = vector.shape_cast %get3A_231 : vector<1x16xf32> to vector<16xf32>
          %get3A_233 = arith.index_cast %scan3A_216 : i32 to index
          %get3A_234 = arith.constant 16 : index
          %get3A_235 = tpu.vector_load %arg12[%get3A_233, %get3A_234] {strides = array<i32>} : memref<40x128xf32, #tpu.memory_space<vmem>>, vector<1x16xf32>,
          %get3A_236 = vector.shape_cast %get3A_235 : vector<1x16xf32> to vector<16xf32>
          %mul3A_237 = arith.mulf %get3A_232, %get3A_236 : vector<16xf32>
          %swap3A_238 = arith.index_cast %scan3A_216 : i32 to index
          %swap3A_239 = arith.constant 16 : index
          %swap3A_240 = tpu.vector_load %arg14[%swap3A_238, %swap3A_239] {strides = array<i32>} : memref<40x128xf32, #tpu.memory_space<vmem>>, vector<1x16xf32>,
          %swap3A_241 = vector.shape_cast %swap3A_240 : vector<1x16xf32> to vector<16xf32>
          %swap3A_242 = vector.shape_cast %mul3A_237 : vector<16xf32> to vector<1x16xf32>
          tpu.vector_store %arg14[%swap3A_238, %swap3A_239], %swap3A_242 {strides = array<i32>} : memref<40x128xf32, #tpu.memory_space<vmem>>, vector<1x16xf32>,
          %get3A_243 = arith.index_cast %scan3A_216 : i32 to index
          %get3A_244 = arith.constant 32 : index
          %get3A_245 = tpu.vector_load %arg10[%get3A_243, %get3A_244] {strides = array<i32>} : memref<40x128xf32, #tpu.memory_space<vmem>>, vector<1x16xf32>,
          %get3A_246 = vector.shape_cast %get3A_245 : vector<1x16xf32> to vector<16xf32>
          %get3A_247 = arith.index_cast %scan3A_216 : i32 to index
          %get3A_248 = arith.constant 32 : index
          %get3A_249 = tpu.vector_load %arg12[%get3A_247, %get3A_248] {strides = array<i32>} : memref<40x128xf32, #tpu.memory_space<vmem>>, vector<1x16xf32>,
          %get3A_250 = vector.shape_cast %get3A_249 : vector<1x16xf32> to vector<16xf32>
          %mul3A_251 = arith.mulf %get3A_246, %get3A_250 : vector<16xf32>
          %swap3A_252 = arith.index_cast %scan3A_216 : i32 to index
          %swap3A_253 = arith.constant 32 : index
          %swap3A_254 = tpu.vector_load %arg14[%swap3A_252, %swap3A_253] {strides = array<i32>} : memref<40x128xf32, #tpu.memory_space<vmem>>, vector<1x16xf32>,
          %swap3A_255 = vector.shape_cast %swap3A_254 : vector<1x16xf32> to vector<16xf32>
          %swap3A_256 = vector.shape_cast %mul3A_251 : vector<16xf32> to vector<1x16xf32>
          tpu.vector_store %arg14[%swap3A_252, %swap3A_253], %swap3A_256 {strides = array<i32>} : memref<40x128xf32, #tpu.memory_space<vmem>>, vector<1x16xf32>,
          %get3A_257 = arith.index_cast %scan3A_216 : i32 to index
          %get3A_258 = arith.constant 48 : index
          %get3A_259 = tpu.vector_load %arg10[%get3A_257, %get3A_258] {strides = array<i32>} : memref<40x128xf32, #tpu.memory_space<vmem>>, vector<1x16xf32>,
          %get3A_260 = vector.shape_cast %get3A_259 : vector<1x16xf32> to vector<16xf32>
          %get3A_261 = arith.index_cast %scan3A_216 : i32 to index
          %get3A_262 = arith.constant 48 : index
          %get3A_263 = tpu.vector_load %arg12[%get3A_261, %get3A_262] {strides = array<i32>} : memref<40x128xf32, #tpu.memory_space<vmem>>, vector<1x16xf32>,
          %get3A_264 = vector.shape_cast %get3A_263 : vector<1x16xf32> to vector<16xf32>
          %mul3A_265 = arith.mulf %get3A_260, %get3A_264 : vector<16xf32>
          %swap3A_266 = arith.index_cast %scan3A_216 : i32 to index
          %swap3A_267 = arith.constant 48 : index
          %swap3A_268 = tpu.vector_load %arg14[%swap3A_266, %swap3A_267] {strides = array<i32>} : memref<40x128xf32, #tpu.memory_space<vmem>>, vector<1x16xf32>,
          %swap3A_269 = vector.shape_cast %swap3A_268 : vector<1x16xf32> to vector<16xf32>
          %swap3A_270 = vector.shape_cast %mul3A_265 : vector<16xf32> to vector<1x16xf32>
          tpu.vector_store %arg14[%swap3A_266, %swap3A_267], %swap3A_270 {strides = array<i32>} : memref<40x128xf32, #tpu.memory_space<vmem>>, vector<1x16xf32>,
          %get3A_271 = arith.index_cast %scan3A_216 : i32 to index
          %get3A_272 = arith.constant 64 : index
          %get3A_273 = tpu.vector_load %arg10[%get3A_271, %get3A_272] {strides = array<i32>} : memref<40x128xf32, #tpu.memory_space<vmem>>, vector<1x16xf32>,
          %get3A_274 = vector.shape_cast %get3A_273 : vector<1x16xf32> to vector<16xf32>
          %get3A_275 = arith.index_cast %scan3A_216 : i32 to index
          %get3A_276 = arith.constant 64 : index
          %get3A_277 = tpu.vector_load %arg12[%get3A_275, %get3A_276] {strides = array<i32>} : memref<40x128xf32, #tpu.memory_space<vmem>>, vector<1x16xf32>,
          %get3A_278 = vector.shape_cast %get3A_277 : vector<1x16xf32> to vector<16xf32>
          %mul3A_279 = arith.mulf %get3A_274, %get3A_278 : vector<16xf32>
          %swap3A_280 = arith.index_cast %scan3A_216 : i32 to index
          %swap3A_281 = arith.constant 64 : index
          %swap3A_282 = tpu.vector_load %arg14[%swap3A_280, %swap3A_281] {strides = array<i32>} : memref<40x128xf32, #tpu.memory_space<vmem>>, vector<1x16xf32>,
          %swap3A_283 = vector.shape_cast %swap3A_282 : vector<1x16xf32> to vector<16xf32>
          %swap3A_284 = vector.shape_cast %mul3A_279 : vector<16xf32> to vector<1x16xf32>
          tpu.vector_store %arg14[%swap3A_280, %swap3A_281], %swap3A_284 {strides = array<i32>} : memref<40x128xf32, #tpu.memory_space<vmem>>, vector<1x16xf32>,
          %get3A_285 = arith.index_cast %scan3A_216 : i32 to index
          %get3A_286 = arith.constant 80 : index
          %get3A_287 = tpu.vector_load %arg10[%get3A_285, %get3A_286] {strides = array<i32>} : memref<40x128xf32, #tpu.memory_space<vmem>>, vector<1x16xf32>,
          %get3A_288 = vector.shape_cast %get3A_287 : vector<1x16xf32> to vector<16xf32>
          %get3A_289 = arith.index_cast %scan3A_216 : i32 to index
          %get3A_290 = arith.constant 80 : index
          %get3A_291 = tpu.vector_load %arg12[%get3A_289, %get3A_290] {strides = array<i32>} : memref<40x128xf32, #tpu.memory_space<vmem>>, vector<1x16xf32>,
          %get3A_292 = vector.shape_cast %get3A_291 : vector<1x16xf32> to vector<16xf32>
          %mul3A_293 = arith.mulf %get3A_288, %get3A_292 : vector<16xf32>
          %swap3A_294 = arith.index_cast %scan3A_216 : i32 to index
          %swap3A_295 = arith.constant 80 : index
          %swap3A_296 = tpu.vector_load %arg14[%swap3A_294, %swap3A_295] {strides = array<i32>} : memref<40x128xf32, #tpu.memory_space<vmem>>, vector<1x16xf32>,
          %swap3A_297 = vector.shape_cast %swap3A_296 : vector<1x16xf32> to vector<16xf32>
          %swap3A_298 = vector.shape_cast %mul3A_293 : vector<16xf32> to vector<1x16xf32>
          tpu.vector_store %arg14[%swap3A_294, %swap3A_295], %swap3A_298 {strides = array<i32>} : memref<40x128xf32, #tpu.memory_space<vmem>>, vector<1x16xf32>,
          %get3A_299 = arith.index_cast %scan3A_216 : i32 to index
          %get3A_300 = arith.constant 96 : index
          %get3A_301 = tpu.vector_load %arg10[%get3A_299, %get3A_300] {strides = array<i32>} : memref<40x128xf32, #tpu.memory_space<vmem>>, vector<1x16xf32>,
          %get3A_302 = vector.shape_cast %get3A_301 : vector<1x16xf32> to vector<16xf32>
          %get3A_303 = arith.index_cast %scan3A_216 : i32 to index
          %get3A_304 = arith.constant 96 : index
          %get3A_305 = tpu.vector_load %arg12[%get3A_303, %get3A_304] {strides = array<i32>} : memref<40x128xf32, #tpu.memory_space<vmem>>, vector<1x16xf32>,
          %get3A_306 = vector.shape_cast %get3A_305 : vector<1x16xf32> to vector<16xf32>
          %mul3A_307 = arith.mulf %get3A_302, %get3A_306 : vector<16xf32>
          %swap3A_308 = arith.index_cast %scan3A_216 : i32 to index
          %swap3A_309 = arith.constant 96 : index
          %swap3A_310 = tpu.vector_load %arg14[%swap3A_308, %swap3A_309] {strides = array<i32>} : memref<40x128xf32, #tpu.memory_space<vmem>>, vector<1x16xf32>,
          %swap3A_311 = vector.shape_cast %swap3A_310 : vector<1x16xf32> to vector<16xf32>
          %swap3A_312 = vector.shape_cast %mul3A_307 : vector<16xf32> to vector<1x16xf32>
          tpu.vector_store %arg14[%swap3A_308, %swap3A_309], %swap3A_312 {strides = array<i32>} : memref<40x128xf32, #tpu.memory_space<vmem>>, vector<1x16xf32>,
          %get3A_313 = arith.index_cast %scan3A_216 : i32 to index
          %get3A_314 = arith.constant 112 : index
          %get3A_315 = tpu.vector_load %arg10[%get3A_313, %get3A_314] {strides = array<i32>} : memref<40x128xf32, #tpu.memory_space<vmem>>, vector<1x16xf32>,
          %get3A_316 = vector.shape_cast %get3A_315 : vector<1x16xf32> to vector<16xf32>
          %get3A_317 = arith.index_cast %scan3A_216 : i32 to index
          %get3A_318 = arith.constant 112 : index
          %get3A_319 = tpu.vector_load %arg12[%get3A_317, %get3A_318] {strides = array<i32>} : memref<40x128xf32, #tpu.memory_space<vmem>>, vector<1x16xf32>,
          %get3A_320 = vector.shape_cast %get3A_319 : vector<1x16xf32> to vector<16xf32>
          %mul3A_321 = arith.mulf %get3A_316, %get3A_320 : vector<16xf32>
          %swap3A_322 = arith.index_cast %scan3A_216 : i32 to index
          %swap3A_323 = arith.constant 112 : index
          %swap3A_324 = tpu.vector_load %arg14[%swap3A_322, %swap3A_323] {strides = array<i32>} : memref<40x128xf32, #tpu.memory_space<vmem>>, vector<1x16xf32>,
          %swap3A_325 = vector.shape_cast %swap3A_324 : vector<1x16xf32> to vector<16xf32>
          %swap3A_326 = vector.shape_cast %mul3A_321 : vector<16xf32> to vector<1x16xf32>
          tpu.vector_store %arg14[%swap3A_322, %swap3A_323], %swap3A_326 {strides = array<i32>} : memref<40x128xf32, #tpu.memory_space<vmem>>, vector<1x16xf32>,
        }
        %scan3A_209 = arith.constant 40 : i32
        %dma_start3A_210 = arith.constant 0 : i32
        %dma_start3A_211 = tpu.memref_slice %arg8[%add3A_124, %dma_start3A_210] : memref<25x40xi32, #tpu.memory_space<vmem>> -> memref<1x40xi32, #tpu.memory_space<vmem>>
        %dma_start3A_212 = tpu.memref_squeeze %dma_start3A_211 : memref<1x40xi32, #tpu.memory_space<vmem>> -> memref<40xi32, #tpu.memory_space<vmem>>
        %dma_start3A_213 = arith.constant 0 : i32
        %dma_start3A_214 = arith.constant 0 : i32
        %dma_start3A_215 = tpu.memref_slice %arg15[%dma_start3A_213, %dma_start3A_214] : memref<10000x128xf32, #tpu.memory_space<vmem_shared>> -> memref<10000x128xf32, #tpu.memory_space<vmem_shared>>
        tpu.enqueue_indirect_dma source(%arg14 : memref<40x128xf32, #tpu.memory_space<vmem>>) target(%dma_start3A_215 : memref<10000x128xf32, #tpu.memory_space<vmem_shared>>) offsets(%dma_start3A_212 : memref<40xi32, #tpu.memory_space<vmem>>) semaphore(%arg21 : memref<!tpu.dma_semaphore, #tpu.memory_space<semaphore_mem>>) {add = true}
      }
      %scan3A_68 = arith.constant 12 : i32
      %add3A_69 = arith.constant 24 : i32
      %add3A_70 = arith.addi %mul3A_47, %add3A_69 : i32
      %mul3A_71 = arith.constant 40 : i32
      %mul3A_72 = arith.muli %add3A_70, %mul3A_71 : i32
      %add3A_73 = arith.addi %mul3A_32, %mul3A_72 : i32
      %dma_wait3A = arith.constant 0 : i32
      %dma_wait3A_74 = tpu.memref_slice %arg3[%add3A_73, %dma_wait3A] : memref<160000x128xf32, #tpu.memory_space<hbm>> -> memref<40x128xf32, #tpu.memory_space<hbm>>
      %dma_wait3A_75 = arith.constant 0 : i32
      %dma_wait3A_76 = tpu.memref_slice %arg3[%add3A_73, %dma_wait3A_75] : memref<160000x128xf32, #tpu.memory_space<hbm>> -> memref<40x128xf32, #tpu.memory_space<hbm>>
      tpu.wait_dma2 semaphore(%arg18 : memref<!tpu.dma_semaphore, #tpu.memory_space<semaphore_mem>>) src(%dma_wait3A_76 : memref<40x128xf32, #tpu.memory_space<hbm>>) dst(%arg11 : memref<40x128xf32, #tpu.memory_space<vmem>>)
      %dma_wait3A_77 = arith.constant 24 : i32
      %dma_wait3A_78 = arith.constant 0 : i32
      %dma_wait3A_79 = tpu.memref_slice %arg7[%dma_wait3A_77, %dma_wait3A_78] : memref<25x40xi32, #tpu.memory_space<vmem>> -> memref<1x40xi32, #tpu.memory_space<vmem>>
      %dma_wait3A_80 = tpu.memref_squeeze %dma_wait3A_79 : memref<1x40xi32, #tpu.memory_space<vmem>> -> memref<40xi32, #tpu.memory_space<vmem>>
      %dma_wait3A_81 = arith.constant 0 : i32
      %dma_wait3A_82 = arith.constant 0 : i32
      %dma_wait3A_83 = tpu.memref_slice %arg2[%dma_wait3A_81, %dma_wait3A_82] : memref<10000x128xf32, #tpu.memory_space<hbm>> -> memref<10000x128xf32, #tpu.memory_space<hbm>>
      tpu.wait_indirect_dma semaphore(%arg16 : memref<!tpu.dma_semaphore, #tpu.memory_space<semaphore_mem>>) src(%dma_wait3A_83 : memref<10000x128xf32, #tpu.memory_space<hbm>>) dst(%arg9 : memref<40x128xf32, #tpu.memory_space<vmem>>)
      %dma_wait3A_84 = arith.constant 22 : i32
      %dma_wait3A_85 = arith.constant 0 : i32
      %dma_wait3A_86 = tpu.memref_slice %arg8[%dma_wait3A_84, %dma_wait3A_85] : memref<25x40xi32, #tpu.memory_space<vmem>> -> memref<1x40xi32, #tpu.memory_space<vmem>>
      %dma_wait3A_87 = tpu.memref_squeeze %dma_wait3A_86 : memref<1x40xi32, #tpu.memory_space<vmem>> -> memref<40xi32, #tpu.memory_space<vmem>>
      %dma_wait3A_88 = arith.constant 0 : i32
      %dma_wait3A_89 = arith.constant 0 : i32
      %dma_wait3A_90 = tpu.memref_slice %arg15[%dma_wait3A_88, %dma_wait3A_89] : memref<10000x128xf32, #tpu.memory_space<vmem_shared>> -> memref<10000x128xf32, #tpu.memory_space<vmem_shared>>
      tpu.wait_indirect_dma semaphore(%arg20 : memref<!tpu.dma_semaphore, #tpu.memory_space<semaphore_mem>>) src(%arg13 : memref<40x128xf32, #tpu.memory_space<vmem>>) dst(%dma_wait3A_90 : memref<10000x128xf32, #tpu.memory_space<vmem_shared>>)
      %scan3A_91 = arith.constant 0 : i32
      %scan3A_92 = arith.constant 0 : i32
      %scan3A_93 = arith.constant 40 : i32
      %scan3A_94 = arith.addi %scan3A_92, %scan3A_93 : i32
      %scan3A_95 = arith.constant 1 : i32
      scf.for %scan3A_118 = %scan3A_92 to %scan3A_94 step %scan3A_95  : i32 {
        %get3A = arith.index_cast %scan3A_118 : i32 to index
        %get3A_119 = arith.constant 0 : index
        %get3A_120 = tpu.vector_load %arg9[%get3A, %get3A_119] {strides = array<i32>} : memref<40x128xf32, #tpu.memory_space<vmem>>, vector<1x16xf32>,
        %get3A_121 = vector.shape_cast %get3A_120 : vector<1x16xf32> to vector<16xf32>
        %get3A_122 = arith.index_cast %scan3A_118 : i32 to index
        %get3A_123 = arith.constant 0 : index
        %get3A_124 = tpu.vector_load %arg11[%get3A_122, %get3A_123] {strides = array<i32>} : memref<40x128xf32, #tpu.memory_space<vmem>>, vector<1x16xf32>,
        %get3A_125 = vector.shape_cast %get3A_124 : vector<1x16xf32> to vector<16xf32>
        %mul3A_126 = arith.mulf %get3A_121, %get3A_125 : vector<16xf32>
        %swap3A = arith.index_cast %scan3A_118 : i32 to index
        %swap3A_127 = arith.constant 0 : index
        %swap3A_128 = tpu.vector_load %arg13[%swap3A, %swap3A_127] {strides = array<i32>} : memref<40x128xf32, #tpu.memory_space<vmem>>, vector<1x16xf32>,
        %swap3A_129 = vector.shape_cast %swap3A_128 : vector<1x16xf32> to vector<16xf32>
        %swap3A_130 = vector.shape_cast %mul3A_126 : vector<16xf32> to vector<1x16xf32>
        tpu.vector_store %arg13[%swap3A, %swap3A_127], %swap3A_130 {strides = array<i32>} : memref<40x128xf32, #tpu.memory_space<vmem>>, vector<1x16xf32>,
        %get3A_131 = arith.index_cast %scan3A_118 : i32 to index
        %get3A_132 = arith.constant 16 : index
        %get3A_133 = tpu.vector_load %arg9[%get3A_131, %get3A_132] {strides = array<i32>} : memref<40x128xf32, #tpu.memory_space<vmem>>, vector<1x16xf32>,
        %get3A_134 = vector.shape_cast %get3A_133 : vector<1x16xf32> to vector<16xf32>
        %get3A_135 = arith.index_cast %scan3A_118 : i32 to index
        %get3A_136 = arith.constant 16 : index
        %get3A_137 = tpu.vector_load %arg11[%get3A_135, %get3A_136] {strides = array<i32>} : memref<40x128xf32, #tpu.memory_space<vmem>>, vector<1x16xf32>,
        %get3A_138 = vector.shape_cast %get3A_137 : vector<1x16xf32> to vector<16xf32>
        %mul3A_139 = arith.mulf %get3A_134, %get3A_138 : vector<16xf32>
        %swap3A_140 = arith.index_cast %scan3A_118 : i32 to index
        %swap3A_141 = arith.constant 16 : index
        %swap3A_142 = tpu.vector_load %arg13[%swap3A_140, %swap3A_141] {strides = array<i32>} : memref<40x128xf32, #tpu.memory_space<vmem>>, vector<1x16xf32>,
        %swap3A_143 = vector.shape_cast %swap3A_142 : vector<1x16xf32> to vector<16xf32>
        %swap3A_144 = vector.shape_cast %mul3A_139 : vector<16xf32> to vector<1x16xf32>
        tpu.vector_store %arg13[%swap3A_140, %swap3A_141], %swap3A_144 {strides = array<i32>} : memref<40x128xf32, #tpu.memory_space<vmem>>, vector<1x16xf32>,
        %get3A_145 = arith.index_cast %scan3A_118 : i32 to index
        %get3A_146 = arith.constant 32 : index
        %get3A_147 = tpu.vector_load %arg9[%get3A_145, %get3A_146] {strides = array<i32>} : memref<40x128xf32, #tpu.memory_space<vmem>>, vector<1x16xf32>,
        %get3A_148 = vector.shape_cast %get3A_147 : vector<1x16xf32> to vector<16xf32>
        %get3A_149 = arith.index_cast %scan3A_118 : i32 to index
        %get3A_150 = arith.constant 32 : index
        %get3A_151 = tpu.vector_load %arg11[%get3A_149, %get3A_150] {strides = array<i32>} : memref<40x128xf32, #tpu.memory_space<vmem>>, vector<1x16xf32>,
        %get3A_152 = vector.shape_cast %get3A_151 : vector<1x16xf32> to vector<16xf32>
        %mul3A_153 = arith.mulf %get3A_148, %get3A_152 : vector<16xf32>
        %swap3A_154 = arith.index_cast %scan3A_118 : i32 to index
        %swap3A_155 = arith.constant 32 : index
        %swap3A_156 = tpu.vector_load %arg13[%swap3A_154, %swap3A_155] {strides = array<i32>} : memref<40x128xf32, #tpu.memory_space<vmem>>, vector<1x16xf32>,
        %swap3A_157 = vector.shape_cast %swap3A_156 : vector<1x16xf32> to vector<16xf32>
        %swap3A_158 = vector.shape_cast %mul3A_153 : vector<16xf32> to vector<1x16xf32>
        tpu.vector_store %arg13[%swap3A_154, %swap3A_155], %swap3A_158 {strides = array<i32>} : memref<40x128xf32, #tpu.memory_space<vmem>>, vector<1x16xf32>,
        %get3A_159 = arith.index_cast %scan3A_118 : i32 to index
        %get3A_160 = arith.constant 48 : index
        %get3A_161 = tpu.vector_load %arg9[%get3A_159, %get3A_160] {strides = array<i32>} : memref<40x128xf32, #tpu.memory_space<vmem>>, vector<1x16xf32>,
        %get3A_162 = vector.shape_cast %get3A_161 : vector<1x16xf32> to vector<16xf32>
        %get3A_163 = arith.index_cast %scan3A_118 : i32 to index
        %get3A_164 = arith.constant 48 : index
        %get3A_165 = tpu.vector_load %arg11[%get3A_163, %get3A_164] {strides = array<i32>} : memref<40x128xf32, #tpu.memory_space<vmem>>, vector<1x16xf32>,
        %get3A_166 = vector.shape_cast %get3A_165 : vector<1x16xf32> to vector<16xf32>
        %mul3A_167 = arith.mulf %get3A_162, %get3A_166 : vector<16xf32>
        %swap3A_168 = arith.index_cast %scan3A_118 : i32 to index
        %swap3A_169 = arith.constant 48 : index
        %swap3A_170 = tpu.vector_load %arg13[%swap3A_168, %swap3A_169] {strides = array<i32>} : memref<40x128xf32, #tpu.memory_space<vmem>>, vector<1x16xf32>,
        %swap3A_171 = vector.shape_cast %swap3A_170 : vector<1x16xf32> to vector<16xf32>
        %swap3A_172 = vector.shape_cast %mul3A_167 : vector<16xf32> to vector<1x16xf32>
        tpu.vector_store %arg13[%swap3A_168, %swap3A_169], %swap3A_172 {strides = array<i32>} : memref<40x128xf32, #tpu.memory_space<vmem>>, vector<1x16xf32>,
        %get3A_173 = arith.index_cast %scan3A_118 : i32 to index
        %get3A_174 = arith.constant 64 : index
        %get3A_175 = tpu.vector_load %arg9[%get3A_173, %get3A_174] {strides = array<i32>} : memref<40x128xf32, #tpu.memory_space<vmem>>, vector<1x16xf32>,
        %get3A_176 = vector.shape_cast %get3A_175 : vector<1x16xf32> to vector<16xf32>
        %get3A_177 = arith.index_cast %scan3A_118 : i32 to index
        %get3A_178 = arith.constant 64 : index
        %get3A_179 = tpu.vector_load %arg11[%get3A_177, %get3A_178] {strides = array<i32>} : memref<40x128xf32, #tpu.memory_space<vmem>>, vector<1x16xf32>,
        %get3A_180 = vector.shape_cast %get3A_179 : vector<1x16xf32> to vector<16xf32>
        %mul3A_181 = arith.mulf %get3A_176, %get3A_180 : vector<16xf32>
        %swap3A_182 = arith.index_cast %scan3A_118 : i32 to index
        %swap3A_183 = arith.constant 64 : index
        %swap3A_184 = tpu.vector_load %arg13[%swap3A_182, %swap3A_183] {strides = array<i32>} : memref<40x128xf32, #tpu.memory_space<vmem>>, vector<1x16xf32>,
        %swap3A_185 = vector.shape_cast %swap3A_184 : vector<1x16xf32> to vector<16xf32>
        %swap3A_186 = vector.shape_cast %mul3A_181 : vector<16xf32> to vector<1x16xf32>
        tpu.vector_store %arg13[%swap3A_182, %swap3A_183], %swap3A_186 {strides = array<i32>} : memref<40x128xf32, #tpu.memory_space<vmem>>, vector<1x16xf32>,
        %get3A_187 = arith.index_cast %scan3A_118 : i32 to index
        %get3A_188 = arith.constant 80 : index
        %get3A_189 = tpu.vector_load %arg9[%get3A_187, %get3A_188] {strides = array<i32>} : memref<40x128xf32, #tpu.memory_space<vmem>>, vector<1x16xf32>,
        %get3A_190 = vector.shape_cast %get3A_189 : vector<1x16xf32> to vector<16xf32>
        %get3A_191 = arith.index_cast %scan3A_118 : i32 to index
        %get3A_192 = arith.constant 80 : index
        %get3A_193 = tpu.vector_load %arg11[%get3A_191, %get3A_192] {strides = array<i32>} : memref<40x128xf32, #tpu.memory_space<vmem>>, vector<1x16xf32>,
        %get3A_194 = vector.shape_cast %get3A_193 : vector<1x16xf32> to vector<16xf32>
        %mul3A_195 = arith.mulf %get3A_190, %get3A_194 : vector<16xf32>
        %swap3A_196 = arith.index_cast %scan3A_118 : i32 to index
        %swap3A_197 = arith.constant 80 : index
        %swap3A_198 = tpu.vector_load %arg13[%swap3A_196, %swap3A_197] {strides = array<i32>} : memref<40x128xf32, #tpu.memory_space<vmem>>, vector<1x16xf32>,
        %swap3A_199 = vector.shape_cast %swap3A_198 : vector<1x16xf32> to vector<16xf32>
        %swap3A_200 = vector.shape_cast %mul3A_195 : vector<16xf32> to vector<1x16xf32>
        tpu.vector_store %arg13[%swap3A_196, %swap3A_197], %swap3A_200 {strides = array<i32>} : memref<40x128xf32, #tpu.memory_space<vmem>>, vector<1x16xf32>,
        %get3A_201 = arith.index_cast %scan3A_118 : i32 to index
        %get3A_202 = arith.constant 96 : index
        %get3A_203 = tpu.vector_load %arg9[%get3A_201, %get3A_202] {strides = array<i32>} : memref<40x128xf32, #tpu.memory_space<vmem>>, vector<1x16xf32>,
        %get3A_204 = vector.shape_cast %get3A_203 : vector<1x16xf32> to vector<16xf32>
        %get3A_205 = arith.index_cast %scan3A_118 : i32 to index
        %get3A_206 = arith.constant 96 : index
        %get3A_207 = tpu.vector_load %arg11[%get3A_205, %get3A_206] {strides = array<i32>} : memref<40x128xf32, #tpu.memory_space<vmem>>, vector<1x16xf32>,
        %get3A_208 = vector.shape_cast %get3A_207 : vector<1x16xf32> to vector<16xf32>
        %mul3A_209 = arith.mulf %get3A_204, %get3A_208 : vector<16xf32>
        %swap3A_210 = arith.index_cast %scan3A_118 : i32 to index
        %swap3A_211 = arith.constant 96 : index
        %swap3A_212 = tpu.vector_load %arg13[%swap3A_210, %swap3A_211] {strides = array<i32>} : memref<40x128xf32, #tpu.memory_space<vmem>>, vector<1x16xf32>,
        %swap3A_213 = vector.shape_cast %swap3A_212 : vector<1x16xf32> to vector<16xf32>
        %swap3A_214 = vector.shape_cast %mul3A_209 : vector<16xf32> to vector<1x16xf32>
        tpu.vector_store %arg13[%swap3A_210, %swap3A_211], %swap3A_214 {strides = array<i32>} : memref<40x128xf32, #tpu.memory_space<vmem>>, vector<1x16xf32>,
        %get3A_215 = arith.index_cast %scan3A_118 : i32 to index
        %get3A_216 = arith.constant 112 : index
        %get3A_217 = tpu.vector_load %arg9[%get3A_215, %get3A_216] {strides = array<i32>} : memref<40x128xf32, #tpu.memory_space<vmem>>, vector<1x16xf32>,
        %get3A_218 = vector.shape_cast %get3A_217 : vector<1x16xf32> to vector<16xf32>
        %get3A_219 = arith.index_cast %scan3A_118 : i32 to index
        %get3A_220 = arith.constant 112 : index
        %get3A_221 = tpu.vector_load %arg11[%get3A_219, %get3A_220] {strides = array<i32>} : memref<40x128xf32, #tpu.memory_space<vmem>>, vector<1x16xf32>,
        %get3A_222 = vector.shape_cast %get3A_221 : vector<1x16xf32> to vector<16xf32>
        %mul3A_223 = arith.mulf %get3A_218, %get3A_222 : vector<16xf32>
        %swap3A_224 = arith.index_cast %scan3A_118 : i32 to index
        %swap3A_225 = arith.constant 112 : index
        %swap3A_226 = tpu.vector_load %arg13[%swap3A_224, %swap3A_225] {strides = array<i32>} : memref<40x128xf32, #tpu.memory_space<vmem>>, vector<1x16xf32>,
        %swap3A_227 = vector.shape_cast %swap3A_226 : vector<1x16xf32> to vector<16xf32>
        %swap3A_228 = vector.shape_cast %mul3A_223 : vector<16xf32> to vector<1x16xf32>
        tpu.vector_store %arg13[%swap3A_224, %swap3A_225], %swap3A_228 {strides = array<i32>} : memref<40x128xf32, #tpu.memory_space<vmem>>, vector<1x16xf32>,
      }
      %scan3A_96 = arith.constant 40 : i32
      %dma_start3A_97 = arith.constant 24 : i32
      %dma_start3A_98 = arith.constant 0 : i32
      %dma_start3A_99 = tpu.memref_slice %arg8[%dma_start3A_97, %dma_start3A_98] : memref<25x40xi32, #tpu.memory_space<vmem>> -> memref<1x40xi32, #tpu.memory_space<vmem>>
      %dma_start3A_100 = tpu.memref_squeeze %dma_start3A_99 : memref<1x40xi32, #tpu.memory_space<vmem>> -> memref<40xi32, #tpu.memory_space<vmem>>
      %dma_start3A_101 = arith.constant 0 : i32
      %dma_start3A_102 = arith.constant 0 : i32
      %dma_start3A_103 = tpu.memref_slice %arg15[%dma_start3A_101, %dma_start3A_102] : memref<10000x128xf32, #tpu.memory_space<vmem_shared>> -> memref<10000x128xf32, #tpu.memory_space<vmem_shared>>
      tpu.enqueue_indirect_dma source(%arg13 : memref<40x128xf32, #tpu.memory_space<vmem>>) target(%dma_start3A_103 : memref<10000x128xf32, #tpu.memory_space<vmem_shared>>) offsets(%dma_start3A_100 : memref<40xi32, #tpu.memory_space<vmem>>) semaphore(%arg20 : memref<!tpu.dma_semaphore, #tpu.memory_space<semaphore_mem>>) {add = true}
      %dma_wait3A_104 = arith.constant 24 : i32
      %dma_wait3A_105 = arith.constant 0 : i32
      %dma_wait3A_106 = tpu.memref_slice %arg8[%dma_wait3A_104, %dma_wait3A_105] : memref<25x40xi32, #tpu.memory_space<vmem>> -> memref<1x40xi32, #tpu.memory_space<vmem>>
      %dma_wait3A_107 = tpu.memref_squeeze %dma_wait3A_106 : memref<1x40xi32, #tpu.memory_space<vmem>> -> memref<40xi32, #tpu.memory_space<vmem>>
      %dma_wait3A_108 = arith.constant 0 : i32
      %dma_wait3A_109 = arith.constant 0 : i32
      %dma_wait3A_110 = tpu.memref_slice %arg15[%dma_wait3A_108, %dma_wait3A_109] : memref<10000x128xf32, #tpu.memory_space<vmem_shared>> -> memref<10000x128xf32, #tpu.memory_space<vmem_shared>>
      tpu.wait_indirect_dma semaphore(%arg20 : memref<!tpu.dma_semaphore, #tpu.memory_space<semaphore_mem>>) src(%arg13 : memref<40x128xf32, #tpu.memory_space<vmem>>) dst(%dma_wait3A_110 : memref<10000x128xf32, #tpu.memory_space<vmem_shared>>)
      %dma_wait3A_111 = arith.constant 23 : i32
      %dma_wait3A_112 = arith.constant 0 : i32
      %dma_wait3A_113 = tpu.memref_slice %arg8[%dma_wait3A_111, %dma_wait3A_112] : memref<25x40xi32, #tpu.memory_space<vmem>> -> memref<1x40xi32, #tpu.memory_space<vmem>>
      %dma_wait3A_114 = tpu.memref_squeeze %dma_wait3A_113 : memref<1x40xi32, #tpu.memory_space<vmem>> -> memref<40xi32, #tpu.memory_space<vmem>>
      %dma_wait3A_115 = arith.constant 0 : i32
      %dma_wait3A_116 = arith.constant 0 : i32
      %dma_wait3A_117 = tpu.memref_slice %arg15[%dma_wait3A_115, %dma_wait3A_116] : memref<10000x128xf32, #tpu.memory_space<vmem_shared>> -> memref<10000x128xf32, #tpu.memory_space<vmem_shared>>
      tpu.wait_indirect_dma semaphore(%arg21 : memref<!tpu.dma_semaphore, #tpu.memory_space<semaphore_mem>>) src(%arg14 : memref<40x128xf32, #tpu.memory_space<vmem>>) dst(%dma_wait3A_117 : memref<10000x128xf32, #tpu.memory_space<vmem_shared>>)
    }
    %scan3A_38 = arith.constant 5 : i32
    %barrier3A_39 = arith.constant 0 : index
    tpu.barrier barrier_id(%barrier3A_39)
    "tpu.region"() ({
      %run_scoped3A = tpu.sem_alloc : memref<!tpu.dma_semaphore, #tpu.memory_space<semaphore_mem>>
      %dma_start3A = arith.constant 0 : i32
      %dma_start3A_45 = tpu.memref_slice %arg6[%arg0, %mul3A_8, %dma_start3A] : memref<2x10000x128xf32, #tpu.memory_space<hbm>> -> memref<1x400x128xf32, #tpu.memory_space<hbm>>
      %dma_start3A_46 = tpu.memref_squeeze %dma_start3A_45 : memref<1x400x128xf32, #tpu.memory_space<hbm>> -> memref<400x128xf32, #tpu.memory_space<hbm>>
      %dma_start3A_47 = arith.constant 0 : i32
      %dma_start3A_48 = tpu.memref_slice %arg15[%mul3A_8, %dma_start3A_47] : memref<10000x128xf32, #tpu.memory_space<vmem_shared>> -> memref<400x128xf32, #tpu.memory_space<vmem_shared>>
      tpu.enqueue_dma source(%dma_start3A_48 : memref<400x128xf32, #tpu.memory_space<vmem_shared>>) target(%dma_start3A_46 : memref<400x128xf32, #tpu.memory_space<hbm>>) target_semaphore(%run_scoped3A : memref<!tpu.dma_semaphore, #tpu.memory_space<semaphore_mem>>)
      %dma_wait3A = arith.constant 0 : i32
      %dma_wait3A_49 = tpu.memref_slice %arg6[%arg0, %mul3A_8, %dma_wait3A] : memref<2x10000x128xf32, #tpu.memory_space<hbm>> -> memref<1x400x128xf32, #tpu.memory_space<hbm>>
      %dma_wait3A_50 = tpu.memref_squeeze %dma_wait3A_49 : memref<1x400x128xf32, #tpu.memory_space<hbm>> -> memref<400x128xf32, #tpu.memory_space<hbm>>
      %dma_wait3A_51 = arith.constant 0 : i32
      %dma_wait3A_52 = tpu.memref_slice %arg15[%mul3A_8, %dma_wait3A_51] : memref<10000x128xf32, #tpu.memory_space<vmem_shared>> -> memref<400x128xf32, #tpu.memory_space<vmem_shared>>
      tpu.wait_dma2 semaphore(%run_scoped3A : memref<!tpu.dma_semaphore, #tpu.memory_space<semaphore_mem>>) src(%dma_wait3A_52 : memref<400x128xf32, #tpu.memory_space<vmem_shared>>) dst(%dma_wait3A_50 : memref<400x128xf32, #tpu.memory_space<hbm>>)
      tpu.yield
    }) : () -> ()
    %lt3A_40 = arith.constant 15 : i32
    %lt3A_41 = arith.cmpi slt, %arg1, %lt3A_40 : i32
    %convert_element_type3A_42 = arith.extui %lt3A_41 : i1 to i32
    %cond3A_43 = arith.constant 0 : i32
    %cond3A_44 = arith.cmpi ne, %convert_element_type3A_42, %cond3A_43 : i32
    scf.if %cond3A_44 {
      %add3A_45 = arith.constant 400 : i32
      %add3A_46 = arith.addi %mul3A_8, %add3A_45 : i32
      %add3A_47 = arith.constant 400 : i32
      %add3A_48 = arith.addi %mul3A_8, %add3A_47 : i32
      "tpu.region"() ({
        %run_scoped3A = tpu.sem_alloc : memref<!tpu.dma_semaphore, #tpu.memory_space<semaphore_mem>>
        %dma_start3A = arith.constant 0 : i32
        %dma_start3A_49 = tpu.memref_slice %arg6[%arg0, %add3A_48, %dma_start3A] : memref<2x10000x128xf32, #tpu.memory_space<hbm>> -> memref<1x240x128xf32, #tpu.memory_space<hbm>>
        %dma_start3A_50 = tpu.memref_squeeze %dma_start3A_49 : memref<1x240x128xf32, #tpu.memory_space<hbm>> -> memref<240x128xf32, #tpu.memory_space<hbm>>
        %dma_start3A_51 = arith.constant 0 : i32
        %dma_start3A_52 = tpu.memref_slice %arg15[%add3A_46, %dma_start3A_51] : memref<10000x128xf32, #tpu.memory_space<vmem_shared>> -> memref<240x128xf32, #tpu.memory_space<vmem_shared>>
        tpu.enqueue_dma source(%dma_start3A_52 : memref<240x128xf32, #tpu.memory_space<vmem_shared>>) target(%dma_start3A_50 : memref<240x128xf32, #tpu.memory_space<hbm>>) target_semaphore(%run_scoped3A : memref<!tpu.dma_semaphore, #tpu.memory_space<semaphore_mem>>)
        %dma_wait3A = arith.constant 0 : i32
        %dma_wait3A_53 = tpu.memref_slice %arg6[%arg0, %add3A_48, %dma_wait3A] : memref<2x10000x128xf32, #tpu.memory_space<hbm>> -> memref<1x240x128xf32, #tpu.memory_space<hbm>>
        %dma_wait3A_54 = tpu.memref_squeeze %dma_wait3A_53 : memref<1x240x128xf32, #tpu.memory_space<hbm>> -> memref<240x128xf32, #tpu.memory_space<hbm>>
        %dma_wait3A_55 = arith.constant 0 : i32
        %dma_wait3A_56 = tpu.memref_slice %arg15[%add3A_46, %dma_wait3A_55] : memref<10000x128xf32, #tpu.memory_space<vmem_shared>> -> memref<240x128xf32, #tpu.memory_space<vmem_shared>>
        tpu.wait_dma2 semaphore(%run_scoped3A : memref<!tpu.dma_semaphore, #tpu.memory_space<semaphore_mem>>) src(%dma_wait3A_56 : memref<240x128xf32, #tpu.memory_space<vmem_shared>>) dst(%dma_wait3A_54 : memref<240x128xf32, #tpu.memory_space<hbm>>)
        tpu.yield
      }) : () -> ()
    } else {
    }
    return
  }
}

#map = affine_map<(d0, d1) -> (0, 0)>
#map1 = affine_map<(d0, d1) -> (0, 0, 0, 0)>
#map2 = affine_map<(d0, d1) -> (0, 0, 0)>
module attributes {stable_mosaic.version = 14 : i64} {
  func.func @sc_gather_mul_scatter_h0(%arg0: i32, %arg1: i32, %arg2: memref<10000x128xf32, #tpu.memory_space<hbm>>, %arg3: memref<160000x128xf32, #tpu.memory_space<hbm>>, %arg4: memref<32x5x25x40xi32, #tpu.memory_space<hbm>>, %arg5: memref<32x5x25x40xi32, #tpu.memory_space<hbm>>, %arg6: memref<2x10000x128xf32, #tpu.memory_space<hbm>>, %arg7: memref<25x40xi32, #tpu.memory_space<vmem>>, %arg8: memref<25x40xi32, #tpu.memory_space<vmem>>, %arg9: memref<40x128xf32, #tpu.memory_space<vmem>>, %arg10: memref<40x128xf32, #tpu.memory_space<vmem>>, %arg11: memref<40x128xf32, #tpu.memory_space<vmem>>, %arg12: memref<40x128xf32, #tpu.memory_space<vmem>>, %arg13: memref<40x128xf32, #tpu.memory_space<vmem>>, %arg14: memref<40x128xf32, #tpu.memory_space<vmem>>, %arg15: memref<10000x128xf32, #tpu.memory_space<vmem_shared>>, %arg16: memref<!tpu.dma_semaphore, #tpu.memory_space<semaphore_mem>>, %arg17: memref<!tpu.dma_semaphore, #tpu.memory_space<semaphore_mem>>, %arg18: memref<!tpu.dma_semaphore, #tpu.memory_space<semaphore_mem>>, %arg19: memref<!tpu.dma_semaphore, #tpu.memory_space<semaphore_mem>>, %arg20: memref<!tpu.dma_semaphore, #tpu.memory_space<semaphore_mem>>, %arg21: memref<!tpu.dma_semaphore, #tpu.memory_space<semaphore_mem>>) attributes {dimension_semantics = [#tpu.dimension_semantics<core_parallel>, #tpu.dimension_semantics<subcore_parallel>], iteration_bounds = array<i64: 2, 16>, scalar_prefetch = 0 : i64, scratch_operands = 15 : i64, tpu.core_type = #tpu.core_type<sc_vector_subcore>, window_params = [{transform_indices = #map}, {transform_indices = #map}, {transform_indices = #map1}, {transform_indices = #map1}, {transform_indices = #map2}]} {
    %mul3A = arith.constant 2 : i32
    %mul3A_0 = arith.muli %arg1, %mul3A : i32
    %add3A = arith.addi %mul3A_0, %arg0 : i32
    %broadcast_in_dim3A = arith.constant 0.000000e+00 : f32
    %broadcast_in_dim3A_1 = vector.broadcast %broadcast_in_dim3A : f32 to vector<16xf32>
    %scan3A = arith.constant 0 : i32
    %scan3A_2 = arith.constant 0 : i32
    %scan3A_3 = arith.constant 40 : i32
    %scan3A_4 = arith.addi %scan3A_2, %scan3A_3 : i32
    %scan3A_5 = arith.constant 1 : i32
    scf.for %scan3A_45 = %scan3A_2 to %scan3A_4 step %scan3A_5  : i32 {
      %swap3A = arith.index_cast %scan3A_45 : i32 to index
      %swap3A_46 = arith.constant 0 : index
      %swap3A_47 = tpu.vector_load %arg9[%swap3A, %swap3A_46] {strides = array<i32>} : memref<40x128xf32, #tpu.memory_space<vmem>>, vector<1x16xf32>,
      %swap3A_48 = vector.shape_cast %swap3A_47 : vector<1x16xf32> to vector<16xf32>
      %swap3A_49 = vector.shape_cast %broadcast_in_dim3A_1 : vector<16xf32> to vector<1x16xf32>
      tpu.vector_store %arg9[%swap3A, %swap3A_46], %swap3A_49 {strides = array<i32>} : memref<40x128xf32, #tpu.memory_space<vmem>>, vector<1x16xf32>,
      %swap3A_50 = arith.index_cast %scan3A_45 : i32 to index
      %swap3A_51 = arith.constant 16 : index
      %swap3A_52 = tpu.vector_load %arg9[%swap3A_50, %swap3A_51] {strides = array<i32>} : memref<40x128xf32, #tpu.memory_space<vmem>>, vector<1x16xf32>,
      %swap3A_53 = vector.shape_cast %swap3A_52 : vector<1x16xf32> to vector<16xf32>
      %swap3A_54 = vector.shape_cast %broadcast_in_dim3A_1 : vector<16xf32> to vector<1x16xf32>
      tpu.vector_store %arg9[%swap3A_50, %swap3A_51], %swap3A_54 {strides = array<i32>} : memref<40x128xf32, #tpu.memory_space<vmem>>, vector<1x16xf32>,
      %swap3A_55 = arith.index_cast %scan3A_45 : i32 to index
      %swap3A_56 = arith.constant 32 : index
      %swap3A_57 = tpu.vector_load %arg9[%swap3A_55, %swap3A_56] {strides = array<i32>} : memref<40x128xf32, #tpu.memory_space<vmem>>, vector<1x16xf32>,
      %swap3A_58 = vector.shape_cast %swap3A_57 : vector<1x16xf32> to vector<16xf32>
      %swap3A_59 = vector.shape_cast %broadcast_in_dim3A_1 : vector<16xf32> to vector<1x16xf32>
      tpu.vector_store %arg9[%swap3A_55, %swap3A_56], %swap3A_59 {strides = array<i32>} : memref<40x128xf32, #tpu.memory_space<vmem>>, vector<1x16xf32>,
      %swap3A_60 = arith.index_cast %scan3A_45 : i32 to index
      %swap3A_61 = arith.constant 48 : index
      %swap3A_62 = tpu.vector_load %arg9[%swap3A_60, %swap3A_61] {strides = array<i32>} : memref<40x128xf32, #tpu.memory_space<vmem>>, vector<1x16xf32>,
      %swap3A_63 = vector.shape_cast %swap3A_62 : vector<1x16xf32> to vector<16xf32>
      %swap3A_64 = vector.shape_cast %broadcast_in_dim3A_1 : vector<16xf32> to vector<1x16xf32>
      tpu.vector_store %arg9[%swap3A_60, %swap3A_61], %swap3A_64 {strides = array<i32>} : memref<40x128xf32, #tpu.memory_space<vmem>>, vector<1x16xf32>,
      %swap3A_65 = arith.index_cast %scan3A_45 : i32 to index
      %swap3A_66 = arith.constant 64 : index
      %swap3A_67 = tpu.vector_load %arg9[%swap3A_65, %swap3A_66] {strides = array<i32>} : memref<40x128xf32, #tpu.memory_space<vmem>>, vector<1x16xf32>,
      %swap3A_68 = vector.shape_cast %swap3A_67 : vector<1x16xf32> to vector<16xf32>
      %swap3A_69 = vector.shape_cast %broadcast_in_dim3A_1 : vector<16xf32> to vector<1x16xf32>
      tpu.vector_store %arg9[%swap3A_65, %swap3A_66], %swap3A_69 {strides = array<i32>} : memref<40x128xf32, #tpu.memory_space<vmem>>, vector<1x16xf32>,
      %swap3A_70 = arith.index_cast %scan3A_45 : i32 to index
      %swap3A_71 = arith.constant 80 : index
      %swap3A_72 = tpu.vector_load %arg9[%swap3A_70, %swap3A_71] {strides = array<i32>} : memref<40x128xf32, #tpu.memory_space<vmem>>, vector<1x16xf32>,
      %swap3A_73 = vector.shape_cast %swap3A_72 : vector<1x16xf32> to vector<16xf32>
      %swap3A_74 = vector.shape_cast %broadcast_in_dim3A_1 : vector<16xf32> to vector<1x16xf32>
      tpu.vector_store %arg9[%swap3A_70, %swap3A_71], %swap3A_74 {strides = array<i32>} : memref<40x128xf32, #tpu.memory_space<vmem>>, vector<1x16xf32>,
      %swap3A_75 = arith.index_cast %scan3A_45 : i32 to index
      %swap3A_76 = arith.constant 96 : index
      %swap3A_77 = tpu.vector_load %arg9[%swap3A_75, %swap3A_76] {strides = array<i32>} : memref<40x128xf32, #tpu.memory_space<vmem>>, vector<1x16xf32>,
      %swap3A_78 = vector.shape_cast %swap3A_77 : vector<1x16xf32> to vector<16xf32>
      %swap3A_79 = vector.shape_cast %broadcast_in_dim3A_1 : vector<16xf32> to vector<1x16xf32>
      tpu.vector_store %arg9[%swap3A_75, %swap3A_76], %swap3A_79 {strides = array<i32>} : memref<40x128xf32, #tpu.memory_space<vmem>>, vector<1x16xf32>,
      %swap3A_80 = arith.index_cast %scan3A_45 : i32 to index
      %swap3A_81 = arith.constant 112 : index
      %swap3A_82 = tpu.vector_load %arg9[%swap3A_80, %swap3A_81] {strides = array<i32>} : memref<40x128xf32, #tpu.memory_space<vmem>>, vector<1x16xf32>,
      %swap3A_83 = vector.shape_cast %swap3A_82 : vector<1x16xf32> to vector<16xf32>
      %swap3A_84 = vector.shape_cast %broadcast_in_dim3A_1 : vector<16xf32> to vector<1x16xf32>
      tpu.vector_store %arg9[%swap3A_80, %swap3A_81], %swap3A_84 {strides = array<i32>} : memref<40x128xf32, #tpu.memory_space<vmem>>, vector<1x16xf32>,
    }
    %scan3A_6 = arith.constant 40 : i32
    %mul3A_7 = arith.constant 640 : i32
    %mul3A_8 = arith.muli %arg1, %mul3A_7 : i32
    %add3A_9 = arith.constant 0 : i32
    %add3A_10 = arith.addi %mul3A_8, %add3A_9 : i32
    "tpu.region"() ({
      %run_scoped3A = tpu.sem_alloc : memref<!tpu.dma_semaphore, #tpu.memory_space<semaphore_mem>>
      %dma_start3A = arith.constant 0 : i32
      %dma_start3A_45 = tpu.memref_slice %arg15[%add3A_10, %dma_start3A] : memref<10000x128xf32, #tpu.memory_space<vmem_shared>> -> memref<40x128xf32, #tpu.memory_space<vmem_shared>>
      %dma_start3A_46 = arith.constant 0 : i32
      %dma_start3A_47 = tpu.memref_slice %arg15[%add3A_10, %dma_start3A_46] : memref<10000x128xf32, #tpu.memory_space<vmem_shared>> -> memref<40x128xf32, #tpu.memory_space<vmem_shared>>
      tpu.enqueue_dma source(%arg9 : memref<40x128xf32, #tpu.memory_space<vmem>>) target(%dma_start3A_47 : memref<40x128xf32, #tpu.memory_space<vmem_shared>>) target_semaphore(%run_scoped3A : memref<!tpu.dma_semaphore, #tpu.memory_space<semaphore_mem>>)
      %dma_wait3A = arith.constant 0 : i32
      %dma_wait3A_48 = tpu.memref_slice %arg15[%add3A_10, %dma_wait3A] : memref<10000x128xf32, #tpu.memory_space<vmem_shared>> -> memref<40x128xf32, #tpu.memory_space<vmem_shared>>
      %dma_wait3A_49 = arith.constant 0 : i32
      %dma_wait3A_50 = tpu.memref_slice %arg15[%add3A_10, %dma_wait3A_49] : memref<10000x128xf32, #tpu.memory_space<vmem_shared>> -> memref<40x128xf32, #tpu.memory_space<vmem_shared>>
      tpu.wait_dma2 semaphore(%run_scoped3A : memref<!tpu.dma_semaphore, #tpu.memory_space<semaphore_mem>>) src(%arg9 : memref<40x128xf32, #tpu.memory_space<vmem>>) dst(%dma_wait3A_50 : memref<40x128xf32, #tpu.memory_space<vmem_shared>>)
      tpu.yield
    }) : () -> ()
    %add3A_11 = arith.constant 40 : i32
    %add3A_12 = arith.addi %mul3A_8, %add3A_11 : i32
    "tpu.region"() ({
      %run_scoped3A = tpu.sem_alloc : memref<!tpu.dma_semaphore, #tpu.memory_space<semaphore_mem>>
      %dma_start3A = arith.constant 0 : i32
      %dma_start3A_45 = tpu.memref_slice %arg15[%add3A_12, %dma_start3A] : memref<10000x128xf32, #tpu.memory_space<vmem_shared>> -> memref<40x128xf32, #tpu.memory_space<vmem_shared>>
      %dma_start3A_46 = arith.constant 0 : i32
      %dma_start3A_47 = tpu.memref_slice %arg15[%add3A_12, %dma_start3A_46] : memref<10000x128xf32, #tpu.memory_space<vmem_shared>> -> memref<40x128xf32, #tpu.memory_space<vmem_shared>>
      tpu.enqueue_dma source(%arg9 : memref<40x128xf32, #tpu.memory_space<vmem>>) target(%dma_start3A_47 : memref<40x128xf32, #tpu.memory_space<vmem_shared>>) target_semaphore(%run_scoped3A : memref<!tpu.dma_semaphore, #tpu.memory_space<semaphore_mem>>)
      %dma_wait3A = arith.constant 0 : i32
      %dma_wait3A_48 = tpu.memref_slice %arg15[%add3A_12, %dma_wait3A] : memref<10000x128xf32, #tpu.memory_space<vmem_shared>> -> memref<40x128xf32, #tpu.memory_space<vmem_shared>>
      %dma_wait3A_49 = arith.constant 0 : i32
      %dma_wait3A_50 = tpu.memref_slice %arg15[%add3A_12, %dma_wait3A_49] : memref<10000x128xf32, #tpu.memory_space<vmem_shared>> -> memref<40x128xf32, #tpu.memory_space<vmem_shared>>
      tpu.wait_dma2 semaphore(%run_scoped3A : memref<!tpu.dma_semaphore, #tpu.memory_space<semaphore_mem>>) src(%arg9 : memref<40x128xf32, #tpu.memory_space<vmem>>) dst(%dma_wait3A_50 : memref<40x128xf32, #tpu.memory_space<vmem_shared>>)
      tpu.yield
    }) : () -> ()
    %add3A_13 = arith.constant 80 : i32
    %add3A_14 = arith.addi %mul3A_8, %add3A_13 : i32
    "tpu.region"() ({
      %run_scoped3A = tpu.sem_alloc : memref<!tpu.dma_semaphore, #tpu.memory_space<semaphore_mem>>
      %dma_start3A = arith.constant 0 : i32
      %dma_start3A_45 = tpu.memref_slice %arg15[%add3A_14, %dma_start3A] : memref<10000x128xf32, #tpu.memory_space<vmem_shared>> -> memref<40x128xf32, #tpu.memory_space<vmem_shared>>
      %dma_start3A_46 = arith.constant 0 : i32
      %dma_start3A_47 = tpu.memref_slice %arg15[%add3A_14, %dma_start3A_46] : memref<10000x128xf32, #tpu.memory_space<vmem_shared>> -> memref<40x128xf32, #tpu.memory_space<vmem_shared>>
      tpu.enqueue_dma source(%arg9 : memref<40x128xf32, #tpu.memory_space<vmem>>) target(%dma_start3A_47 : memref<40x128xf32, #tpu.memory_space<vmem_shared>>) target_semaphore(%run_scoped3A : memref<!tpu.dma_semaphore, #tpu.memory_space<semaphore_mem>>)
      %dma_wait3A = arith.constant 0 : i32
      %dma_wait3A_48 = tpu.memref_slice %arg15[%add3A_14, %dma_wait3A] : memref<10000x128xf32, #tpu.memory_space<vmem_shared>> -> memref<40x128xf32, #tpu.memory_space<vmem_shared>>
      %dma_wait3A_49 = arith.constant 0 : i32
      %dma_wait3A_50 = tpu.memref_slice %arg15[%add3A_14, %dma_wait3A_49] : memref<10000x128xf32, #tpu.memory_space<vmem_shared>> -> memref<40x128xf32, #tpu.memory_space<vmem_shared>>
      tpu.wait_dma2 semaphore(%run_scoped3A : memref<!tpu.dma_semaphore, #tpu.memory_space<semaphore_mem>>) src(%arg9 : memref<40x128xf32, #tpu.memory_space<vmem>>) dst(%dma_wait3A_50 : memref<40x128xf32, #tpu.memory_space<vmem_shared>>)
      tpu.yield
    }) : () -> ()
    %add3A_15 = arith.constant 120 : i32
    %add3A_16 = arith.addi %mul3A_8, %add3A_15 : i32
    "tpu.region"() ({
      %run_scoped3A = tpu.sem_alloc : memref<!tpu.dma_semaphore, #tpu.memory_space<semaphore_mem>>
      %dma_start3A = arith.constant 0 : i32
      %dma_start3A_45 = tpu.memref_slice %arg15[%add3A_16, %dma_start3A] : memref<10000x128xf32, #tpu.memory_space<vmem_shared>> -> memref<40x128xf32, #tpu.memory_space<vmem_shared>>
      %dma_start3A_46 = arith.constant 0 : i32
      %dma_start3A_47 = tpu.memref_slice %arg15[%add3A_16, %dma_start3A_46] : memref<10000x128xf32, #tpu.memory_space<vmem_shared>> -> memref<40x128xf32, #tpu.memory_space<vmem_shared>>
      tpu.enqueue_dma source(%arg9 : memref<40x128xf32, #tpu.memory_space<vmem>>) target(%dma_start3A_47 : memref<40x128xf32, #tpu.memory_space<vmem_shared>>) target_semaphore(%run_scoped3A : memref<!tpu.dma_semaphore, #tpu.memory_space<semaphore_mem>>)
      %dma_wait3A = arith.constant 0 : i32
      %dma_wait3A_48 = tpu.memref_slice %arg15[%add3A_16, %dma_wait3A] : memref<10000x128xf32, #tpu.memory_space<vmem_shared>> -> memref<40x128xf32, #tpu.memory_space<vmem_shared>>
      %dma_wait3A_49 = arith.constant 0 : i32
      %dma_wait3A_50 = tpu.memref_slice %arg15[%add3A_16, %dma_wait3A_49] : memref<10000x128xf32, #tpu.memory_space<vmem_shared>> -> memref<40x128xf32, #tpu.memory_space<vmem_shared>>
      tpu.wait_dma2 semaphore(%run_scoped3A : memref<!tpu.dma_semaphore, #tpu.memory_space<semaphore_mem>>) src(%arg9 : memref<40x128xf32, #tpu.memory_space<vmem>>) dst(%dma_wait3A_50 : memref<40x128xf32, #tpu.memory_space<vmem_shared>>)
      tpu.yield
    }) : () -> ()
    %add3A_17 = arith.constant 160 : i32
    %add3A_18 = arith.addi %mul3A_8, %add3A_17 : i32
    "tpu.region"() ({
      %run_scoped3A = tpu.sem_alloc : memref<!tpu.dma_semaphore, #tpu.memory_space<semaphore_mem>>
      %dma_start3A = arith.constant 0 : i32
      %dma_start3A_45 = tpu.memref_slice %arg15[%add3A_18, %dma_start3A] : memref<10000x128xf32, #tpu.memory_space<vmem_shared>> -> memref<40x128xf32, #tpu.memory_space<vmem_shared>>
      %dma_start3A_46 = arith.constant 0 : i32
      %dma_start3A_47 = tpu.memref_slice %arg15[%add3A_18, %dma_start3A_46] : memref<10000x128xf32, #tpu.memory_space<vmem_shared>> -> memref<40x128xf32, #tpu.memory_space<vmem_shared>>
      tpu.enqueue_dma source(%arg9 : memref<40x128xf32, #tpu.memory_space<vmem>>) target(%dma_start3A_47 : memref<40x128xf32, #tpu.memory_space<vmem_shared>>) target_semaphore(%run_scoped3A : memref<!tpu.dma_semaphore, #tpu.memory_space<semaphore_mem>>)
      %dma_wait3A = arith.constant 0 : i32
      %dma_wait3A_48 = tpu.memref_slice %arg15[%add3A_18, %dma_wait3A] : memref<10000x128xf32, #tpu.memory_space<vmem_shared>> -> memref<40x128xf32, #tpu.memory_space<vmem_shared>>
      %dma_wait3A_49 = arith.constant 0 : i32
      %dma_wait3A_50 = tpu.memref_slice %arg15[%add3A_18, %dma_wait3A_49] : memref<10000x128xf32, #tpu.memory_space<vmem_shared>> -> memref<40x128xf32, #tpu.memory_space<vmem_shared>>
      tpu.wait_dma2 semaphore(%run_scoped3A : memref<!tpu.dma_semaphore, #tpu.memory_space<semaphore_mem>>) src(%arg9 : memref<40x128xf32, #tpu.memory_space<vmem>>) dst(%dma_wait3A_50 : memref<40x128xf32, #tpu.memory_space<vmem_shared>>)
      tpu.yield
    }) : () -> ()
    %add3A_19 = arith.constant 200 : i32
    %add3A_20 = arith.addi %mul3A_8, %add3A_19 : i32
    "tpu.region"() ({
      %run_scoped3A = tpu.sem_alloc : memref<!tpu.dma_semaphore, #tpu.memory_space<semaphore_mem>>
      %dma_start3A = arith.constant 0 : i32
      %dma_start3A_45 = tpu.memref_slice %arg15[%add3A_20, %dma_start3A] : memref<10000x128xf32, #tpu.memory_space<vmem_shared>> -> memref<40x128xf32, #tpu.memory_space<vmem_shared>>
      %dma_start3A_46 = arith.constant 0 : i32
      %dma_start3A_47 = tpu.memref_slice %arg15[%add3A_20, %dma_start3A_46] : memref<10000x128xf32, #tpu.memory_space<vmem_shared>> -> memref<40x128xf32, #tpu.memory_space<vmem_shared>>
      tpu.enqueue_dma source(%arg9 : memref<40x128xf32, #tpu.memory_space<vmem>>) target(%dma_start3A_47 : memref<40x128xf32, #tpu.memory_space<vmem_shared>>) target_semaphore(%run_scoped3A : memref<!tpu.dma_semaphore, #tpu.memory_space<semaphore_mem>>)
      %dma_wait3A = arith.constant 0 : i32
      %dma_wait3A_48 = tpu.memref_slice %arg15[%add3A_20, %dma_wait3A] : memref<10000x128xf32, #tpu.memory_space<vmem_shared>> -> memref<40x128xf32, #tpu.memory_space<vmem_shared>>
      %dma_wait3A_49 = arith.constant 0 : i32
      %dma_wait3A_50 = tpu.memref_slice %arg15[%add3A_20, %dma_wait3A_49] : memref<10000x128xf32, #tpu.memory_space<vmem_shared>> -> memref<40x128xf32, #tpu.memory_space<vmem_shared>>
      tpu.wait_dma2 semaphore(%run_scoped3A : memref<!tpu.dma_semaphore, #tpu.memory_space<semaphore_mem>>) src(%arg9 : memref<40x128xf32, #tpu.memory_space<vmem>>) dst(%dma_wait3A_50 : memref<40x128xf32, #tpu.memory_space<vmem_shared>>)
      tpu.yield
    }) : () -> ()
    %add3A_21 = arith.constant 240 : i32
    %add3A_22 = arith.addi %mul3A_8, %add3A_21 : i32
    "tpu.region"() ({
      %run_scoped3A = tpu.sem_alloc : memref<!tpu.dma_semaphore, #tpu.memory_space<semaphore_mem>>
      %dma_start3A = arith.constant 0 : i32
      %dma_start3A_45 = tpu.memref_slice %arg15[%add3A_22, %dma_start3A] : memref<10000x128xf32, #tpu.memory_space<vmem_shared>> -> memref<40x128xf32, #tpu.memory_space<vmem_shared>>
      %dma_start3A_46 = arith.constant 0 : i32
      %dma_start3A_47 = tpu.memref_slice %arg15[%add3A_22, %dma_start3A_46] : memref<10000x128xf32, #tpu.memory_space<vmem_shared>> -> memref<40x128xf32, #tpu.memory_space<vmem_shared>>
      tpu.enqueue_dma source(%arg9 : memref<40x128xf32, #tpu.memory_space<vmem>>) target(%dma_start3A_47 : memref<40x128xf32, #tpu.memory_space<vmem_shared>>) target_semaphore(%run_scoped3A : memref<!tpu.dma_semaphore, #tpu.memory_space<semaphore_mem>>)
      %dma_wait3A = arith.constant 0 : i32
      %dma_wait3A_48 = tpu.memref_slice %arg15[%add3A_22, %dma_wait3A] : memref<10000x128xf32, #tpu.memory_space<vmem_shared>> -> memref<40x128xf32, #tpu.memory_space<vmem_shared>>
      %dma_wait3A_49 = arith.constant 0 : i32
      %dma_wait3A_50 = tpu.memref_slice %arg15[%add3A_22, %dma_wait3A_49] : memref<10000x128xf32, #tpu.memory_space<vmem_shared>> -> memref<40x128xf32, #tpu.memory_space<vmem_shared>>
      tpu.wait_dma2 semaphore(%run_scoped3A : memref<!tpu.dma_semaphore, #tpu.memory_space<semaphore_mem>>) src(%arg9 : memref<40x128xf32, #tpu.memory_space<vmem>>) dst(%dma_wait3A_50 : memref<40x128xf32, #tpu.memory_space<vmem_shared>>)
      tpu.yield
    }) : () -> ()
    %add3A_23 = arith.constant 280 : i32
    %add3A_24 = arith.addi %mul3A_8, %add3A_23 : i32
    "tpu.region"() ({
      %run_scoped3A = tpu.sem_alloc : memref<!tpu.dma_semaphore, #tpu.memory_space<semaphore_mem>>
      %dma_start3A = arith.constant 0 : i32
      %dma_start3A_45 = tpu.memref_slice %arg15[%add3A_24, %dma_start3A] : memref<10000x128xf32, #tpu.memory_space<vmem_shared>> -> memref<40x128xf32, #tpu.memory_space<vmem_shared>>
      %dma_start3A_46 = arith.constant 0 : i32
      %dma_start3A_47 = tpu.memref_slice %arg15[%add3A_24, %dma_start3A_46] : memref<10000x128xf32, #tpu.memory_space<vmem_shared>> -> memref<40x128xf32, #tpu.memory_space<vmem_shared>>
      tpu.enqueue_dma source(%arg9 : memref<40x128xf32, #tpu.memory_space<vmem>>) target(%dma_start3A_47 : memref<40x128xf32, #tpu.memory_space<vmem_shared>>) target_semaphore(%run_scoped3A : memref<!tpu.dma_semaphore, #tpu.memory_space<semaphore_mem>>)
      %dma_wait3A = arith.constant 0 : i32
      %dma_wait3A_48 = tpu.memref_slice %arg15[%add3A_24, %dma_wait3A] : memref<10000x128xf32, #tpu.memory_space<vmem_shared>> -> memref<40x128xf32, #tpu.memory_space<vmem_shared>>
      %dma_wait3A_49 = arith.constant 0 : i32
      %dma_wait3A_50 = tpu.memref_slice %arg15[%add3A_24, %dma_wait3A_49] : memref<10000x128xf32, #tpu.memory_space<vmem_shared>> -> memref<40x128xf32, #tpu.memory_space<vmem_shared>>
      tpu.wait_dma2 semaphore(%run_scoped3A : memref<!tpu.dma_semaphore, #tpu.memory_space<semaphore_mem>>) src(%arg9 : memref<40x128xf32, #tpu.memory_space<vmem>>) dst(%dma_wait3A_50 : memref<40x128xf32, #tpu.memory_space<vmem_shared>>)
      tpu.yield
    }) : () -> ()
    %add3A_25 = arith.constant 320 : i32
    %add3A_26 = arith.addi %mul3A_8, %add3A_25 : i32
    "tpu.region"() ({
      %run_scoped3A = tpu.sem_alloc : memref<!tpu.dma_semaphore, #tpu.memory_space<semaphore_mem>>
      %dma_start3A = arith.constant 0 : i32
      %dma_start3A_45 = tpu.memref_slice %arg15[%add3A_26, %dma_start3A] : memref<10000x128xf32, #tpu.memory_space<vmem_shared>> -> memref<40x128xf32, #tpu.memory_space<vmem_shared>>
      %dma_start3A_46 = arith.constant 0 : i32
      %dma_start3A_47 = tpu.memref_slice %arg15[%add3A_26, %dma_start3A_46] : memref<10000x128xf32, #tpu.memory_space<vmem_shared>> -> memref<40x128xf32, #tpu.memory_space<vmem_shared>>
      tpu.enqueue_dma source(%arg9 : memref<40x128xf32, #tpu.memory_space<vmem>>) target(%dma_start3A_47 : memref<40x128xf32, #tpu.memory_space<vmem_shared>>) target_semaphore(%run_scoped3A : memref<!tpu.dma_semaphore, #tpu.memory_space<semaphore_mem>>)
      %dma_wait3A = arith.constant 0 : i32
      %dma_wait3A_48 = tpu.memref_slice %arg15[%add3A_26, %dma_wait3A] : memref<10000x128xf32, #tpu.memory_space<vmem_shared>> -> memref<40x128xf32, #tpu.memory_space<vmem_shared>>
      %dma_wait3A_49 = arith.constant 0 : i32
      %dma_wait3A_50 = tpu.memref_slice %arg15[%add3A_26, %dma_wait3A_49] : memref<10000x128xf32, #tpu.memory_space<vmem_shared>> -> memref<40x128xf32, #tpu.memory_space<vmem_shared>>
      tpu.wait_dma2 semaphore(%run_scoped3A : memref<!tpu.dma_semaphore, #tpu.memory_space<semaphore_mem>>) src(%arg9 : memref<40x128xf32, #tpu.memory_space<vmem>>) dst(%dma_wait3A_50 : memref<40x128xf32, #tpu.memory_space<vmem_shared>>)
      tpu.yield
    }) : () -> ()
    %add3A_27 = arith.constant 360 : i32
    %add3A_28 = arith.addi %mul3A_8, %add3A_27 : i32
    "tpu.region"() ({
      %run_scoped3A = tpu.sem_alloc : memref<!tpu.dma_semaphore, #tpu.memory_space<semaphore_mem>>
      %dma_start3A = arith.constant 0 : i32
      %dma_start3A_45 = tpu.memref_slice %arg15[%add3A_28, %dma_start3A] : memref<10000x128xf32, #tpu.memory_space<vmem_shared>> -> memref<40x128xf32, #tpu.memory_space<vmem_shared>>
      %dma_start3A_46 = arith.constant 0 : i32
      %dma_start3A_47 = tpu.memref_slice %arg15[%add3A_28, %dma_start3A_46] : memref<10000x128xf32, #tpu.memory_space<vmem_shared>> -> memref<40x128xf32, #tpu.memory_space<vmem_shared>>
      tpu.enqueue_dma source(%arg9 : memref<40x128xf32, #tpu.memory_space<vmem>>) target(%dma_start3A_47 : memref<40x128xf32, #tpu.memory_space<vmem_shared>>) target_semaphore(%run_scoped3A : memref<!tpu.dma_semaphore, #tpu.memory_space<semaphore_mem>>)
      %dma_wait3A = arith.constant 0 : i32
      %dma_wait3A_48 = tpu.memref_slice %arg15[%add3A_28, %dma_wait3A] : memref<10000x128xf32, #tpu.memory_space<vmem_shared>> -> memref<40x128xf32, #tpu.memory_space<vmem_shared>>
      %dma_wait3A_49 = arith.constant 0 : i32
      %dma_wait3A_50 = tpu.memref_slice %arg15[%add3A_28, %dma_wait3A_49] : memref<10000x128xf32, #tpu.memory_space<vmem_shared>> -> memref<40x128xf32, #tpu.memory_space<vmem_shared>>
      tpu.wait_dma2 semaphore(%run_scoped3A : memref<!tpu.dma_semaphore, #tpu.memory_space<semaphore_mem>>) src(%arg9 : memref<40x128xf32, #tpu.memory_space<vmem>>) dst(%dma_wait3A_50 : memref<40x128xf32, #tpu.memory_space<vmem_shared>>)
      tpu.yield
    }) : () -> ()
    %lt3A = arith.constant 15 : i32
    %lt3A_29 = arith.cmpi slt, %arg1, %lt3A : i32
    %convert_element_type3A = arith.extui %lt3A_29 : i1 to i32
    %cond3A = arith.constant 0 : i32
    %cond3A_30 = arith.cmpi ne, %convert_element_type3A, %cond3A : i32
    scf.if %cond3A_30 {
      %add3A_45 = arith.constant 400 : i32
      %add3A_46 = arith.addi %mul3A_8, %add3A_45 : i32
      "tpu.region"() ({
        %run_scoped3A = tpu.sem_alloc : memref<!tpu.dma_semaphore, #tpu.memory_space<semaphore_mem>>
        %dma_start3A = arith.constant 0 : i32
        %dma_start3A_57 = tpu.memref_slice %arg15[%add3A_46, %dma_start3A] : memref<10000x128xf32, #tpu.memory_space<vmem_shared>> -> memref<40x128xf32, #tpu.memory_space<vmem_shared>>
        %dma_start3A_58 = arith.constant 0 : i32
        %dma_start3A_59 = tpu.memref_slice %arg15[%add3A_46, %dma_start3A_58] : memref<10000x128xf32, #tpu.memory_space<vmem_shared>> -> memref<40x128xf32, #tpu.memory_space<vmem_shared>>
        tpu.enqueue_dma source(%arg9 : memref<40x128xf32, #tpu.memory_space<vmem>>) target(%dma_start3A_59 : memref<40x128xf32, #tpu.memory_space<vmem_shared>>) target_semaphore(%run_scoped3A : memref<!tpu.dma_semaphore, #tpu.memory_space<semaphore_mem>>)
        %dma_wait3A = arith.constant 0 : i32
        %dma_wait3A_60 = tpu.memref_slice %arg15[%add3A_46, %dma_wait3A] : memref<10000x128xf32, #tpu.memory_space<vmem_shared>> -> memref<40x128xf32, #tpu.memory_space<vmem_shared>>
        %dma_wait3A_61 = arith.constant 0 : i32
        %dma_wait3A_62 = tpu.memref_slice %arg15[%add3A_46, %dma_wait3A_61] : memref<10000x128xf32, #tpu.memory_space<vmem_shared>> -> memref<40x128xf32, #tpu.memory_space<vmem_shared>>
        tpu.wait_dma2 semaphore(%run_scoped3A : memref<!tpu.dma_semaphore, #tpu.memory_space<semaphore_mem>>) src(%arg9 : memref<40x128xf32, #tpu.memory_space<vmem>>) dst(%dma_wait3A_62 : memref<40x128xf32, #tpu.memory_space<vmem_shared>>)
        tpu.yield
      }) : () -> ()
      %add3A_47 = arith.constant 440 : i32
      %add3A_48 = arith.addi %mul3A_8, %add3A_47 : i32
      "tpu.region"() ({
        %run_scoped3A = tpu.sem_alloc : memref<!tpu.dma_semaphore, #tpu.memory_space<semaphore_mem>>
        %dma_start3A = arith.constant 0 : i32
        %dma_start3A_57 = tpu.memref_slice %arg15[%add3A_48, %dma_start3A] : memref<10000x128xf32, #tpu.memory_space<vmem_shared>> -> memref<40x128xf32, #tpu.memory_space<vmem_shared>>
        %dma_start3A_58 = arith.constant 0 : i32
        %dma_start3A_59 = tpu.memref_slice %arg15[%add3A_48, %dma_start3A_58] : memref<10000x128xf32, #tpu.memory_space<vmem_shared>> -> memref<40x128xf32, #tpu.memory_space<vmem_shared>>
        tpu.enqueue_dma source(%arg9 : memref<40x128xf32, #tpu.memory_space<vmem>>) target(%dma_start3A_59 : memref<40x128xf32, #tpu.memory_space<vmem_shared>>) target_semaphore(%run_scoped3A : memref<!tpu.dma_semaphore, #tpu.memory_space<semaphore_mem>>)
        %dma_wait3A = arith.constant 0 : i32
        %dma_wait3A_60 = tpu.memref_slice %arg15[%add3A_48, %dma_wait3A] : memref<10000x128xf32, #tpu.memory_space<vmem_shared>> -> memref<40x128xf32, #tpu.memory_space<vmem_shared>>
        %dma_wait3A_61 = arith.constant 0 : i32
        %dma_wait3A_62 = tpu.memref_slice %arg15[%add3A_48, %dma_wait3A_61] : memref<10000x128xf32, #tpu.memory_space<vmem_shared>> -> memref<40x128xf32, #tpu.memory_space<vmem_shared>>
        tpu.wait_dma2 semaphore(%run_scoped3A : memref<!tpu.dma_semaphore, #tpu.memory_space<semaphore_mem>>) src(%arg9 : memref<40x128xf32, #tpu.memory_space<vmem>>) dst(%dma_wait3A_62 : memref<40x128xf32, #tpu.memory_space<vmem_shared>>)
        tpu.yield
      }) : () -> ()
      %add3A_49 = arith.constant 480 : i32
      %add3A_50 = arith.addi %mul3A_8, %add3A_49 : i32
      "tpu.region"() ({
        %run_scoped3A = tpu.sem_alloc : memref<!tpu.dma_semaphore, #tpu.memory_space<semaphore_mem>>
        %dma_start3A = arith.constant 0 : i32
        %dma_start3A_57 = tpu.memref_slice %arg15[%add3A_50, %dma_start3A] : memref<10000x128xf32, #tpu.memory_space<vmem_shared>> -> memref<40x128xf32, #tpu.memory_space<vmem_shared>>
        %dma_start3A_58 = arith.constant 0 : i32
        %dma_start3A_59 = tpu.memref_slice %arg15[%add3A_50, %dma_start3A_58] : memref<10000x128xf32, #tpu.memory_space<vmem_shared>> -> memref<40x128xf32, #tpu.memory_space<vmem_shared>>
        tpu.enqueue_dma source(%arg9 : memref<40x128xf32, #tpu.memory_space<vmem>>) target(%dma_start3A_59 : memref<40x128xf32, #tpu.memory_space<vmem_shared>>) target_semaphore(%run_scoped3A : memref<!tpu.dma_semaphore, #tpu.memory_space<semaphore_mem>>)
        %dma_wait3A = arith.constant 0 : i32
        %dma_wait3A_60 = tpu.memref_slice %arg15[%add3A_50, %dma_wait3A] : memref<10000x128xf32, #tpu.memory_space<vmem_shared>> -> memref<40x128xf32, #tpu.memory_space<vmem_shared>>
        %dma_wait3A_61 = arith.constant 0 : i32
        %dma_wait3A_62 = tpu.memref_slice %arg15[%add3A_50, %dma_wait3A_61] : memref<10000x128xf32, #tpu.memory_space<vmem_shared>> -> memref<40x128xf32, #tpu.memory_space<vmem_shared>>
        tpu.wait_dma2 semaphore(%run_scoped3A : memref<!tpu.dma_semaphore, #tpu.memory_space<semaphore_mem>>) src(%arg9 : memref<40x128xf32, #tpu.memory_space<vmem>>) dst(%dma_wait3A_62 : memref<40x128xf32, #tpu.memory_space<vmem_shared>>)
        tpu.yield
      }) : () -> ()
      %add3A_51 = arith.constant 520 : i32
      %add3A_52 = arith.addi %mul3A_8, %add3A_51 : i32
      "tpu.region"() ({
        %run_scoped3A = tpu.sem_alloc : memref<!tpu.dma_semaphore, #tpu.memory_space<semaphore_mem>>
        %dma_start3A = arith.constant 0 : i32
        %dma_start3A_57 = tpu.memref_slice %arg15[%add3A_52, %dma_start3A] : memref<10000x128xf32, #tpu.memory_space<vmem_shared>> -> memref<40x128xf32, #tpu.memory_space<vmem_shared>>
        %dma_start3A_58 = arith.constant 0 : i32
        %dma_start3A_59 = tpu.memref_slice %arg15[%add3A_52, %dma_start3A_58] : memref<10000x128xf32, #tpu.memory_space<vmem_shared>> -> memref<40x128xf32, #tpu.memory_space<vmem_shared>>
        tpu.enqueue_dma source(%arg9 : memref<40x128xf32, #tpu.memory_space<vmem>>) target(%dma_start3A_59 : memref<40x128xf32, #tpu.memory_space<vmem_shared>>) target_semaphore(%run_scoped3A : memref<!tpu.dma_semaphore, #tpu.memory_space<semaphore_mem>>)
        %dma_wait3A = arith.constant 0 : i32
        %dma_wait3A_60 = tpu.memref_slice %arg15[%add3A_52, %dma_wait3A] : memref<10000x128xf32, #tpu.memory_space<vmem_shared>> -> memref<40x128xf32, #tpu.memory_space<vmem_shared>>
        %dma_wait3A_61 = arith.constant 0 : i32
        %dma_wait3A_62 = tpu.memref_slice %arg15[%add3A_52, %dma_wait3A_61] : memref<10000x128xf32, #tpu.memory_space<vmem_shared>> -> memref<40x128xf32, #tpu.memory_space<vmem_shared>>
        tpu.wait_dma2 semaphore(%run_scoped3A : memref<!tpu.dma_semaphore, #tpu.memory_space<semaphore_mem>>) src(%arg9 : memref<40x128xf32, #tpu.memory_space<vmem>>) dst(%dma_wait3A_62 : memref<40x128xf32, #tpu.memory_space<vmem_shared>>)
        tpu.yield
      }) : () -> ()
      %add3A_53 = arith.constant 560 : i32
      %add3A_54 = arith.addi %mul3A_8, %add3A_53 : i32
      "tpu.region"() ({
        %run_scoped3A = tpu.sem_alloc : memref<!tpu.dma_semaphore, #tpu.memory_space<semaphore_mem>>
        %dma_start3A = arith.constant 0 : i32
        %dma_start3A_57 = tpu.memref_slice %arg15[%add3A_54, %dma_start3A] : memref<10000x128xf32, #tpu.memory_space<vmem_shared>> -> memref<40x128xf32, #tpu.memory_space<vmem_shared>>
        %dma_start3A_58 = arith.constant 0 : i32
        %dma_start3A_59 = tpu.memref_slice %arg15[%add3A_54, %dma_start3A_58] : memref<10000x128xf32, #tpu.memory_space<vmem_shared>> -> memref<40x128xf32, #tpu.memory_space<vmem_shared>>
        tpu.enqueue_dma source(%arg9 : memref<40x128xf32, #tpu.memory_space<vmem>>) target(%dma_start3A_59 : memref<40x128xf32, #tpu.memory_space<vmem_shared>>) target_semaphore(%run_scoped3A : memref<!tpu.dma_semaphore, #tpu.memory_space<semaphore_mem>>)
        %dma_wait3A = arith.constant 0 : i32
        %dma_wait3A_60 = tpu.memref_slice %arg15[%add3A_54, %dma_wait3A] : memref<10000x128xf32, #tpu.memory_space<vmem_shared>> -> memref<40x128xf32, #tpu.memory_space<vmem_shared>>
        %dma_wait3A_61 = arith.constant 0 : i32
        %dma_wait3A_62 = tpu.memref_slice %arg15[%add3A_54, %dma_wait3A_61] : memref<10000x128xf32, #tpu.memory_space<vmem_shared>> -> memref<40x128xf32, #tpu.memory_space<vmem_shared>>
        tpu.wait_dma2 semaphore(%run_scoped3A : memref<!tpu.dma_semaphore, #tpu.memory_space<semaphore_mem>>) src(%arg9 : memref<40x128xf32, #tpu.memory_space<vmem>>) dst(%dma_wait3A_62 : memref<40x128xf32, #tpu.memory_space<vmem_shared>>)
        tpu.yield
      }) : () -> ()
      %add3A_55 = arith.constant 600 : i32
      %add3A_56 = arith.addi %mul3A_8, %add3A_55 : i32
      "tpu.region"() ({
        %run_scoped3A = tpu.sem_alloc : memref<!tpu.dma_semaphore, #tpu.memory_space<semaphore_mem>>
        %dma_start3A = arith.constant 0 : i32
        %dma_start3A_57 = tpu.memref_slice %arg15[%add3A_56, %dma_start3A] : memref<10000x128xf32, #tpu.memory_space<vmem_shared>> -> memref<40x128xf32, #tpu.memory_space<vmem_shared>>
        %dma_start3A_58 = arith.constant 0 : i32
        %dma_start3A_59 = tpu.memref_slice %arg15[%add3A_56, %dma_start3A_58] : memref<10000x128xf32, #tpu.memory_space<vmem_shared>> -> memref<40x128xf32, #tpu.memory_space<vmem_shared>>
        tpu.enqueue_dma source(%arg9 : memref<40x128xf32, #tpu.memory_space<vmem>>) target(%dma_start3A_59 : memref<40x128xf32, #tpu.memory_space<vmem_shared>>) target_semaphore(%run_scoped3A : memref<!tpu.dma_semaphore, #tpu.memory_space<semaphore_mem>>)
        %dma_wait3A = arith.constant 0 : i32
        %dma_wait3A_60 = tpu.memref_slice %arg15[%add3A_56, %dma_wait3A] : memref<10000x128xf32, #tpu.memory_space<vmem_shared>> -> memref<40x128xf32, #tpu.memory_space<vmem_shared>>
        %dma_wait3A_61 = arith.constant 0 : i32
        %dma_wait3A_62 = tpu.memref_slice %arg15[%add3A_56, %dma_wait3A_61] : memref<10000x128xf32, #tpu.memory_space<vmem_shared>> -> memref<40x128xf32, #tpu.memory_space<vmem_shared>>
        tpu.wait_dma2 semaphore(%run_scoped3A : memref<!tpu.dma_semaphore, #tpu.memory_space<semaphore_mem>>) src(%arg9 : memref<40x128xf32, #tpu.memory_space<vmem>>) dst(%dma_wait3A_62 : memref<40x128xf32, #tpu.memory_space<vmem_shared>>)
        tpu.yield
      }) : () -> ()
    } else {
    }
    %barrier3A = arith.constant 0 : index
    tpu.barrier barrier_id(%barrier3A)
    %mul3A_31 = arith.constant 5000 : i32
    %mul3A_32 = arith.muli %add3A, %mul3A_31 : i32
    %scan3A_33 = arith.constant 0 : i32
    %scan3A_34 = arith.constant 0 : i32
    %scan3A_35 = arith.constant 5 : i32
    %scan3A_36 = arith.addi %scan3A_34, %scan3A_35 : i32
    %scan3A_37 = arith.constant 1 : i32
    scf.for %scan3A_45 = %scan3A_34 to %scan3A_36 step %scan3A_37  : i32 {
      %mul3A_46 = arith.constant 25 : i32
      %mul3A_47 = arith.muli %scan3A_45, %mul3A_46 : i32
      "tpu.region"() ({
        %run_scoped3A = tpu.sem_alloc : memref<!tpu.dma_semaphore, #tpu.memory_space<semaphore_mem>>
        %dma_start3A_118 = arith.constant 0 : i32
        %dma_start3A_119 = arith.constant 0 : i32
        %dma_start3A_120 = tpu.memref_slice %arg4[%add3A, %scan3A_45, %dma_start3A_118, %dma_start3A_119] : memref<32x5x25x40xi32, #tpu.memory_space<hbm>> -> memref<1x1x25x40xi32, #tpu.memory_space<hbm>>
        %dma_start3A_121 = tpu.memref_squeeze %dma_start3A_120 : memref<1x1x25x40xi32, #tpu.memory_space<hbm>> -> memref<25x40xi32, #tpu.memory_space<hbm>>
        %dma_start3A_122 = arith.constant 0 : i32
        %dma_start3A_123 = arith.constant 0 : i32
        %dma_start3A_124 = tpu.memref_slice %arg4[%add3A, %scan3A_45, %dma_start3A_122, %dma_start3A_123] : memref<32x5x25x40xi32, #tpu.memory_space<hbm>> -> memref<1x1x25x40xi32, #tpu.memory_space<hbm>>
        %dma_start3A_125 = tpu.memref_squeeze %dma_start3A_124 : memref<1x1x25x40xi32, #tpu.memory_space<hbm>> -> memref<25x40xi32, #tpu.memory_space<hbm>>
        tpu.enqueue_dma source(%dma_start3A_125 : memref<25x40xi32, #tpu.memory_space<hbm>>) target(%arg7 : memref<25x40xi32, #tpu.memory_space<vmem>>) target_semaphore(%run_scoped3A : memref<!tpu.dma_semaphore, #tpu.memory_space<semaphore_mem>>)
        %dma_wait3A_126 = arith.constant 0 : i32
        %dma_wait3A_127 = arith.constant 0 : i32
        %dma_wait3A_128 = tpu.memref_slice %arg4[%add3A, %scan3A_45, %dma_wait3A_126, %dma_wait3A_127] : memref<32x5x25x40xi32, #tpu.memory_space<hbm>> -> memref<1x1x25x40xi32, #tpu.memory_space<hbm>>
        %dma_wait3A_129 = tpu.memref_squeeze %dma_wait3A_128 : memref<1x1x25x40xi32, #tpu.memory_space<hbm>> -> memref<25x40xi32, #tpu.memory_space<hbm>>
        %dma_wait3A_130 = arith.constant 0 : i32
        %dma_wait3A_131 = arith.constant 0 : i32
        %dma_wait3A_132 = tpu.memref_slice %arg4[%add3A, %scan3A_45, %dma_wait3A_130, %dma_wait3A_131] : memref<32x5x25x40xi32, #tpu.memory_space<hbm>> -> memref<1x1x25x40xi32, #tpu.memory_space<hbm>>
        %dma_wait3A_133 = tpu.memref_squeeze %dma_wait3A_132 : memref<1x1x25x40xi32, #tpu.memory_space<hbm>> -> memref<25x40xi32, #tpu.memory_space<hbm>>
        tpu.wait_dma2 semaphore(%run_scoped3A : memref<!tpu.dma_semaphore, #tpu.memory_space<semaphore_mem>>) src(%dma_wait3A_133 : memref<25x40xi32, #tpu.memory_space<hbm>>) dst(%arg7 : memref<25x40xi32, #tpu.memory_space<vmem>>)
        tpu.yield
      }) : () -> ()
      "tpu.region"() ({
        %run_scoped3A = tpu.sem_alloc : memref<!tpu.dma_semaphore, #tpu.memory_space<semaphore_mem>>
        %dma_start3A_118 = arith.constant 0 : i32
        %dma_start3A_119 = arith.constant 0 : i32
        %dma_start3A_120 = tpu.memref_slice %arg5[%add3A, %scan3A_45, %dma_start3A_118, %dma_start3A_119] : memref<32x5x25x40xi32, #tpu.memory_space<hbm>> -> memref<1x1x25x40xi32, #tpu.memory_space<hbm>>
        %dma_start3A_121 = tpu.memref_squeeze %dma_start3A_120 : memref<1x1x25x40xi32, #tpu.memory_space<hbm>> -> memref<25x40xi32, #tpu.memory_space<hbm>>
        %dma_start3A_122 = arith.constant 0 : i32
        %dma_start3A_123 = arith.constant 0 : i32
        %dma_start3A_124 = tpu.memref_slice %arg5[%add3A, %scan3A_45, %dma_start3A_122, %dma_start3A_123] : memref<32x5x25x40xi32, #tpu.memory_space<hbm>> -> memref<1x1x25x40xi32, #tpu.memory_space<hbm>>
        %dma_start3A_125 = tpu.memref_squeeze %dma_start3A_124 : memref<1x1x25x40xi32, #tpu.memory_space<hbm>> -> memref<25x40xi32, #tpu.memory_space<hbm>>
        tpu.enqueue_dma source(%dma_start3A_125 : memref<25x40xi32, #tpu.memory_space<hbm>>) target(%arg8 : memref<25x40xi32, #tpu.memory_space<vmem>>) target_semaphore(%run_scoped3A : memref<!tpu.dma_semaphore, #tpu.memory_space<semaphore_mem>>)
        %dma_wait3A_126 = arith.constant 0 : i32
        %dma_wait3A_127 = arith.constant 0 : i32
        %dma_wait3A_128 = tpu.memref_slice %arg5[%add3A, %scan3A_45, %dma_wait3A_126, %dma_wait3A_127] : memref<32x5x25x40xi32, #tpu.memory_space<hbm>> -> memref<1x1x25x40xi32, #tpu.memory_space<hbm>>
        %dma_wait3A_129 = tpu.memref_squeeze %dma_wait3A_128 : memref<1x1x25x40xi32, #tpu.memory_space<hbm>> -> memref<25x40xi32, #tpu.memory_space<hbm>>
        %dma_wait3A_130 = arith.constant 0 : i32
        %dma_wait3A_131 = arith.constant 0 : i32
        %dma_wait3A_132 = tpu.memref_slice %arg5[%add3A, %scan3A_45, %dma_wait3A_130, %dma_wait3A_131] : memref<32x5x25x40xi32, #tpu.memory_space<hbm>> -> memref<1x1x25x40xi32, #tpu.memory_space<hbm>>
        %dma_wait3A_133 = tpu.memref_squeeze %dma_wait3A_132 : memref<1x1x25x40xi32, #tpu.memory_space<hbm>> -> memref<25x40xi32, #tpu.memory_space<hbm>>
        tpu.wait_dma2 semaphore(%run_scoped3A : memref<!tpu.dma_semaphore, #tpu.memory_space<semaphore_mem>>) src(%dma_wait3A_133 : memref<25x40xi32, #tpu.memory_space<hbm>>) dst(%arg8 : memref<25x40xi32, #tpu.memory_space<vmem>>)
        tpu.yield
      }) : () -> ()
      %add3A_48 = arith.constant 0 : i32
      %add3A_49 = arith.addi %mul3A_47, %add3A_48 : i32
      %mul3A_50 = arith.constant 40 : i32
      %mul3A_51 = arith.muli %add3A_49, %mul3A_50 : i32
      %add3A_52 = arith.addi %mul3A_32, %mul3A_51 : i32
      %dma_start3A = arith.constant 0 : i32
      %dma_start3A_53 = tpu.memref_slice %arg3[%add3A_52, %dma_start3A] : memref<160000x128xf32, #tpu.memory_space<hbm>> -> memref<40x128xf32, #tpu.memory_space<hbm>>
      %dma_start3A_54 = arith.constant 0 : i32
      %dma_start3A_55 = tpu.memref_slice %arg3[%add3A_52, %dma_start3A_54] : memref<160000x128xf32, #tpu.memory_space<hbm>> -> memref<40x128xf32, #tpu.memory_space<hbm>>
      tpu.enqueue_dma source(%dma_start3A_55 : memref<40x128xf32, #tpu.memory_space<hbm>>) target(%arg11 : memref<40x128xf32, #tpu.memory_space<vmem>>) target_semaphore(%arg18 : memref<!tpu.dma_semaphore, #tpu.memory_space<semaphore_mem>>)
      %dma_start3A_56 = arith.constant 0 : i32
      %dma_start3A_57 = arith.constant 0 : i32
      %dma_start3A_58 = tpu.memref_slice %arg7[%dma_start3A_56, %dma_start3A_57] : memref<25x40xi32, #tpu.memory_space<vmem>> -> memref<1x40xi32, #tpu.memory_space<vmem>>
      %dma_start3A_59 = tpu.memref_squeeze %dma_start3A_58 : memref<1x40xi32, #tpu.memory_space<vmem>> -> memref<40xi32, #tpu.memory_space<vmem>>
      %dma_start3A_60 = arith.constant 0 : i32
      %dma_start3A_61 = arith.constant 0 : i32
      %dma_start3A_62 = tpu.memref_slice %arg2[%dma_start3A_60, %dma_start3A_61] : memref<10000x128xf32, #tpu.memory_space<hbm>> -> memref<10000x128xf32, #tpu.memory_space<hbm>>
      tpu.enqueue_indirect_dma source(%dma_start3A_62 : memref<10000x128xf32, #tpu.memory_space<hbm>>) target(%arg9 : memref<40x128xf32, #tpu.memory_space<vmem>>) offsets(%dma_start3A_59 : memref<40xi32, #tpu.memory_space<vmem>>) semaphore(%arg16 : memref<!tpu.dma_semaphore, #tpu.memory_space<semaphore_mem>>)
      %scan3A_63 = arith.constant 0 : i32
      %scan3A_64 = arith.constant 0 : i32
      %scan3A_65 = arith.constant 12 : i32
      %scan3A_66 = arith.addi %scan3A_64, %scan3A_65 : i32
      %scan3A_67 = arith.constant 1 : i32
      scf.for %scan3A_118 = %scan3A_64 to %scan3A_66 step %scan3A_67  : i32 {
        %mul3A_119 = arith.constant 2 : i32
        %mul3A_120 = arith.muli %mul3A_119, %scan3A_118 : i32
        %mul3A_121 = arith.constant 2 : i32
        %mul3A_122 = arith.muli %mul3A_121, %scan3A_118 : i32
        %add3A_123 = arith.constant 1 : i32
        %add3A_124 = arith.addi %mul3A_122, %add3A_123 : i32
        %add3A_125 = arith.addi %mul3A_47, %add3A_124 : i32
        %mul3A_126 = arith.constant 40 : i32
        %mul3A_127 = arith.muli %add3A_125, %mul3A_126 : i32
        %add3A_128 = arith.addi %mul3A_32, %mul3A_127 : i32
        %dma_start3A_129 = arith.constant 0 : i32
        %dma_start3A_130 = tpu.memref_slice %arg3[%add3A_128, %dma_start3A_129] : memref<160000x128xf32, #tpu.memory_space<hbm>> -> memref<40x128xf32, #tpu.memory_space<hbm>>
        %dma_start3A_131 = arith.constant 0 : i32
        %dma_start3A_132 = tpu.memref_slice %arg3[%add3A_128, %dma_start3A_131] : memref<160000x128xf32, #tpu.memory_space<hbm>> -> memref<40x128xf32, #tpu.memory_space<hbm>>
        tpu.enqueue_dma source(%dma_start3A_132 : memref<40x128xf32, #tpu.memory_space<hbm>>) target(%arg12 : memref<40x128xf32, #tpu.memory_space<vmem>>) target_semaphore(%arg19 : memref<!tpu.dma_semaphore, #tpu.memory_space<semaphore_mem>>)
        %dma_start3A_133 = arith.constant 0 : i32
        %dma_start3A_134 = tpu.memref_slice %arg7[%add3A_124, %dma_start3A_133] : memref<25x40xi32, #tpu.memory_space<vmem>> -> memref<1x40xi32, #tpu.memory_space<vmem>>
        %dma_start3A_135 = tpu.memref_squeeze %dma_start3A_134 : memref<1x40xi32, #tpu.memory_space<vmem>> -> memref<40xi32, #tpu.memory_space<vmem>>
        %dma_start3A_136 = arith.constant 0 : i32
        %dma_start3A_137 = arith.constant 0 : i32
        %dma_start3A_138 = tpu.memref_slice %arg2[%dma_start3A_136, %dma_start3A_137] : memref<10000x128xf32, #tpu.memory_space<hbm>> -> memref<10000x128xf32, #tpu.memory_space<hbm>>
        tpu.enqueue_indirect_dma source(%dma_start3A_138 : memref<10000x128xf32, #tpu.memory_space<hbm>>) target(%arg10 : memref<40x128xf32, #tpu.memory_space<vmem>>) offsets(%dma_start3A_135 : memref<40xi32, #tpu.memory_space<vmem>>) semaphore(%arg17 : memref<!tpu.dma_semaphore, #tpu.memory_space<semaphore_mem>>)
        %add3A_139 = arith.addi %mul3A_47, %mul3A_120 : i32
        %mul3A_140 = arith.constant 40 : i32
        %mul3A_141 = arith.muli %add3A_139, %mul3A_140 : i32
        %add3A_142 = arith.addi %mul3A_32, %mul3A_141 : i32
        %dma_wait3A_143 = arith.constant 0 : i32
        %dma_wait3A_144 = tpu.memref_slice %arg3[%add3A_142, %dma_wait3A_143] : memref<160000x128xf32, #tpu.memory_space<hbm>> -> memref<40x128xf32, #tpu.memory_space<hbm>>
        %dma_wait3A_145 = arith.constant 0 : i32
        %dma_wait3A_146 = tpu.memref_slice %arg3[%add3A_142, %dma_wait3A_145] : memref<160000x128xf32, #tpu.memory_space<hbm>> -> memref<40x128xf32, #tpu.memory_space<hbm>>
        tpu.wait_dma2 semaphore(%arg18 : memref<!tpu.dma_semaphore, #tpu.memory_space<semaphore_mem>>) src(%dma_wait3A_146 : memref<40x128xf32, #tpu.memory_space<hbm>>) dst(%arg11 : memref<40x128xf32, #tpu.memory_space<vmem>>)
        %dma_wait3A_147 = arith.constant 0 : i32
        %dma_wait3A_148 = tpu.memref_slice %arg7[%mul3A_120, %dma_wait3A_147] : memref<25x40xi32, #tpu.memory_space<vmem>> -> memref<1x40xi32, #tpu.memory_space<vmem>>
        %dma_wait3A_149 = tpu.memref_squeeze %dma_wait3A_148 : memref<1x40xi32, #tpu.memory_space<vmem>> -> memref<40xi32, #tpu.memory_space<vmem>>
        %dma_wait3A_150 = arith.constant 0 : i32
        %dma_wait3A_151 = arith.constant 0 : i32
        %dma_wait3A_152 = tpu.memref_slice %arg2[%dma_wait3A_150, %dma_wait3A_151] : memref<10000x128xf32, #tpu.memory_space<hbm>> -> memref<10000x128xf32, #tpu.memory_space<hbm>>
        tpu.wait_indirect_dma semaphore(%arg16 : memref<!tpu.dma_semaphore, #tpu.memory_space<semaphore_mem>>) src(%dma_wait3A_152 : memref<10000x128xf32, #tpu.memory_space<hbm>>) dst(%arg9 : memref<40x128xf32, #tpu.memory_space<vmem>>)
        %gt3A = arith.constant 0 : i32
        %gt3A_153 = arith.cmpi sgt, %scan3A_118, %gt3A : i32
        %convert_element_type3A_154 = arith.extui %gt3A_153 : i1 to i32
        %cond3A_155 = arith.constant 0 : i32
        %cond3A_156 = arith.cmpi ne, %convert_element_type3A_154, %cond3A_155 : i32
        scf.if %cond3A_156 {
          %sub3A = arith.constant 2 : i32
          %sub3A_216 = arith.subi %mul3A_120, %sub3A : i32
          %dma_wait3A_217 = arith.constant 0 : i32
          %dma_wait3A_218 = tpu.memref_slice %arg8[%sub3A_216, %dma_wait3A_217] : memref<25x40xi32, #tpu.memory_space<vmem>> -> memref<1x40xi32, #tpu.memory_space<vmem>>
          %dma_wait3A_219 = tpu.memref_squeeze %dma_wait3A_218 : memref<1x40xi32, #tpu.memory_space<vmem>> -> memref<40xi32, #tpu.memory_space<vmem>>
          %dma_wait3A_220 = arith.constant 0 : i32
          %dma_wait3A_221 = arith.constant 0 : i32
          %dma_wait3A_222 = tpu.memref_slice %arg15[%dma_wait3A_220, %dma_wait3A_221] : memref<10000x128xf32, #tpu.memory_space<vmem_shared>> -> memref<10000x128xf32, #tpu.memory_space<vmem_shared>>
          tpu.wait_indirect_dma semaphore(%arg20 : memref<!tpu.dma_semaphore, #tpu.memory_space<semaphore_mem>>) src(%arg13 : memref<40x128xf32, #tpu.memory_space<vmem>>) dst(%dma_wait3A_222 : memref<10000x128xf32, #tpu.memory_space<vmem_shared>>)
        } else {
        }
        %scan3A_157 = arith.constant 0 : i32
        %scan3A_158 = arith.constant 0 : i32
        %scan3A_159 = arith.constant 40 : i32
        %scan3A_160 = arith.addi %scan3A_158, %scan3A_159 : i32
        %scan3A_161 = arith.constant 1 : i32
        scf.for %scan3A_216 = %scan3A_158 to %scan3A_160 step %scan3A_161  : i32 {
          %get3A = arith.index_cast %scan3A_216 : i32 to index
          %get3A_217 = arith.constant 0 : index
          %get3A_218 = tpu.vector_load %arg9[%get3A, %get3A_217] {strides = array<i32>} : memref<40x128xf32, #tpu.memory_space<vmem>>, vector<1x16xf32>,
          %get3A_219 = vector.shape_cast %get3A_218 : vector<1x16xf32> to vector<16xf32>
          %get3A_220 = arith.index_cast %scan3A_216 : i32 to index
          %get3A_221 = arith.constant 0 : index
          %get3A_222 = tpu.vector_load %arg11[%get3A_220, %get3A_221] {strides = array<i32>} : memref<40x128xf32, #tpu.memory_space<vmem>>, vector<1x16xf32>,
          %get3A_223 = vector.shape_cast %get3A_222 : vector<1x16xf32> to vector<16xf32>
          %mul3A_224 = arith.mulf %get3A_219, %get3A_223 : vector<16xf32>
          %swap3A = arith.index_cast %scan3A_216 : i32 to index
          %swap3A_225 = arith.constant 0 : index
          %swap3A_226 = tpu.vector_load %arg13[%swap3A, %swap3A_225] {strides = array<i32>} : memref<40x128xf32, #tpu.memory_space<vmem>>, vector<1x16xf32>,
          %swap3A_227 = vector.shape_cast %swap3A_226 : vector<1x16xf32> to vector<16xf32>
          %swap3A_228 = vector.shape_cast %mul3A_224 : vector<16xf32> to vector<1x16xf32>
          tpu.vector_store %arg13[%swap3A, %swap3A_225], %swap3A_228 {strides = array<i32>} : memref<40x128xf32, #tpu.memory_space<vmem>>, vector<1x16xf32>,
          %get3A_229 = arith.index_cast %scan3A_216 : i32 to index
          %get3A_230 = arith.constant 16 : index
          %get3A_231 = tpu.vector_load %arg9[%get3A_229, %get3A_230] {strides = array<i32>} : memref<40x128xf32, #tpu.memory_space<vmem>>, vector<1x16xf32>,
          %get3A_232 = vector.shape_cast %get3A_231 : vector<1x16xf32> to vector<16xf32>
          %get3A_233 = arith.index_cast %scan3A_216 : i32 to index
          %get3A_234 = arith.constant 16 : index
          %get3A_235 = tpu.vector_load %arg11[%get3A_233, %get3A_234] {strides = array<i32>} : memref<40x128xf32, #tpu.memory_space<vmem>>, vector<1x16xf32>,
          %get3A_236 = vector.shape_cast %get3A_235 : vector<1x16xf32> to vector<16xf32>
          %mul3A_237 = arith.mulf %get3A_232, %get3A_236 : vector<16xf32>
          %swap3A_238 = arith.index_cast %scan3A_216 : i32 to index
          %swap3A_239 = arith.constant 16 : index
          %swap3A_240 = tpu.vector_load %arg13[%swap3A_238, %swap3A_239] {strides = array<i32>} : memref<40x128xf32, #tpu.memory_space<vmem>>, vector<1x16xf32>,
          %swap3A_241 = vector.shape_cast %swap3A_240 : vector<1x16xf32> to vector<16xf32>
          %swap3A_242 = vector.shape_cast %mul3A_237 : vector<16xf32> to vector<1x16xf32>
          tpu.vector_store %arg13[%swap3A_238, %swap3A_239], %swap3A_242 {strides = array<i32>} : memref<40x128xf32, #tpu.memory_space<vmem>>, vector<1x16xf32>,
          %get3A_243 = arith.index_cast %scan3A_216 : i32 to index
          %get3A_244 = arith.constant 32 : index
          %get3A_245 = tpu.vector_load %arg9[%get3A_243, %get3A_244] {strides = array<i32>} : memref<40x128xf32, #tpu.memory_space<vmem>>, vector<1x16xf32>,
          %get3A_246 = vector.shape_cast %get3A_245 : vector<1x16xf32> to vector<16xf32>
          %get3A_247 = arith.index_cast %scan3A_216 : i32 to index
          %get3A_248 = arith.constant 32 : index
          %get3A_249 = tpu.vector_load %arg11[%get3A_247, %get3A_248] {strides = array<i32>} : memref<40x128xf32, #tpu.memory_space<vmem>>, vector<1x16xf32>,
          %get3A_250 = vector.shape_cast %get3A_249 : vector<1x16xf32> to vector<16xf32>
          %mul3A_251 = arith.mulf %get3A_246, %get3A_250 : vector<16xf32>
          %swap3A_252 = arith.index_cast %scan3A_216 : i32 to index
          %swap3A_253 = arith.constant 32 : index
          %swap3A_254 = tpu.vector_load %arg13[%swap3A_252, %swap3A_253] {strides = array<i32>} : memref<40x128xf32, #tpu.memory_space<vmem>>, vector<1x16xf32>,
          %swap3A_255 = vector.shape_cast %swap3A_254 : vector<1x16xf32> to vector<16xf32>
          %swap3A_256 = vector.shape_cast %mul3A_251 : vector<16xf32> to vector<1x16xf32>
          tpu.vector_store %arg13[%swap3A_252, %swap3A_253], %swap3A_256 {strides = array<i32>} : memref<40x128xf32, #tpu.memory_space<vmem>>, vector<1x16xf32>,
          %get3A_257 = arith.index_cast %scan3A_216 : i32 to index
          %get3A_258 = arith.constant 48 : index
          %get3A_259 = tpu.vector_load %arg9[%get3A_257, %get3A_258] {strides = array<i32>} : memref<40x128xf32, #tpu.memory_space<vmem>>, vector<1x16xf32>,
          %get3A_260 = vector.shape_cast %get3A_259 : vector<1x16xf32> to vector<16xf32>
          %get3A_261 = arith.index_cast %scan3A_216 : i32 to index
          %get3A_262 = arith.constant 48 : index
          %get3A_263 = tpu.vector_load %arg11[%get3A_261, %get3A_262] {strides = array<i32>} : memref<40x128xf32, #tpu.memory_space<vmem>>, vector<1x16xf32>,
          %get3A_264 = vector.shape_cast %get3A_263 : vector<1x16xf32> to vector<16xf32>
          %mul3A_265 = arith.mulf %get3A_260, %get3A_264 : vector<16xf32>
          %swap3A_266 = arith.index_cast %scan3A_216 : i32 to index
          %swap3A_267 = arith.constant 48 : index
          %swap3A_268 = tpu.vector_load %arg13[%swap3A_266, %swap3A_267] {strides = array<i32>} : memref<40x128xf32, #tpu.memory_space<vmem>>, vector<1x16xf32>,
          %swap3A_269 = vector.shape_cast %swap3A_268 : vector<1x16xf32> to vector<16xf32>
          %swap3A_270 = vector.shape_cast %mul3A_265 : vector<16xf32> to vector<1x16xf32>
          tpu.vector_store %arg13[%swap3A_266, %swap3A_267], %swap3A_270 {strides = array<i32>} : memref<40x128xf32, #tpu.memory_space<vmem>>, vector<1x16xf32>,
          %get3A_271 = arith.index_cast %scan3A_216 : i32 to index
          %get3A_272 = arith.constant 64 : index
          %get3A_273 = tpu.vector_load %arg9[%get3A_271, %get3A_272] {strides = array<i32>} : memref<40x128xf32, #tpu.memory_space<vmem>>, vector<1x16xf32>,
          %get3A_274 = vector.shape_cast %get3A_273 : vector<1x16xf32> to vector<16xf32>
          %get3A_275 = arith.index_cast %scan3A_216 : i32 to index
          %get3A_276 = arith.constant 64 : index
          %get3A_277 = tpu.vector_load %arg11[%get3A_275, %get3A_276] {strides = array<i32>} : memref<40x128xf32, #tpu.memory_space<vmem>>, vector<1x16xf32>,
          %get3A_278 = vector.shape_cast %get3A_277 : vector<1x16xf32> to vector<16xf32>
          %mul3A_279 = arith.mulf %get3A_274, %get3A_278 : vector<16xf32>
          %swap3A_280 = arith.index_cast %scan3A_216 : i32 to index
          %swap3A_281 = arith.constant 64 : index
          %swap3A_282 = tpu.vector_load %arg13[%swap3A_280, %swap3A_281] {strides = array<i32>} : memref<40x128xf32, #tpu.memory_space<vmem>>, vector<1x16xf32>,
          %swap3A_283 = vector.shape_cast %swap3A_282 : vector<1x16xf32> to vector<16xf32>
          %swap3A_284 = vector.shape_cast %mul3A_279 : vector<16xf32> to vector<1x16xf32>
          tpu.vector_store %arg13[%swap3A_280, %swap3A_281], %swap3A_284 {strides = array<i32>} : memref<40x128xf32, #tpu.memory_space<vmem>>, vector<1x16xf32>,
          %get3A_285 = arith.index_cast %scan3A_216 : i32 to index
          %get3A_286 = arith.constant 80 : index
          %get3A_287 = tpu.vector_load %arg9[%get3A_285, %get3A_286] {strides = array<i32>} : memref<40x128xf32, #tpu.memory_space<vmem>>, vector<1x16xf32>,
          %get3A_288 = vector.shape_cast %get3A_287 : vector<1x16xf32> to vector<16xf32>
          %get3A_289 = arith.index_cast %scan3A_216 : i32 to index
          %get3A_290 = arith.constant 80 : index
          %get3A_291 = tpu.vector_load %arg11[%get3A_289, %get3A_290] {strides = array<i32>} : memref<40x128xf32, #tpu.memory_space<vmem>>, vector<1x16xf32>,
          %get3A_292 = vector.shape_cast %get3A_291 : vector<1x16xf32> to vector<16xf32>
          %mul3A_293 = arith.mulf %get3A_288, %get3A_292 : vector<16xf32>
          %swap3A_294 = arith.index_cast %scan3A_216 : i32 to index
          %swap3A_295 = arith.constant 80 : index
          %swap3A_296 = tpu.vector_load %arg13[%swap3A_294, %swap3A_295] {strides = array<i32>} : memref<40x128xf32, #tpu.memory_space<vmem>>, vector<1x16xf32>,
          %swap3A_297 = vector.shape_cast %swap3A_296 : vector<1x16xf32> to vector<16xf32>
          %swap3A_298 = vector.shape_cast %mul3A_293 : vector<16xf32> to vector<1x16xf32>
          tpu.vector_store %arg13[%swap3A_294, %swap3A_295], %swap3A_298 {strides = array<i32>} : memref<40x128xf32, #tpu.memory_space<vmem>>, vector<1x16xf32>,
          %get3A_299 = arith.index_cast %scan3A_216 : i32 to index
          %get3A_300 = arith.constant 96 : index
          %get3A_301 = tpu.vector_load %arg9[%get3A_299, %get3A_300] {strides = array<i32>} : memref<40x128xf32, #tpu.memory_space<vmem>>, vector<1x16xf32>,
          %get3A_302 = vector.shape_cast %get3A_301 : vector<1x16xf32> to vector<16xf32>
          %get3A_303 = arith.index_cast %scan3A_216 : i32 to index
          %get3A_304 = arith.constant 96 : index
          %get3A_305 = tpu.vector_load %arg11[%get3A_303, %get3A_304] {strides = array<i32>} : memref<40x128xf32, #tpu.memory_space<vmem>>, vector<1x16xf32>,
          %get3A_306 = vector.shape_cast %get3A_305 : vector<1x16xf32> to vector<16xf32>
          %mul3A_307 = arith.mulf %get3A_302, %get3A_306 : vector<16xf32>
          %swap3A_308 = arith.index_cast %scan3A_216 : i32 to index
          %swap3A_309 = arith.constant 96 : index
          %swap3A_310 = tpu.vector_load %arg13[%swap3A_308, %swap3A_309] {strides = array<i32>} : memref<40x128xf32, #tpu.memory_space<vmem>>, vector<1x16xf32>,
          %swap3A_311 = vector.shape_cast %swap3A_310 : vector<1x16xf32> to vector<16xf32>
          %swap3A_312 = vector.shape_cast %mul3A_307 : vector<16xf32> to vector<1x16xf32>
          tpu.vector_store %arg13[%swap3A_308, %swap3A_309], %swap3A_312 {strides = array<i32>} : memref<40x128xf32, #tpu.memory_space<vmem>>, vector<1x16xf32>,
          %get3A_313 = arith.index_cast %scan3A_216 : i32 to index
          %get3A_314 = arith.constant 112 : index
          %get3A_315 = tpu.vector_load %arg9[%get3A_313, %get3A_314] {strides = array<i32>} : memref<40x128xf32, #tpu.memory_space<vmem>>, vector<1x16xf32>,
          %get3A_316 = vector.shape_cast %get3A_315 : vector<1x16xf32> to vector<16xf32>
          %get3A_317 = arith.index_cast %scan3A_216 : i32 to index
          %get3A_318 = arith.constant 112 : index
          %get3A_319 = tpu.vector_load %arg11[%get3A_317, %get3A_318] {strides = array<i32>} : memref<40x128xf32, #tpu.memory_space<vmem>>, vector<1x16xf32>,
          %get3A_320 = vector.shape_cast %get3A_319 : vector<1x16xf32> to vector<16xf32>
          %mul3A_321 = arith.mulf %get3A_316, %get3A_320 : vector<16xf32>
          %swap3A_322 = arith.index_cast %scan3A_216 : i32 to index
          %swap3A_323 = arith.constant 112 : index
          %swap3A_324 = tpu.vector_load %arg13[%swap3A_322, %swap3A_323] {strides = array<i32>} : memref<40x128xf32, #tpu.memory_space<vmem>>, vector<1x16xf32>,
          %swap3A_325 = vector.shape_cast %swap3A_324 : vector<1x16xf32> to vector<16xf32>
          %swap3A_326 = vector.shape_cast %mul3A_321 : vector<16xf32> to vector<1x16xf32>
          tpu.vector_store %arg13[%swap3A_322, %swap3A_323], %swap3A_326 {strides = array<i32>} : memref<40x128xf32, #tpu.memory_space<vmem>>, vector<1x16xf32>,
        }
        %scan3A_162 = arith.constant 40 : i32
        %dma_start3A_163 = arith.constant 0 : i32
        %dma_start3A_164 = tpu.memref_slice %arg8[%mul3A_120, %dma_start3A_163] : memref<25x40xi32, #tpu.memory_space<vmem>> -> memref<1x40xi32, #tpu.memory_space<vmem>>
        %dma_start3A_165 = tpu.memref_squeeze %dma_start3A_164 : memref<1x40xi32, #tpu.memory_space<vmem>> -> memref<40xi32, #tpu.memory_space<vmem>>
        %dma_start3A_166 = arith.constant 0 : i32
        %dma_start3A_167 = arith.constant 0 : i32
        %dma_start3A_168 = tpu.memref_slice %arg15[%dma_start3A_166, %dma_start3A_167] : memref<10000x128xf32, #tpu.memory_space<vmem_shared>> -> memref<10000x128xf32, #tpu.memory_space<vmem_shared>>
        tpu.enqueue_indirect_dma source(%arg13 : memref<40x128xf32, #tpu.memory_space<vmem>>) target(%dma_start3A_168 : memref<10000x128xf32, #tpu.memory_space<vmem_shared>>) offsets(%dma_start3A_165 : memref<40xi32, #tpu.memory_space<vmem>>) semaphore(%arg20 : memref<!tpu.dma_semaphore, #tpu.memory_space<semaphore_mem>>) {add = true}
        %add3A_169 = arith.constant 2 : i32
        %add3A_170 = arith.addi %mul3A_120, %add3A_169 : i32
        %add3A_171 = arith.addi %mul3A_47, %add3A_170 : i32
        %mul3A_172 = arith.constant 40 : i32
        %mul3A_173 = arith.muli %add3A_171, %mul3A_172 : i32
        %add3A_174 = arith.addi %mul3A_32, %mul3A_173 : i32
        %dma_start3A_175 = arith.constant 0 : i32
        %dma_start3A_176 = tpu.memref_slice %arg3[%add3A_174, %dma_start3A_175] : memref<160000x128xf32, #tpu.memory_space<hbm>> -> memref<40x128xf32, #tpu.memory_space<hbm>>
        %dma_start3A_177 = arith.constant 0 : i32
        %dma_start3A_178 = tpu.memref_slice %arg3[%add3A_174, %dma_start3A_177] : memref<160000x128xf32, #tpu.memory_space<hbm>> -> memref<40x128xf32, #tpu.memory_space<hbm>>
        tpu.enqueue_dma source(%dma_start3A_178 : memref<40x128xf32, #tpu.memory_space<hbm>>) target(%arg11 : memref<40x128xf32, #tpu.memory_space<vmem>>) target_semaphore(%arg18 : memref<!tpu.dma_semaphore, #tpu.memory_space<semaphore_mem>>)
        %dma_start3A_179 = arith.constant 0 : i32
        %dma_start3A_180 = tpu.memref_slice %arg7[%add3A_170, %dma_start3A_179] : memref<25x40xi32, #tpu.memory_space<vmem>> -> memref<1x40xi32, #tpu.memory_space<vmem>>
        %dma_start3A_181 = tpu.memref_squeeze %dma_start3A_180 : memref<1x40xi32, #tpu.memory_space<vmem>> -> memref<40xi32, #tpu.memory_space<vmem>>
        %dma_start3A_182 = arith.constant 0 : i32
        %dma_start3A_183 = arith.constant 0 : i32
        %dma_start3A_184 = tpu.memref_slice %arg2[%dma_start3A_182, %dma_start3A_183] : memref<10000x128xf32, #tpu.memory_space<hbm>> -> memref<10000x128xf32, #tpu.memory_space<hbm>>
        tpu.enqueue_indirect_dma source(%dma_start3A_184 : memref<10000x128xf32, #tpu.memory_space<hbm>>) target(%arg9 : memref<40x128xf32, #tpu.memory_space<vmem>>) offsets(%dma_start3A_181 : memref<40xi32, #tpu.memory_space<vmem>>) semaphore(%arg16 : memref<!tpu.dma_semaphore, #tpu.memory_space<semaphore_mem>>)
        %add3A_185 = arith.addi %mul3A_47, %add3A_124 : i32
        %mul3A_186 = arith.constant 40 : i32
        %mul3A_187 = arith.muli %add3A_185, %mul3A_186 : i32
        %add3A_188 = arith.addi %mul3A_32, %mul3A_187 : i32
        %dma_wait3A_189 = arith.constant 0 : i32
        %dma_wait3A_190 = tpu.memref_slice %arg3[%add3A_188, %dma_wait3A_189] : memref<160000x128xf32, #tpu.memory_space<hbm>> -> memref<40x128xf32, #tpu.memory_space<hbm>>
        %dma_wait3A_191 = arith.constant 0 : i32
        %dma_wait3A_192 = tpu.memref_slice %arg3[%add3A_188, %dma_wait3A_191] : memref<160000x128xf32, #tpu.memory_space<hbm>> -> memref<40x128xf32, #tpu.memory_space<hbm>>
        tpu.wait_dma2 semaphore(%arg19 : memref<!tpu.dma_semaphore, #tpu.memory_space<semaphore_mem>>) src(%dma_wait3A_192 : memref<40x128xf32, #tpu.memory_space<hbm>>) dst(%arg12 : memref<40x128xf32, #tpu.memory_space<vmem>>)
        %dma_wait3A_193 = arith.constant 0 : i32
        %dma_wait3A_194 = tpu.memref_slice %arg7[%add3A_124, %dma_wait3A_193] : memref<25x40xi32, #tpu.memory_space<vmem>> -> memref<1x40xi32, #tpu.memory_space<vmem>>
        %dma_wait3A_195 = tpu.memref_squeeze %dma_wait3A_194 : memref<1x40xi32, #tpu.memory_space<vmem>> -> memref<40xi32, #tpu.memory_space<vmem>>
        %dma_wait3A_196 = arith.constant 0 : i32
        %dma_wait3A_197 = arith.constant 0 : i32
        %dma_wait3A_198 = tpu.memref_slice %arg2[%dma_wait3A_196, %dma_wait3A_197] : memref<10000x128xf32, #tpu.memory_space<hbm>> -> memref<10000x128xf32, #tpu.memory_space<hbm>>
        tpu.wait_indirect_dma semaphore(%arg17 : memref<!tpu.dma_semaphore, #tpu.memory_space<semaphore_mem>>) src(%dma_wait3A_198 : memref<10000x128xf32, #tpu.memory_space<hbm>>) dst(%arg10 : memref<40x128xf32, #tpu.memory_space<vmem>>)
        %gt3A_199 = arith.constant 0 : i32
        %gt3A_200 = arith.cmpi sgt, %scan3A_118, %gt3A_199 : i32
        %convert_element_type3A_201 = arith.extui %gt3A_200 : i1 to i32
        %cond3A_202 = arith.constant 0 : i32
        %cond3A_203 = arith.cmpi ne, %convert_element_type3A_201, %cond3A_202 : i32
        scf.if %cond3A_203 {
          %sub3A = arith.constant 2 : i32
          %sub3A_216 = arith.subi %add3A_124, %sub3A : i32
          %dma_wait3A_217 = arith.constant 0 : i32
          %dma_wait3A_218 = tpu.memref_slice %arg8[%sub3A_216, %dma_wait3A_217] : memref<25x40xi32, #tpu.memory_space<vmem>> -> memref<1x40xi32, #tpu.memory_space<vmem>>
          %dma_wait3A_219 = tpu.memref_squeeze %dma_wait3A_218 : memref<1x40xi32, #tpu.memory_space<vmem>> -> memref<40xi32, #tpu.memory_space<vmem>>
          %dma_wait3A_220 = arith.constant 0 : i32
          %dma_wait3A_221 = arith.constant 0 : i32
          %dma_wait3A_222 = tpu.memref_slice %arg15[%dma_wait3A_220, %dma_wait3A_221] : memref<10000x128xf32, #tpu.memory_space<vmem_shared>> -> memref<10000x128xf32, #tpu.memory_space<vmem_shared>>
          tpu.wait_indirect_dma semaphore(%arg21 : memref<!tpu.dma_semaphore, #tpu.memory_space<semaphore_mem>>) src(%arg14 : memref<40x128xf32, #tpu.memory_space<vmem>>) dst(%dma_wait3A_222 : memref<10000x128xf32, #tpu.memory_space<vmem_shared>>)
        } else {
        }
        %scan3A_204 = arith.constant 0 : i32
        %scan3A_205 = arith.constant 0 : i32
        %scan3A_206 = arith.constant 40 : i32
        %scan3A_207 = arith.addi %scan3A_205, %scan3A_206 : i32
        %scan3A_208 = arith.constant 1 : i32
        scf.for %scan3A_216 = %scan3A_205 to %scan3A_207 step %scan3A_208  : i32 {
          %get3A = arith.index_cast %scan3A_216 : i32 to index
          %get3A_217 = arith.constant 0 : index
          %get3A_218 = tpu.vector_load %arg10[%get3A, %get3A_217] {strides = array<i32>} : memref<40x128xf32, #tpu.memory_space<vmem>>, vector<1x16xf32>,
          %get3A_219 = vector.shape_cast %get3A_218 : vector<1x16xf32> to vector<16xf32>
          %get3A_220 = arith.index_cast %scan3A_216 : i32 to index
          %get3A_221 = arith.constant 0 : index
          %get3A_222 = tpu.vector_load %arg12[%get3A_220, %get3A_221] {strides = array<i32>} : memref<40x128xf32, #tpu.memory_space<vmem>>, vector<1x16xf32>,
          %get3A_223 = vector.shape_cast %get3A_222 : vector<1x16xf32> to vector<16xf32>
          %mul3A_224 = arith.mulf %get3A_219, %get3A_223 : vector<16xf32>
          %swap3A = arith.index_cast %scan3A_216 : i32 to index
          %swap3A_225 = arith.constant 0 : index
          %swap3A_226 = tpu.vector_load %arg14[%swap3A, %swap3A_225] {strides = array<i32>} : memref<40x128xf32, #tpu.memory_space<vmem>>, vector<1x16xf32>,
          %swap3A_227 = vector.shape_cast %swap3A_226 : vector<1x16xf32> to vector<16xf32>
          %swap3A_228 = vector.shape_cast %mul3A_224 : vector<16xf32> to vector<1x16xf32>
          tpu.vector_store %arg14[%swap3A, %swap3A_225], %swap3A_228 {strides = array<i32>} : memref<40x128xf32, #tpu.memory_space<vmem>>, vector<1x16xf32>,
          %get3A_229 = arith.index_cast %scan3A_216 : i32 to index
          %get3A_230 = arith.constant 16 : index
          %get3A_231 = tpu.vector_load %arg10[%get3A_229, %get3A_230] {strides = array<i32>} : memref<40x128xf32, #tpu.memory_space<vmem>>, vector<1x16xf32>,
          %get3A_232 = vector.shape_cast %get3A_231 : vector<1x16xf32> to vector<16xf32>
          %get3A_233 = arith.index_cast %scan3A_216 : i32 to index
          %get3A_234 = arith.constant 16 : index
          %get3A_235 = tpu.vector_load %arg12[%get3A_233, %get3A_234] {strides = array<i32>} : memref<40x128xf32, #tpu.memory_space<vmem>>, vector<1x16xf32>,
          %get3A_236 = vector.shape_cast %get3A_235 : vector<1x16xf32> to vector<16xf32>
          %mul3A_237 = arith.mulf %get3A_232, %get3A_236 : vector<16xf32>
          %swap3A_238 = arith.index_cast %scan3A_216 : i32 to index
          %swap3A_239 = arith.constant 16 : index
          %swap3A_240 = tpu.vector_load %arg14[%swap3A_238, %swap3A_239] {strides = array<i32>} : memref<40x128xf32, #tpu.memory_space<vmem>>, vector<1x16xf32>,
          %swap3A_241 = vector.shape_cast %swap3A_240 : vector<1x16xf32> to vector<16xf32>
          %swap3A_242 = vector.shape_cast %mul3A_237 : vector<16xf32> to vector<1x16xf32>
          tpu.vector_store %arg14[%swap3A_238, %swap3A_239], %swap3A_242 {strides = array<i32>} : memref<40x128xf32, #tpu.memory_space<vmem>>, vector<1x16xf32>,
          %get3A_243 = arith.index_cast %scan3A_216 : i32 to index
          %get3A_244 = arith.constant 32 : index
          %get3A_245 = tpu.vector_load %arg10[%get3A_243, %get3A_244] {strides = array<i32>} : memref<40x128xf32, #tpu.memory_space<vmem>>, vector<1x16xf32>,
          %get3A_246 = vector.shape_cast %get3A_245 : vector<1x16xf32> to vector<16xf32>
          %get3A_247 = arith.index_cast %scan3A_216 : i32 to index
          %get3A_248 = arith.constant 32 : index
          %get3A_249 = tpu.vector_load %arg12[%get3A_247, %get3A_248] {strides = array<i32>} : memref<40x128xf32, #tpu.memory_space<vmem>>, vector<1x16xf32>,
          %get3A_250 = vector.shape_cast %get3A_249 : vector<1x16xf32> to vector<16xf32>
          %mul3A_251 = arith.mulf %get3A_246, %get3A_250 : vector<16xf32>
          %swap3A_252 = arith.index_cast %scan3A_216 : i32 to index
          %swap3A_253 = arith.constant 32 : index
          %swap3A_254 = tpu.vector_load %arg14[%swap3A_252, %swap3A_253] {strides = array<i32>} : memref<40x128xf32, #tpu.memory_space<vmem>>, vector<1x16xf32>,
          %swap3A_255 = vector.shape_cast %swap3A_254 : vector<1x16xf32> to vector<16xf32>
          %swap3A_256 = vector.shape_cast %mul3A_251 : vector<16xf32> to vector<1x16xf32>
          tpu.vector_store %arg14[%swap3A_252, %swap3A_253], %swap3A_256 {strides = array<i32>} : memref<40x128xf32, #tpu.memory_space<vmem>>, vector<1x16xf32>,
          %get3A_257 = arith.index_cast %scan3A_216 : i32 to index
          %get3A_258 = arith.constant 48 : index
          %get3A_259 = tpu.vector_load %arg10[%get3A_257, %get3A_258] {strides = array<i32>} : memref<40x128xf32, #tpu.memory_space<vmem>>, vector<1x16xf32>,
          %get3A_260 = vector.shape_cast %get3A_259 : vector<1x16xf32> to vector<16xf32>
          %get3A_261 = arith.index_cast %scan3A_216 : i32 to index
          %get3A_262 = arith.constant 48 : index
          %get3A_263 = tpu.vector_load %arg12[%get3A_261, %get3A_262] {strides = array<i32>} : memref<40x128xf32, #tpu.memory_space<vmem>>, vector<1x16xf32>,
          %get3A_264 = vector.shape_cast %get3A_263 : vector<1x16xf32> to vector<16xf32>
          %mul3A_265 = arith.mulf %get3A_260, %get3A_264 : vector<16xf32>
          %swap3A_266 = arith.index_cast %scan3A_216 : i32 to index
          %swap3A_267 = arith.constant 48 : index
          %swap3A_268 = tpu.vector_load %arg14[%swap3A_266, %swap3A_267] {strides = array<i32>} : memref<40x128xf32, #tpu.memory_space<vmem>>, vector<1x16xf32>,
          %swap3A_269 = vector.shape_cast %swap3A_268 : vector<1x16xf32> to vector<16xf32>
          %swap3A_270 = vector.shape_cast %mul3A_265 : vector<16xf32> to vector<1x16xf32>
          tpu.vector_store %arg14[%swap3A_266, %swap3A_267], %swap3A_270 {strides = array<i32>} : memref<40x128xf32, #tpu.memory_space<vmem>>, vector<1x16xf32>,
          %get3A_271 = arith.index_cast %scan3A_216 : i32 to index
          %get3A_272 = arith.constant 64 : index
          %get3A_273 = tpu.vector_load %arg10[%get3A_271, %get3A_272] {strides = array<i32>} : memref<40x128xf32, #tpu.memory_space<vmem>>, vector<1x16xf32>,
          %get3A_274 = vector.shape_cast %get3A_273 : vector<1x16xf32> to vector<16xf32>
          %get3A_275 = arith.index_cast %scan3A_216 : i32 to index
          %get3A_276 = arith.constant 64 : index
          %get3A_277 = tpu.vector_load %arg12[%get3A_275, %get3A_276] {strides = array<i32>} : memref<40x128xf32, #tpu.memory_space<vmem>>, vector<1x16xf32>,
          %get3A_278 = vector.shape_cast %get3A_277 : vector<1x16xf32> to vector<16xf32>
          %mul3A_279 = arith.mulf %get3A_274, %get3A_278 : vector<16xf32>
          %swap3A_280 = arith.index_cast %scan3A_216 : i32 to index
          %swap3A_281 = arith.constant 64 : index
          %swap3A_282 = tpu.vector_load %arg14[%swap3A_280, %swap3A_281] {strides = array<i32>} : memref<40x128xf32, #tpu.memory_space<vmem>>, vector<1x16xf32>,
          %swap3A_283 = vector.shape_cast %swap3A_282 : vector<1x16xf32> to vector<16xf32>
          %swap3A_284 = vector.shape_cast %mul3A_279 : vector<16xf32> to vector<1x16xf32>
          tpu.vector_store %arg14[%swap3A_280, %swap3A_281], %swap3A_284 {strides = array<i32>} : memref<40x128xf32, #tpu.memory_space<vmem>>, vector<1x16xf32>,
          %get3A_285 = arith.index_cast %scan3A_216 : i32 to index
          %get3A_286 = arith.constant 80 : index
          %get3A_287 = tpu.vector_load %arg10[%get3A_285, %get3A_286] {strides = array<i32>} : memref<40x128xf32, #tpu.memory_space<vmem>>, vector<1x16xf32>,
          %get3A_288 = vector.shape_cast %get3A_287 : vector<1x16xf32> to vector<16xf32>
          %get3A_289 = arith.index_cast %scan3A_216 : i32 to index
          %get3A_290 = arith.constant 80 : index
          %get3A_291 = tpu.vector_load %arg12[%get3A_289, %get3A_290] {strides = array<i32>} : memref<40x128xf32, #tpu.memory_space<vmem>>, vector<1x16xf32>,
          %get3A_292 = vector.shape_cast %get3A_291 : vector<1x16xf32> to vector<16xf32>
          %mul3A_293 = arith.mulf %get3A_288, %get3A_292 : vector<16xf32>
          %swap3A_294 = arith.index_cast %scan3A_216 : i32 to index
          %swap3A_295 = arith.constant 80 : index
          %swap3A_296 = tpu.vector_load %arg14[%swap3A_294, %swap3A_295] {strides = array<i32>} : memref<40x128xf32, #tpu.memory_space<vmem>>, vector<1x16xf32>,
          %swap3A_297 = vector.shape_cast %swap3A_296 : vector<1x16xf32> to vector<16xf32>
          %swap3A_298 = vector.shape_cast %mul3A_293 : vector<16xf32> to vector<1x16xf32>
          tpu.vector_store %arg14[%swap3A_294, %swap3A_295], %swap3A_298 {strides = array<i32>} : memref<40x128xf32, #tpu.memory_space<vmem>>, vector<1x16xf32>,
          %get3A_299 = arith.index_cast %scan3A_216 : i32 to index
          %get3A_300 = arith.constant 96 : index
          %get3A_301 = tpu.vector_load %arg10[%get3A_299, %get3A_300] {strides = array<i32>} : memref<40x128xf32, #tpu.memory_space<vmem>>, vector<1x16xf32>,
          %get3A_302 = vector.shape_cast %get3A_301 : vector<1x16xf32> to vector<16xf32>
          %get3A_303 = arith.index_cast %scan3A_216 : i32 to index
          %get3A_304 = arith.constant 96 : index
          %get3A_305 = tpu.vector_load %arg12[%get3A_303, %get3A_304] {strides = array<i32>} : memref<40x128xf32, #tpu.memory_space<vmem>>, vector<1x16xf32>,
          %get3A_306 = vector.shape_cast %get3A_305 : vector<1x16xf32> to vector<16xf32>
          %mul3A_307 = arith.mulf %get3A_302, %get3A_306 : vector<16xf32>
          %swap3A_308 = arith.index_cast %scan3A_216 : i32 to index
          %swap3A_309 = arith.constant 96 : index
          %swap3A_310 = tpu.vector_load %arg14[%swap3A_308, %swap3A_309] {strides = array<i32>} : memref<40x128xf32, #tpu.memory_space<vmem>>, vector<1x16xf32>,
          %swap3A_311 = vector.shape_cast %swap3A_310 : vector<1x16xf32> to vector<16xf32>
          %swap3A_312 = vector.shape_cast %mul3A_307 : vector<16xf32> to vector<1x16xf32>
          tpu.vector_store %arg14[%swap3A_308, %swap3A_309], %swap3A_312 {strides = array<i32>} : memref<40x128xf32, #tpu.memory_space<vmem>>, vector<1x16xf32>,
          %get3A_313 = arith.index_cast %scan3A_216 : i32 to index
          %get3A_314 = arith.constant 112 : index
          %get3A_315 = tpu.vector_load %arg10[%get3A_313, %get3A_314] {strides = array<i32>} : memref<40x128xf32, #tpu.memory_space<vmem>>, vector<1x16xf32>,
          %get3A_316 = vector.shape_cast %get3A_315 : vector<1x16xf32> to vector<16xf32>
          %get3A_317 = arith.index_cast %scan3A_216 : i32 to index
          %get3A_318 = arith.constant 112 : index
          %get3A_319 = tpu.vector_load %arg12[%get3A_317, %get3A_318] {strides = array<i32>} : memref<40x128xf32, #tpu.memory_space<vmem>>, vector<1x16xf32>,
          %get3A_320 = vector.shape_cast %get3A_319 : vector<1x16xf32> to vector<16xf32>
          %mul3A_321 = arith.mulf %get3A_316, %get3A_320 : vector<16xf32>
          %swap3A_322 = arith.index_cast %scan3A_216 : i32 to index
          %swap3A_323 = arith.constant 112 : index
          %swap3A_324 = tpu.vector_load %arg14[%swap3A_322, %swap3A_323] {strides = array<i32>} : memref<40x128xf32, #tpu.memory_space<vmem>>, vector<1x16xf32>,
          %swap3A_325 = vector.shape_cast %swap3A_324 : vector<1x16xf32> to vector<16xf32>
          %swap3A_326 = vector.shape_cast %mul3A_321 : vector<16xf32> to vector<1x16xf32>
          tpu.vector_store %arg14[%swap3A_322, %swap3A_323], %swap3A_326 {strides = array<i32>} : memref<40x128xf32, #tpu.memory_space<vmem>>, vector<1x16xf32>,
        }
        %scan3A_209 = arith.constant 40 : i32
        %dma_start3A_210 = arith.constant 0 : i32
        %dma_start3A_211 = tpu.memref_slice %arg8[%add3A_124, %dma_start3A_210] : memref<25x40xi32, #tpu.memory_space<vmem>> -> memref<1x40xi32, #tpu.memory_space<vmem>>
        %dma_start3A_212 = tpu.memref_squeeze %dma_start3A_211 : memref<1x40xi32, #tpu.memory_space<vmem>> -> memref<40xi32, #tpu.memory_space<vmem>>
        %dma_start3A_213 = arith.constant 0 : i32
        %dma_start3A_214 = arith.constant 0 : i32
        %dma_start3A_215 = tpu.memref_slice %arg15[%dma_start3A_213, %dma_start3A_214] : memref<10000x128xf32, #tpu.memory_space<vmem_shared>> -> memref<10000x128xf32, #tpu.memory_space<vmem_shared>>
        tpu.enqueue_indirect_dma source(%arg14 : memref<40x128xf32, #tpu.memory_space<vmem>>) target(%dma_start3A_215 : memref<10000x128xf32, #tpu.memory_space<vmem_shared>>) offsets(%dma_start3A_212 : memref<40xi32, #tpu.memory_space<vmem>>) semaphore(%arg21 : memref<!tpu.dma_semaphore, #tpu.memory_space<semaphore_mem>>) {add = true}
      }
      %scan3A_68 = arith.constant 12 : i32
      %add3A_69 = arith.constant 24 : i32
      %add3A_70 = arith.addi %mul3A_47, %add3A_69 : i32
      %mul3A_71 = arith.constant 40 : i32
      %mul3A_72 = arith.muli %add3A_70, %mul3A_71 : i32
      %add3A_73 = arith.addi %mul3A_32, %mul3A_72 : i32
      %dma_wait3A = arith.constant 0 : i32
      %dma_wait3A_74 = tpu.memref_slice %arg3[%add3A_73, %dma_wait3A] : memref<160000x128xf32, #tpu.memory_space<hbm>> -> memref<40x128xf32, #tpu.memory_space<hbm>>
      %dma_wait3A_75 = arith.constant 0 : i32
      %dma_wait3A_76 = tpu.memref_slice %arg3[%add3A_73, %dma_wait3A_75] : memref<160000x128xf32, #tpu.memory_space<hbm>> -> memref<40x128xf32, #tpu.memory_space<hbm>>
      tpu.wait_dma2 semaphore(%arg18 : memref<!tpu.dma_semaphore, #tpu.memory_space<semaphore_mem>>) src(%dma_wait3A_76 : memref<40x128xf32, #tpu.memory_space<hbm>>) dst(%arg11 : memref<40x128xf32, #tpu.memory_space<vmem>>)
      %dma_wait3A_77 = arith.constant 24 : i32
      %dma_wait3A_78 = arith.constant 0 : i32
      %dma_wait3A_79 = tpu.memref_slice %arg7[%dma_wait3A_77, %dma_wait3A_78] : memref<25x40xi32, #tpu.memory_space<vmem>> -> memref<1x40xi32, #tpu.memory_space<vmem>>
      %dma_wait3A_80 = tpu.memref_squeeze %dma_wait3A_79 : memref<1x40xi32, #tpu.memory_space<vmem>> -> memref<40xi32, #tpu.memory_space<vmem>>
      %dma_wait3A_81 = arith.constant 0 : i32
      %dma_wait3A_82 = arith.constant 0 : i32
      %dma_wait3A_83 = tpu.memref_slice %arg2[%dma_wait3A_81, %dma_wait3A_82] : memref<10000x128xf32, #tpu.memory_space<hbm>> -> memref<10000x128xf32, #tpu.memory_space<hbm>>
      tpu.wait_indirect_dma semaphore(%arg16 : memref<!tpu.dma_semaphore, #tpu.memory_space<semaphore_mem>>) src(%dma_wait3A_83 : memref<10000x128xf32, #tpu.memory_space<hbm>>) dst(%arg9 : memref<40x128xf32, #tpu.memory_space<vmem>>)
      %dma_wait3A_84 = arith.constant 22 : i32
      %dma_wait3A_85 = arith.constant 0 : i32
      %dma_wait3A_86 = tpu.memref_slice %arg8[%dma_wait3A_84, %dma_wait3A_85] : memref<25x40xi32, #tpu.memory_space<vmem>> -> memref<1x40xi32, #tpu.memory_space<vmem>>
      %dma_wait3A_87 = tpu.memref_squeeze %dma_wait3A_86 : memref<1x40xi32, #tpu.memory_space<vmem>> -> memref<40xi32, #tpu.memory_space<vmem>>
      %dma_wait3A_88 = arith.constant 0 : i32
      %dma_wait3A_89 = arith.constant 0 : i32
      %dma_wait3A_90 = tpu.memref_slice %arg15[%dma_wait3A_88, %dma_wait3A_89] : memref<10000x128xf32, #tpu.memory_space<vmem_shared>> -> memref<10000x128xf32, #tpu.memory_space<vmem_shared>>
      tpu.wait_indirect_dma semaphore(%arg20 : memref<!tpu.dma_semaphore, #tpu.memory_space<semaphore_mem>>) src(%arg13 : memref<40x128xf32, #tpu.memory_space<vmem>>) dst(%dma_wait3A_90 : memref<10000x128xf32, #tpu.memory_space<vmem_shared>>)
      %scan3A_91 = arith.constant 0 : i32
      %scan3A_92 = arith.constant 0 : i32
      %scan3A_93 = arith.constant 40 : i32
      %scan3A_94 = arith.addi %scan3A_92, %scan3A_93 : i32
      %scan3A_95 = arith.constant 1 : i32
      scf.for %scan3A_118 = %scan3A_92 to %scan3A_94 step %scan3A_95  : i32 {
        %get3A = arith.index_cast %scan3A_118 : i32 to index
        %get3A_119 = arith.constant 0 : index
        %get3A_120 = tpu.vector_load %arg9[%get3A, %get3A_119] {strides = array<i32>} : memref<40x128xf32, #tpu.memory_space<vmem>>, vector<1x16xf32>,
        %get3A_121 = vector.shape_cast %get3A_120 : vector<1x16xf32> to vector<16xf32>
        %get3A_122 = arith.index_cast %scan3A_118 : i32 to index
        %get3A_123 = arith.constant 0 : index
        %get3A_124 = tpu.vector_load %arg11[%get3A_122, %get3A_123] {strides = array<i32>} : memref<40x128xf32, #tpu.memory_space<vmem>>, vector<1x16xf32>,
        %get3A_125 = vector.shape_cast %get3A_124 : vector<1x16xf32> to vector<16xf32>
        %mul3A_126 = arith.mulf %get3A_121, %get3A_125 : vector<16xf32>
        %swap3A = arith.index_cast %scan3A_118 : i32 to index
        %swap3A_127 = arith.constant 0 : index
        %swap3A_128 = tpu.vector_load %arg13[%swap3A, %swap3A_127] {strides = array<i32>} : memref<40x128xf32, #tpu.memory_space<vmem>>, vector<1x16xf32>,
        %swap3A_129 = vector.shape_cast %swap3A_128 : vector<1x16xf32> to vector<16xf32>
        %swap3A_130 = vector.shape_cast %mul3A_126 : vector<16xf32> to vector<1x16xf32>
        tpu.vector_store %arg13[%swap3A, %swap3A_127], %swap3A_130 {strides = array<i32>} : memref<40x128xf32, #tpu.memory_space<vmem>>, vector<1x16xf32>,
        %get3A_131 = arith.index_cast %scan3A_118 : i32 to index
        %get3A_132 = arith.constant 16 : index
        %get3A_133 = tpu.vector_load %arg9[%get3A_131, %get3A_132] {strides = array<i32>} : memref<40x128xf32, #tpu.memory_space<vmem>>, vector<1x16xf32>,
        %get3A_134 = vector.shape_cast %get3A_133 : vector<1x16xf32> to vector<16xf32>
        %get3A_135 = arith.index_cast %scan3A_118 : i32 to index
        %get3A_136 = arith.constant 16 : index
        %get3A_137 = tpu.vector_load %arg11[%get3A_135, %get3A_136] {strides = array<i32>} : memref<40x128xf32, #tpu.memory_space<vmem>>, vector<1x16xf32>,
        %get3A_138 = vector.shape_cast %get3A_137 : vector<1x16xf32> to vector<16xf32>
        %mul3A_139 = arith.mulf %get3A_134, %get3A_138 : vector<16xf32>
        %swap3A_140 = arith.index_cast %scan3A_118 : i32 to index
        %swap3A_141 = arith.constant 16 : index
        %swap3A_142 = tpu.vector_load %arg13[%swap3A_140, %swap3A_141] {strides = array<i32>} : memref<40x128xf32, #tpu.memory_space<vmem>>, vector<1x16xf32>,
        %swap3A_143 = vector.shape_cast %swap3A_142 : vector<1x16xf32> to vector<16xf32>
        %swap3A_144 = vector.shape_cast %mul3A_139 : vector<16xf32> to vector<1x16xf32>
        tpu.vector_store %arg13[%swap3A_140, %swap3A_141], %swap3A_144 {strides = array<i32>} : memref<40x128xf32, #tpu.memory_space<vmem>>, vector<1x16xf32>,
        %get3A_145 = arith.index_cast %scan3A_118 : i32 to index
        %get3A_146 = arith.constant 32 : index
        %get3A_147 = tpu.vector_load %arg9[%get3A_145, %get3A_146] {strides = array<i32>} : memref<40x128xf32, #tpu.memory_space<vmem>>, vector<1x16xf32>,
        %get3A_148 = vector.shape_cast %get3A_147 : vector<1x16xf32> to vector<16xf32>
        %get3A_149 = arith.index_cast %scan3A_118 : i32 to index
        %get3A_150 = arith.constant 32 : index
        %get3A_151 = tpu.vector_load %arg11[%get3A_149, %get3A_150] {strides = array<i32>} : memref<40x128xf32, #tpu.memory_space<vmem>>, vector<1x16xf32>,
        %get3A_152 = vector.shape_cast %get3A_151 : vector<1x16xf32> to vector<16xf32>
        %mul3A_153 = arith.mulf %get3A_148, %get3A_152 : vector<16xf32>
        %swap3A_154 = arith.index_cast %scan3A_118 : i32 to index
        %swap3A_155 = arith.constant 32 : index
        %swap3A_156 = tpu.vector_load %arg13[%swap3A_154, %swap3A_155] {strides = array<i32>} : memref<40x128xf32, #tpu.memory_space<vmem>>, vector<1x16xf32>,
        %swap3A_157 = vector.shape_cast %swap3A_156 : vector<1x16xf32> to vector<16xf32>
        %swap3A_158 = vector.shape_cast %mul3A_153 : vector<16xf32> to vector<1x16xf32>
        tpu.vector_store %arg13[%swap3A_154, %swap3A_155], %swap3A_158 {strides = array<i32>} : memref<40x128xf32, #tpu.memory_space<vmem>>, vector<1x16xf32>,
        %get3A_159 = arith.index_cast %scan3A_118 : i32 to index
        %get3A_160 = arith.constant 48 : index
        %get3A_161 = tpu.vector_load %arg9[%get3A_159, %get3A_160] {strides = array<i32>} : memref<40x128xf32, #tpu.memory_space<vmem>>, vector<1x16xf32>,
        %get3A_162 = vector.shape_cast %get3A_161 : vector<1x16xf32> to vector<16xf32>
        %get3A_163 = arith.index_cast %scan3A_118 : i32 to index
        %get3A_164 = arith.constant 48 : index
        %get3A_165 = tpu.vector_load %arg11[%get3A_163, %get3A_164] {strides = array<i32>} : memref<40x128xf32, #tpu.memory_space<vmem>>, vector<1x16xf32>,
        %get3A_166 = vector.shape_cast %get3A_165 : vector<1x16xf32> to vector<16xf32>
        %mul3A_167 = arith.mulf %get3A_162, %get3A_166 : vector<16xf32>
        %swap3A_168 = arith.index_cast %scan3A_118 : i32 to index
        %swap3A_169 = arith.constant 48 : index
        %swap3A_170 = tpu.vector_load %arg13[%swap3A_168, %swap3A_169] {strides = array<i32>} : memref<40x128xf32, #tpu.memory_space<vmem>>, vector<1x16xf32>,
        %swap3A_171 = vector.shape_cast %swap3A_170 : vector<1x16xf32> to vector<16xf32>
        %swap3A_172 = vector.shape_cast %mul3A_167 : vector<16xf32> to vector<1x16xf32>
        tpu.vector_store %arg13[%swap3A_168, %swap3A_169], %swap3A_172 {strides = array<i32>} : memref<40x128xf32, #tpu.memory_space<vmem>>, vector<1x16xf32>,
        %get3A_173 = arith.index_cast %scan3A_118 : i32 to index
        %get3A_174 = arith.constant 64 : index
        %get3A_175 = tpu.vector_load %arg9[%get3A_173, %get3A_174] {strides = array<i32>} : memref<40x128xf32, #tpu.memory_space<vmem>>, vector<1x16xf32>,
        %get3A_176 = vector.shape_cast %get3A_175 : vector<1x16xf32> to vector<16xf32>
        %get3A_177 = arith.index_cast %scan3A_118 : i32 to index
        %get3A_178 = arith.constant 64 : index
        %get3A_179 = tpu.vector_load %arg11[%get3A_177, %get3A_178] {strides = array<i32>} : memref<40x128xf32, #tpu.memory_space<vmem>>, vector<1x16xf32>,
        %get3A_180 = vector.shape_cast %get3A_179 : vector<1x16xf32> to vector<16xf32>
        %mul3A_181 = arith.mulf %get3A_176, %get3A_180 : vector<16xf32>
        %swap3A_182 = arith.index_cast %scan3A_118 : i32 to index
        %swap3A_183 = arith.constant 64 : index
        %swap3A_184 = tpu.vector_load %arg13[%swap3A_182, %swap3A_183] {strides = array<i32>} : memref<40x128xf32, #tpu.memory_space<vmem>>, vector<1x16xf32>,
        %swap3A_185 = vector.shape_cast %swap3A_184 : vector<1x16xf32> to vector<16xf32>
        %swap3A_186 = vector.shape_cast %mul3A_181 : vector<16xf32> to vector<1x16xf32>
        tpu.vector_store %arg13[%swap3A_182, %swap3A_183], %swap3A_186 {strides = array<i32>} : memref<40x128xf32, #tpu.memory_space<vmem>>, vector<1x16xf32>,
        %get3A_187 = arith.index_cast %scan3A_118 : i32 to index
        %get3A_188 = arith.constant 80 : index
        %get3A_189 = tpu.vector_load %arg9[%get3A_187, %get3A_188] {strides = array<i32>} : memref<40x128xf32, #tpu.memory_space<vmem>>, vector<1x16xf32>,
        %get3A_190 = vector.shape_cast %get3A_189 : vector<1x16xf32> to vector<16xf32>
        %get3A_191 = arith.index_cast %scan3A_118 : i32 to index
        %get3A_192 = arith.constant 80 : index
        %get3A_193 = tpu.vector_load %arg11[%get3A_191, %get3A_192] {strides = array<i32>} : memref<40x128xf32, #tpu.memory_space<vmem>>, vector<1x16xf32>,
        %get3A_194 = vector.shape_cast %get3A_193 : vector<1x16xf32> to vector<16xf32>
        %mul3A_195 = arith.mulf %get3A_190, %get3A_194 : vector<16xf32>
        %swap3A_196 = arith.index_cast %scan3A_118 : i32 to index
        %swap3A_197 = arith.constant 80 : index
        %swap3A_198 = tpu.vector_load %arg13[%swap3A_196, %swap3A_197] {strides = array<i32>} : memref<40x128xf32, #tpu.memory_space<vmem>>, vector<1x16xf32>,
        %swap3A_199 = vector.shape_cast %swap3A_198 : vector<1x16xf32> to vector<16xf32>
        %swap3A_200 = vector.shape_cast %mul3A_195 : vector<16xf32> to vector<1x16xf32>
        tpu.vector_store %arg13[%swap3A_196, %swap3A_197], %swap3A_200 {strides = array<i32>} : memref<40x128xf32, #tpu.memory_space<vmem>>, vector<1x16xf32>,
        %get3A_201 = arith.index_cast %scan3A_118 : i32 to index
        %get3A_202 = arith.constant 96 : index
        %get3A_203 = tpu.vector_load %arg9[%get3A_201, %get3A_202] {strides = array<i32>} : memref<40x128xf32, #tpu.memory_space<vmem>>, vector<1x16xf32>,
        %get3A_204 = vector.shape_cast %get3A_203 : vector<1x16xf32> to vector<16xf32>
        %get3A_205 = arith.index_cast %scan3A_118 : i32 to index
        %get3A_206 = arith.constant 96 : index
        %get3A_207 = tpu.vector_load %arg11[%get3A_205, %get3A_206] {strides = array<i32>} : memref<40x128xf32, #tpu.memory_space<vmem>>, vector<1x16xf32>,
        %get3A_208 = vector.shape_cast %get3A_207 : vector<1x16xf32> to vector<16xf32>
        %mul3A_209 = arith.mulf %get3A_204, %get3A_208 : vector<16xf32>
        %swap3A_210 = arith.index_cast %scan3A_118 : i32 to index
        %swap3A_211 = arith.constant 96 : index
        %swap3A_212 = tpu.vector_load %arg13[%swap3A_210, %swap3A_211] {strides = array<i32>} : memref<40x128xf32, #tpu.memory_space<vmem>>, vector<1x16xf32>,
        %swap3A_213 = vector.shape_cast %swap3A_212 : vector<1x16xf32> to vector<16xf32>
        %swap3A_214 = vector.shape_cast %mul3A_209 : vector<16xf32> to vector<1x16xf32>
        tpu.vector_store %arg13[%swap3A_210, %swap3A_211], %swap3A_214 {strides = array<i32>} : memref<40x128xf32, #tpu.memory_space<vmem>>, vector<1x16xf32>,
        %get3A_215 = arith.index_cast %scan3A_118 : i32 to index
        %get3A_216 = arith.constant 112 : index
        %get3A_217 = tpu.vector_load %arg9[%get3A_215, %get3A_216] {strides = array<i32>} : memref<40x128xf32, #tpu.memory_space<vmem>>, vector<1x16xf32>,
        %get3A_218 = vector.shape_cast %get3A_217 : vector<1x16xf32> to vector<16xf32>
        %get3A_219 = arith.index_cast %scan3A_118 : i32 to index
        %get3A_220 = arith.constant 112 : index
        %get3A_221 = tpu.vector_load %arg11[%get3A_219, %get3A_220] {strides = array<i32>} : memref<40x128xf32, #tpu.memory_space<vmem>>, vector<1x16xf32>,
        %get3A_222 = vector.shape_cast %get3A_221 : vector<1x16xf32> to vector<16xf32>
        %mul3A_223 = arith.mulf %get3A_218, %get3A_222 : vector<16xf32>
        %swap3A_224 = arith.index_cast %scan3A_118 : i32 to index
        %swap3A_225 = arith.constant 112 : index
        %swap3A_226 = tpu.vector_load %arg13[%swap3A_224, %swap3A_225] {strides = array<i32>} : memref<40x128xf32, #tpu.memory_space<vmem>>, vector<1x16xf32>,
        %swap3A_227 = vector.shape_cast %swap3A_226 : vector<1x16xf32> to vector<16xf32>
        %swap3A_228 = vector.shape_cast %mul3A_223 : vector<16xf32> to vector<1x16xf32>
        tpu.vector_store %arg13[%swap3A_224, %swap3A_225], %swap3A_228 {strides = array<i32>} : memref<40x128xf32, #tpu.memory_space<vmem>>, vector<1x16xf32>,
      }
      %scan3A_96 = arith.constant 40 : i32
      %dma_start3A_97 = arith.constant 24 : i32
      %dma_start3A_98 = arith.constant 0 : i32
      %dma_start3A_99 = tpu.memref_slice %arg8[%dma_start3A_97, %dma_start3A_98] : memref<25x40xi32, #tpu.memory_space<vmem>> -> memref<1x40xi32, #tpu.memory_space<vmem>>
      %dma_start3A_100 = tpu.memref_squeeze %dma_start3A_99 : memref<1x40xi32, #tpu.memory_space<vmem>> -> memref<40xi32, #tpu.memory_space<vmem>>
      %dma_start3A_101 = arith.constant 0 : i32
      %dma_start3A_102 = arith.constant 0 : i32
      %dma_start3A_103 = tpu.memref_slice %arg15[%dma_start3A_101, %dma_start3A_102] : memref<10000x128xf32, #tpu.memory_space<vmem_shared>> -> memref<10000x128xf32, #tpu.memory_space<vmem_shared>>
      tpu.enqueue_indirect_dma source(%arg13 : memref<40x128xf32, #tpu.memory_space<vmem>>) target(%dma_start3A_103 : memref<10000x128xf32, #tpu.memory_space<vmem_shared>>) offsets(%dma_start3A_100 : memref<40xi32, #tpu.memory_space<vmem>>) semaphore(%arg20 : memref<!tpu.dma_semaphore, #tpu.memory_space<semaphore_mem>>) {add = true}
      %dma_wait3A_104 = arith.constant 24 : i32
      %dma_wait3A_105 = arith.constant 0 : i32
      %dma_wait3A_106 = tpu.memref_slice %arg8[%dma_wait3A_104, %dma_wait3A_105] : memref<25x40xi32, #tpu.memory_space<vmem>> -> memref<1x40xi32, #tpu.memory_space<vmem>>
      %dma_wait3A_107 = tpu.memref_squeeze %dma_wait3A_106 : memref<1x40xi32, #tpu.memory_space<vmem>> -> memref<40xi32, #tpu.memory_space<vmem>>
      %dma_wait3A_108 = arith.constant 0 : i32
      %dma_wait3A_109 = arith.constant 0 : i32
      %dma_wait3A_110 = tpu.memref_slice %arg15[%dma_wait3A_108, %dma_wait3A_109] : memref<10000x128xf32, #tpu.memory_space<vmem_shared>> -> memref<10000x128xf32, #tpu.memory_space<vmem_shared>>
      tpu.wait_indirect_dma semaphore(%arg20 : memref<!tpu.dma_semaphore, #tpu.memory_space<semaphore_mem>>) src(%arg13 : memref<40x128xf32, #tpu.memory_space<vmem>>) dst(%dma_wait3A_110 : memref<10000x128xf32, #tpu.memory_space<vmem_shared>>)
      %dma_wait3A_111 = arith.constant 23 : i32
      %dma_wait3A_112 = arith.constant 0 : i32
      %dma_wait3A_113 = tpu.memref_slice %arg8[%dma_wait3A_111, %dma_wait3A_112] : memref<25x40xi32, #tpu.memory_space<vmem>> -> memref<1x40xi32, #tpu.memory_space<vmem>>
      %dma_wait3A_114 = tpu.memref_squeeze %dma_wait3A_113 : memref<1x40xi32, #tpu.memory_space<vmem>> -> memref<40xi32, #tpu.memory_space<vmem>>
      %dma_wait3A_115 = arith.constant 0 : i32
      %dma_wait3A_116 = arith.constant 0 : i32
      %dma_wait3A_117 = tpu.memref_slice %arg15[%dma_wait3A_115, %dma_wait3A_116] : memref<10000x128xf32, #tpu.memory_space<vmem_shared>> -> memref<10000x128xf32, #tpu.memory_space<vmem_shared>>
      tpu.wait_indirect_dma semaphore(%arg21 : memref<!tpu.dma_semaphore, #tpu.memory_space<semaphore_mem>>) src(%arg14 : memref<40x128xf32, #tpu.memory_space<vmem>>) dst(%dma_wait3A_117 : memref<10000x128xf32, #tpu.memory_space<vmem_shared>>)
    }
    %scan3A_38 = arith.constant 5 : i32
    %barrier3A_39 = arith.constant 0 : index
    tpu.barrier barrier_id(%barrier3A_39)
    "tpu.region"() ({
      %run_scoped3A = tpu.sem_alloc : memref<!tpu.dma_semaphore, #tpu.memory_space<semaphore_mem>>
      %dma_start3A = arith.constant 0 : i32
      %dma_start3A_45 = tpu.memref_slice %arg6[%arg0, %mul3A_8, %dma_start3A] : memref<2x10000x128xf32, #tpu.memory_space<hbm>> -> memref<1x400x128xf32, #tpu.memory_space<hbm>>
      %dma_start3A_46 = tpu.memref_squeeze %dma_start3A_45 : memref<1x400x128xf32, #tpu.memory_space<hbm>> -> memref<400x128xf32, #tpu.memory_space<hbm>>
      %dma_start3A_47 = arith.constant 0 : i32
      %dma_start3A_48 = tpu.memref_slice %arg15[%mul3A_8, %dma_start3A_47] : memref<10000x128xf32, #tpu.memory_space<vmem_shared>> -> memref<400x128xf32, #tpu.memory_space<vmem_shared>>
      tpu.enqueue_dma source(%dma_start3A_48 : memref<400x128xf32, #tpu.memory_space<vmem_shared>>) target(%dma_start3A_46 : memref<400x128xf32, #tpu.memory_space<hbm>>) target_semaphore(%run_scoped3A : memref<!tpu.dma_semaphore, #tpu.memory_space<semaphore_mem>>)
      %dma_wait3A = arith.constant 0 : i32
      %dma_wait3A_49 = tpu.memref_slice %arg6[%arg0, %mul3A_8, %dma_wait3A] : memref<2x10000x128xf32, #tpu.memory_space<hbm>> -> memref<1x400x128xf32, #tpu.memory_space<hbm>>
      %dma_wait3A_50 = tpu.memref_squeeze %dma_wait3A_49 : memref<1x400x128xf32, #tpu.memory_space<hbm>> -> memref<400x128xf32, #tpu.memory_space<hbm>>
      %dma_wait3A_51 = arith.constant 0 : i32
      %dma_wait3A_52 = tpu.memref_slice %arg15[%mul3A_8, %dma_wait3A_51] : memref<10000x128xf32, #tpu.memory_space<vmem_shared>> -> memref<400x128xf32, #tpu.memory_space<vmem_shared>>
      tpu.wait_dma2 semaphore(%run_scoped3A : memref<!tpu.dma_semaphore, #tpu.memory_space<semaphore_mem>>) src(%dma_wait3A_52 : memref<400x128xf32, #tpu.memory_space<vmem_shared>>) dst(%dma_wait3A_50 : memref<400x128xf32, #tpu.memory_space<hbm>>)
      tpu.yield
    }) : () -> ()
    %lt3A_40 = arith.constant 15 : i32
    %lt3A_41 = arith.cmpi slt, %arg1, %lt3A_40 : i32
    %convert_element_type3A_42 = arith.extui %lt3A_41 : i1 to i32
    %cond3A_43 = arith.constant 0 : i32
    %cond3A_44 = arith.cmpi ne, %convert_element_type3A_42, %cond3A_43 : i32
    scf.if %cond3A_44 {
      %add3A_45 = arith.constant 400 : i32
      %add3A_46 = arith.addi %mul3A_8, %add3A_45 : i32
      %add3A_47 = arith.constant 400 : i32
      %add3A_48 = arith.addi %mul3A_8, %add3A_47 : i32
      "tpu.region"() ({
        %run_scoped3A = tpu.sem_alloc : memref<!tpu.dma_semaphore, #tpu.memory_space<semaphore_mem>>
        %dma_start3A = arith.constant 0 : i32
        %dma_start3A_49 = tpu.memref_slice %arg6[%arg0, %add3A_48, %dma_start3A] : memref<2x10000x128xf32, #tpu.memory_space<hbm>> -> memref<1x240x128xf32, #tpu.memory_space<hbm>>
        %dma_start3A_50 = tpu.memref_squeeze %dma_start3A_49 : memref<1x240x128xf32, #tpu.memory_space<hbm>> -> memref<240x128xf32, #tpu.memory_space<hbm>>
        %dma_start3A_51 = arith.constant 0 : i32
        %dma_start3A_52 = tpu.memref_slice %arg15[%add3A_46, %dma_start3A_51] : memref<10000x128xf32, #tpu.memory_space<vmem_shared>> -> memref<240x128xf32, #tpu.memory_space<vmem_shared>>
        tpu.enqueue_dma source(%dma_start3A_52 : memref<240x128xf32, #tpu.memory_space<vmem_shared>>) target(%dma_start3A_50 : memref<240x128xf32, #tpu.memory_space<hbm>>) target_semaphore(%run_scoped3A : memref<!tpu.dma_semaphore, #tpu.memory_space<semaphore_mem>>)
        %dma_wait3A = arith.constant 0 : i32
        %dma_wait3A_53 = tpu.memref_slice %arg6[%arg0, %add3A_48, %dma_wait3A] : memref<2x10000x128xf32, #tpu.memory_space<hbm>> -> memref<1x240x128xf32, #tpu.memory_space<hbm>>
        %dma_wait3A_54 = tpu.memref_squeeze %dma_wait3A_53 : memref<1x240x128xf32, #tpu.memory_space<hbm>> -> memref<240x128xf32, #tpu.memory_space<hbm>>
        %dma_wait3A_55 = arith.constant 0 : i32
        %dma_wait3A_56 = tpu.memref_slice %arg15[%add3A_46, %dma_wait3A_55] : memref<10000x128xf32, #tpu.memory_space<vmem_shared>> -> memref<240x128xf32, #tpu.memory_space<vmem_shared>>
        tpu.wait_dma2 semaphore(%run_scoped3A : memref<!tpu.dma_semaphore, #tpu.memory_space<semaphore_mem>>) src(%dma_wait3A_56 : memref<240x128xf32, #tpu.memory_space<vmem_shared>>) dst(%dma_wait3A_54 : memref<240x128xf32, #tpu.memory_space<hbm>>)
        tpu.yield
      }) : () -> ()
    } else {
    }
    return
  }
}

module attributes {stable_mosaic.version = 14 : i64} {
  func.func @_edge_mm_body(%arg0: i32, %arg1: memref<16x3200xf32, #tpu.memory_space<vmem>>, %arg2: memref<16x128xf32, #tpu.memory_space<vmem>>, %arg3: memref<1x128xf32, #tpu.memory_space<vmem>>, %arg4: memref<3200x128xf32, #tpu.memory_space<vmem>>) attributes {dimension_semantics = [#tpu.dimension_semantics<arbitrary>], iteration_bounds = array<i64: 50>, scalar_prefetch = 0 : i64, scratch_operands = 0 : i64, tpu.core_type = #tpu.core_type<tc>, window_params = [{transform_indices = @transform_0, window_bounds = array<i64: 16, 3200>}, {pipeline_mode = #tpu.pipeline_mode<synchronous>, transform_indices = @transform_1, window_bounds = array<i64: 16, 128>}, {pipeline_mode = #tpu.pipeline_mode<synchronous>, transform_indices = @transform_2, window_bounds = array<i64: 1, 128>}, {transform_indices = @transform_3, window_bounds = array<i64: 3200, 128>}]} {
    %get3A = arith.constant 0 : index
    %get3A_0 = arith.constant 0 : index
    %get3A_1 = vector.load %arg1[%get3A, %get3A_0] : memref<16x3200xf32, #tpu.memory_space<vmem>>, vector<16x3200xf32>
    %get3A_2 = arith.constant 0 : index
    %get3A_3 = arith.constant 0 : index
    %get3A_4 = vector.load %arg2[%get3A_2, %get3A_3] : memref<16x128xf32, #tpu.memory_space<vmem>>, vector<16x128xf32>
    %dot_general3A = arith.constant dense<0.000000e+00> : vector<3200x128xf32>
    %dot_general3A_5 = tpu.matmul %get3A_1, %get3A_4, %dot_general3A {dimension_numbers = #tpu.dot_dimension_numbers<[0], [0], [1], [1], [0, 1, 1, 1], [], []>, transpose_lhs_hint = false} : vector<16x3200xf32>, vector<16x128xf32>, vector<3200x128xf32> -> vector<3200x128xf32>
    %get3A_6 = arith.constant 0 : index
    %get3A_7 = arith.constant 0 : index
    %get3A_8 = vector.load %arg3[%get3A_6, %get3A_7] : memref<1x128xf32, #tpu.memory_space<vmem>>, vector<1x128xf32>
    %add3A = vector.broadcast %get3A_8 : vector<1x128xf32> to vector<3200x128xf32>
    %add3A_9 = arith.addf %dot_general3A_5, %add3A : vector<3200x128xf32>
    %swap3A = arith.constant 0 : index
    %swap3A_10 = arith.constant 0 : index
    %swap3A_11 = vector.load %arg4[%swap3A, %swap3A_10] : memref<3200x128xf32, #tpu.memory_space<vmem>>, vector<3200x128xf32>
    tpu.vector_store %arg4[%swap3A, %swap3A_10], %add3A_9 {strides = array<i32>} : memref<3200x128xf32, #tpu.memory_space<vmem>>, vector<3200x128xf32>,
    return
  }
  func.func @transform_0(%arg0: i32) -> (i32, i32) {
    %add3A = arith.constant 50 : i32
    %add3A_0 = arith.addi %arg0, %add3A : i32
    %c0_i32 = arith.constant 0 : i32
    %c0_i32_1 = arith.constant 0 : i32
    return %c0_i32, %add3A_0 : i32, i32
  }
  func.func @transform_1(%arg0: i32) -> (i32, i32) {
    %c0_i32 = arith.constant 0 : i32
    %c0_i32_0 = arith.constant 0 : i32
    %c0_i32_1 = arith.constant 0 : i32
    return %c0_i32, %c0_i32_0 : i32, i32
  }
  func.func @transform_2(%arg0: i32) -> (i32, i32) {
    %c0_i32 = arith.constant 0 : i32
    %c0_i32_0 = arith.constant 0 : i32
    %c0_i32_1 = arith.constant 0 : i32
    return %c0_i32, %c0_i32_0 : i32, i32
  }
  func.func @transform_3(%arg0: i32) -> (i32, i32) {
    %c0_i32 = arith.constant 0 : i32
    %c0_i32_0 = arith.constant 0 : i32
    return %arg0, %c0_i32 : i32, i32
  }
}

module attributes {stable_mosaic.version = 14 : i64} {
  func.func @_mm_bias_body(%arg0: i32, %arg1: memref<1000x128xf32, #tpu.memory_space<vmem>>, %arg2: memref<128x128xf32, #tpu.memory_space<vmem>>, %arg3: memref<1x128xf32, #tpu.memory_space<vmem>>, %arg4: memref<1000x128xf32, #tpu.memory_space<vmem>>) attributes {dimension_semantics = [#tpu.dimension_semantics<arbitrary>], iteration_bounds = array<i64: 10>, scalar_prefetch = 0 : i64, scratch_operands = 0 : i64, tpu.core_type = #tpu.core_type<tc>, window_params = [{transform_indices = @transform_0, window_bounds = array<i64: 1000, 128>}, {pipeline_mode = #tpu.pipeline_mode<synchronous>, transform_indices = @transform_1, window_bounds = array<i64: 128, 128>}, {pipeline_mode = #tpu.pipeline_mode<synchronous>, transform_indices = @transform_2, window_bounds = array<i64: 1, 128>}, {transform_indices = @transform_3, window_bounds = array<i64: 1000, 128>}]} {
    %get3A = arith.constant 0 : index
    %get3A_0 = arith.constant 0 : index
    %get3A_1 = vector.load %arg1[%get3A, %get3A_0] : memref<1000x128xf32, #tpu.memory_space<vmem>>, vector<1000x128xf32>
    %get3A_2 = arith.constant 0 : index
    %get3A_3 = arith.constant 0 : index
    %get3A_4 = vector.load %arg2[%get3A_2, %get3A_3] : memref<128x128xf32, #tpu.memory_space<vmem>>, vector<128x128xf32>
    %dot_general3A = arith.constant dense<0.000000e+00> : vector<1000x128xf32>
    %dot_general3A_5 = tpu.matmul %get3A_1, %get3A_4, %dot_general3A {dimension_numbers = #tpu.dot_dimension_numbers<[1], [0], [0], [1], [0, 0, 1, 1], [], []>, transpose_lhs_hint = false} : vector<1000x128xf32>, vector<128x128xf32>, vector<1000x128xf32> -> vector<1000x128xf32>
    %get3A_6 = arith.constant 0 : index
    %get3A_7 = arith.constant 0 : index
    %get3A_8 = vector.load %arg3[%get3A_6, %get3A_7] : memref<1x128xf32, #tpu.memory_space<vmem>>, vector<1x128xf32>
    %add3A = vector.broadcast %get3A_8 : vector<1x128xf32> to vector<1000x128xf32>
    %add3A_9 = arith.addf %dot_general3A_5, %add3A : vector<1000x128xf32>
    %swap3A = arith.constant 0 : index
    %swap3A_10 = arith.constant 0 : index
    %swap3A_11 = vector.load %arg4[%swap3A, %swap3A_10] : memref<1000x128xf32, #tpu.memory_space<vmem>>, vector<1000x128xf32>
    tpu.vector_store %arg4[%swap3A, %swap3A_10], %add3A_9 {strides = array<i32>} : memref<1000x128xf32, #tpu.memory_space<vmem>>, vector<1000x128xf32>,
    return
  }
  func.func @transform_0(%arg0: i32) -> (i32, i32) {
    %c0_i32 = arith.constant 0 : i32
    %c0_i32_0 = arith.constant 0 : i32
    return %arg0, %c0_i32 : i32, i32
  }
  func.func @transform_1(%arg0: i32) -> (i32, i32) {
    %c0_i32 = arith.constant 0 : i32
    %c0_i32_0 = arith.constant 0 : i32
    %c0_i32_1 = arith.constant 0 : i32
    return %c0_i32, %c0_i32_0 : i32, i32
  }
  func.func @transform_2(%arg0: i32) -> (i32, i32) {
    %c0_i32 = arith.constant 0 : i32
    %c0_i32_0 = arith.constant 0 : i32
    %c0_i32_1 = arith.constant 0 : i32
    return %c0_i32, %c0_i32_0 : i32, i32
  }
  func.func @transform_3(%arg0: i32) -> (i32, i32) {
    %c0_i32 = arith.constant 0 : i32
    %c0_i32_0 = arith.constant 0 : i32
    return %arg0, %c0_i32 : i32, i32
  }
}

module attributes {stable_mosaic.version = 14 : i64} {
  func.func @_edge_mm_body(%arg0: i32, %arg1: memref<16x3200xf32, #tpu.memory_space<vmem>>, %arg2: memref<16x128xf32, #tpu.memory_space<vmem>>, %arg3: memref<1x128xf32, #tpu.memory_space<vmem>>, %arg4: memref<3200x128xf32, #tpu.memory_space<vmem>>) attributes {dimension_semantics = [#tpu.dimension_semantics<arbitrary>], iteration_bounds = array<i64: 50>, scalar_prefetch = 0 : i64, scratch_operands = 0 : i64, tpu.core_type = #tpu.core_type<tc>, window_params = [{transform_indices = @transform_0, window_bounds = array<i64: 16, 3200>}, {pipeline_mode = #tpu.pipeline_mode<synchronous>, transform_indices = @transform_1, window_bounds = array<i64: 16, 128>}, {pipeline_mode = #tpu.pipeline_mode<synchronous>, transform_indices = @transform_2, window_bounds = array<i64: 1, 128>}, {transform_indices = @transform_3, window_bounds = array<i64: 3200, 128>}]} {
    %get3A = arith.constant 0 : index
    %get3A_0 = arith.constant 0 : index
    %get3A_1 = vector.load %arg1[%get3A, %get3A_0] : memref<16x3200xf32, #tpu.memory_space<vmem>>, vector<16x3200xf32>
    %get3A_2 = arith.constant 0 : index
    %get3A_3 = arith.constant 0 : index
    %get3A_4 = vector.load %arg2[%get3A_2, %get3A_3] : memref<16x128xf32, #tpu.memory_space<vmem>>, vector<16x128xf32>
    %dot_general3A = arith.constant dense<0.000000e+00> : vector<3200x128xf32>
    %dot_general3A_5 = tpu.matmul %get3A_1, %get3A_4, %dot_general3A {dimension_numbers = #tpu.dot_dimension_numbers<[0], [0], [1], [1], [0, 1, 1, 1], [], []>, transpose_lhs_hint = false} : vector<16x3200xf32>, vector<16x128xf32>, vector<3200x128xf32> -> vector<3200x128xf32>
    %get3A_6 = arith.constant 0 : index
    %get3A_7 = arith.constant 0 : index
    %get3A_8 = vector.load %arg3[%get3A_6, %get3A_7] : memref<1x128xf32, #tpu.memory_space<vmem>>, vector<1x128xf32>
    %add3A = vector.broadcast %get3A_8 : vector<1x128xf32> to vector<3200x128xf32>
    %add3A_9 = arith.addf %dot_general3A_5, %add3A : vector<3200x128xf32>
    %swap3A = arith.constant 0 : index
    %swap3A_10 = arith.constant 0 : index
    %swap3A_11 = vector.load %arg4[%swap3A, %swap3A_10] : memref<3200x128xf32, #tpu.memory_space<vmem>>, vector<3200x128xf32>
    tpu.vector_store %arg4[%swap3A, %swap3A_10], %add3A_9 {strides = array<i32>} : memref<3200x128xf32, #tpu.memory_space<vmem>>, vector<3200x128xf32>,
    return
  }
  func.func @transform_0(%arg0: i32) -> (i32, i32) {
    %add3A = arith.constant 0 : i32
    %add3A_0 = arith.addi %arg0, %add3A : i32
    %c0_i32 = arith.constant 0 : i32
    %c0_i32_1 = arith.constant 0 : i32
    return %c0_i32, %add3A_0 : i32, i32
  }
  func.func @transform_1(%arg0: i32) -> (i32, i32) {
    %c0_i32 = arith.constant 0 : i32
    %c0_i32_0 = arith.constant 0 : i32
    %c0_i32_1 = arith.constant 0 : i32
    return %c0_i32, %c0_i32_0 : i32, i32
  }
  func.func @transform_2(%arg0: i32) -> (i32, i32) {
    %c0_i32 = arith.constant 0 : i32
    %c0_i32_0 = arith.constant 0 : i32
    %c0_i32_1 = arith.constant 0 : i32
    return %c0_i32, %c0_i32_0 : i32, i32
  }
  func.func @transform_3(%arg0: i32) -> (i32, i32) {
    %c0_i32 = arith.constant 0 : i32
    %c0_i32_0 = arith.constant 0 : i32
    return %arg0, %c0_i32 : i32, i32
  }
}

module attributes {stable_mosaic.version = 14 : i64} {
  func.func @_final_body(%arg0: i32, %arg1: memref<2x1000x128xf32, #tpu.memory_space<vmem>>, %arg2: memref<2x1000x128xf32, #tpu.memory_space<vmem>>, %arg3: memref<128x128xf32, #tpu.memory_space<vmem>>, %arg4: memref<1x128xf32, #tpu.memory_space<vmem>>, %arg5: memref<1000x128xf32, #tpu.memory_space<vmem>>) attributes {dimension_semantics = [#tpu.dimension_semantics<arbitrary>], iteration_bounds = array<i64: 10>, scalar_prefetch = 0 : i64, scratch_operands = 0 : i64, tpu.core_type = #tpu.core_type<tc>, window_params = [{transform_indices = @transform_0, window_bounds = array<i64: 2, 1000, 128>}, {transform_indices = @transform_1, window_bounds = array<i64: 2, 1000, 128>}, {pipeline_mode = #tpu.pipeline_mode<synchronous>, transform_indices = @transform_2, window_bounds = array<i64: 128, 128>}, {pipeline_mode = #tpu.pipeline_mode<synchronous>, transform_indices = @transform_3, window_bounds = array<i64: 1, 128>}, {transform_indices = @transform_4, window_bounds = array<i64: 1000, 128>}]} {
    %get3A = arith.constant 0 : index
    %get3A_0 = arith.constant 0 : index
    %get3A_1 = arith.constant 0 : index
    %get3A_2 = vector.load %arg1[%get3A, %get3A_0, %get3A_1] : memref<2x1000x128xf32, #tpu.memory_space<vmem>>, vector<1x1000x128xf32>
    %get3A_3 = vector.shape_cast %get3A_2 : vector<1x1000x128xf32> to vector<1000x128xf32>
    %get3A_4 = arith.constant 1 : index
    %get3A_5 = arith.constant 0 : index
    %get3A_6 = arith.constant 0 : index
    %get3A_7 = vector.load %arg1[%get3A_4, %get3A_5, %get3A_6] : memref<2x1000x128xf32, #tpu.memory_space<vmem>>, vector<1x1000x128xf32>
    %get3A_8 = vector.shape_cast %get3A_7 : vector<1x1000x128xf32> to vector<1000x128xf32>
    %add3A = arith.addf %get3A_3, %get3A_8 : vector<1000x128xf32>
    %get3A_9 = arith.constant 0 : index
    %get3A_10 = arith.constant 0 : index
    %get3A_11 = arith.constant 0 : index
    %get3A_12 = vector.load %arg2[%get3A_9, %get3A_10, %get3A_11] : memref<2x1000x128xf32, #tpu.memory_space<vmem>>, vector<1x1000x128xf32>
    %get3A_13 = vector.shape_cast %get3A_12 : vector<1x1000x128xf32> to vector<1000x128xf32>
    %add3A_14 = arith.addf %add3A, %get3A_13 : vector<1000x128xf32>
    %get3A_15 = arith.constant 1 : index
    %get3A_16 = arith.constant 0 : index
    %get3A_17 = arith.constant 0 : index
    %get3A_18 = vector.load %arg2[%get3A_15, %get3A_16, %get3A_17] : memref<2x1000x128xf32, #tpu.memory_space<vmem>>, vector<1x1000x128xf32>
    %get3A_19 = vector.shape_cast %get3A_18 : vector<1x1000x128xf32> to vector<1000x128xf32>
    %add3A_20 = arith.addf %add3A_14, %get3A_19 : vector<1000x128xf32>
    %get3A_21 = arith.constant 0 : index
    %get3A_22 = arith.constant 0 : index
    %get3A_23 = vector.load %arg3[%get3A_21, %get3A_22] : memref<128x128xf32, #tpu.memory_space<vmem>>, vector<128x128xf32>
    %dot_general3A = arith.constant dense<0.000000e+00> : vector<1000x128xf32>
    %dot_general3A_24 = tpu.matmul %add3A_20, %get3A_23, %dot_general3A {dimension_numbers = #tpu.dot_dimension_numbers<[1], [0], [0], [1], [0, 0, 1, 1], [], []>, transpose_lhs_hint = false} : vector<1000x128xf32>, vector<128x128xf32>, vector<1000x128xf32> -> vector<1000x128xf32>
    %get3A_25 = arith.constant 0 : index
    %get3A_26 = arith.constant 0 : index
    %get3A_27 = vector.load %arg4[%get3A_25, %get3A_26] : memref<1x128xf32, #tpu.memory_space<vmem>>, vector<1x128xf32>
    %add3A_28 = vector.broadcast %get3A_27 : vector<1x128xf32> to vector<1000x128xf32>
    %add3A_29 = arith.addf %dot_general3A_24, %add3A_28 : vector<1000x128xf32>
    %swap3A = arith.constant 0 : index
    %swap3A_30 = arith.constant 0 : index
    %swap3A_31 = vector.load %arg5[%swap3A, %swap3A_30] : memref<1000x128xf32, #tpu.memory_space<vmem>>, vector<1000x128xf32>
    tpu.vector_store %arg5[%swap3A, %swap3A_30], %add3A_29 {strides = array<i32>} : memref<1000x128xf32, #tpu.memory_space<vmem>>, vector<1000x128xf32>,
    return
  }
  func.func @transform_0(%arg0: i32) -> (i32, i32, i32) {
    %c0_i32 = arith.constant 0 : i32
    %c0_i32_0 = arith.constant 0 : i32
    %c0_i32_1 = arith.constant 0 : i32
    return %c0_i32, %arg0, %c0_i32_0 : i32, i32, i32
  }
  func.func @transform_1(%arg0: i32) -> (i32, i32, i32) {
    %c0_i32 = arith.constant 0 : i32
    %c0_i32_0 = arith.constant 0 : i32
    %c0_i32_1 = arith.constant 0 : i32
    return %c0_i32, %arg0, %c0_i32_0 : i32, i32, i32
  }
  func.func @transform_2(%arg0: i32) -> (i32, i32) {
    %c0_i32 = arith.constant 0 : i32
    %c0_i32_0 = arith.constant 0 : i32
    %c0_i32_1 = arith.constant 0 : i32
    return %c0_i32, %c0_i32_0 : i32, i32
  }
  func.func @transform_3(%arg0: i32) -> (i32, i32) {
    %c0_i32 = arith.constant 0 : i32
    %c0_i32_0 = arith.constant 0 : i32
    %c0_i32_1 = arith.constant 0 : i32
    return %c0_i32, %c0_i32_0 : i32, i32
  }
  func.func @transform_4(%arg0: i32) -> (i32, i32) {
    %c0_i32 = arith.constant 0 : i32
    %c0_i32_0 = arith.constant 0 : i32
    return %arg0, %c0_i32 : i32, i32
  }
}

</mosaic_0001>

<sc_bundles>
// kernel: sc_gather_mul_scatter_h0.3.cloned.1.call-start
scs
__scs_entry_jumppad:
0x0: {  	(pc) =	sbr.rel $0x88, $3  }
0x1: {  	(tag) =	ssettag $0x0;
	lr =	simm.s32 $0x1  }
0x2: {  	[smem:$0x3F98] =	sst lr;
	_ =	strace $0xD0000000  }
0x3: {  	_ = 	snop  }
0x4: {  	_ = 	snop  }
0x5: {  	_ = 	snop  }
0x6: {  	_ = 	snop  }
0x7: {  	_ = 	snop  }
__scs_overlays_trampoline_lowered:
0x8: {  	[smem:$0x3FA7] =	sst s0  }
0x9: {  	[smem:$0x3FA8] =	sst s1  }
0xa: {  	[smem:$0x3FA9] =	sst s2  }
0xb: {  	[smem:$0x3FAA] =	sst s3  }
0xc: {  	[smem:$0x3FAB] =	sst s4  }
0xd: {  	[smem:$0x3FAC] =	sst s5  }
0xe: {  	[smem:$0x3FAD] =	sst s6  }
0xf: {  	[smem:$0x3FAE] =	sst s7  }
0x10: {  	[smem:$0x3FAF] =	sst s8  }
0x11: {  	[smem:$0x3FB0] =	sst s9;
	s0 =	simm.s32 @!p0 $0x0  }
0x12: {  	s1 =	sld [smem:$0x3F96];
	s0 =	simm.s32 @p0 $0x1  }
0x13: {  	[smem:$0x3FB1] =	sst s0;
	s0 =	simm.s32 @!p1 $0x0  }
0x14: {  	s2 =	sld [smem:$0x3F95];
	s0 =	simm.s32 @p1 $0x1  }
0x15: {  	[smem:$0x3FB2] =	sst s0;
	s0 =	simm.s32 @!p2 $0x0  }
0x16: {  	s3 =	sld [smem:$0x3FDB];
	s0 =	simm.s32 @p2 $0x1  }
0x17: {  	s4 =	simm.s32 $0x1BF5;
	[smem:$0x3FB4] =	sst s0  }
0x18: {  	s0 =	sld [smem:$0x3F97];
	_ =	swait.ge [sflag:s4], $0x0  }
0x19: {  	s7 =	sld [smem:$0x3F98]  }
0x1a: {  	s8 =	sadd.s32 $0xFFFFE003, lr  }
0x1b: {  	s9 =	sadd.s32 $0xFFFFFEF7, lr;
	s5 =	simm.s32 $0xFFFFFFFF;
	p2 =	slt.u32 s8, $0xFFFFF086  }
0x1c: {  	p1 =	slt.u32 s9, $0xF7A;
	s5 =	simm.s32 @!p2 $0x0  }
0x1d: {  	s5 =	simm.s32 @p1 $0x1;
	p0 =	seq.s32 s7, s2  }
0x1e: {  	s7 =	smul.u32 @!p0 $0xF7A, s2;
	p2 =	seq.s32 @!p0 s5, $0x0  }
0x1f: {  	s9 =	smul.u32 $0xF7A, s1;
	s8 =	simm.s32 @!p0 $0x1BF5;
	p2 =	por !p2, p0  }
0x20: {  	[sflag:s8] =	ssyncset.s32 @!p0 $0xFFFFF086;
	s6 =	sadd.s32 @!p0 s3, s7;
	s7 =	simm.s32 @!p0 $0x108  }
0x21: {  	s3 =	sadd.s32 s3, s9;
	s6 =	sadd.s32 @!p0 $0x88, s6;
	s7 =	simm.s32 @p2 $0x1082  }
0x22: {  	[simem:s7], [sflag:s8] =	dma.local @!p0 [hbm:s6], $0xF7A  }
0x23: {  	s9 =	sor.u32 $0xD0000000, s2;
	s6 =	simm.s32 $0x108;
	_ =	swait.ge @!p0 [sflag:s8], $0x0  }
0x24: {  	s3 =	sadd.s32 $0x88, s3;
	s6 =	simm.s32 @!p1 $0x1082;
	[sflag:s4] =	ssyncset.s32 $0xFFFFF086  }
0x25: {  	[simem:s6], [sflag:s4] =	dma.local [hbm:s3], $0xF7A  }
0x26: {  	[smem:$0x3F98] =	sst s1;
	(tag) =	ssettag s2;
	_ =	strace s9  }
0x27: {  	s1 =	sld [smem:$0x3FA8]  }
0x28: {  	s2 =	sld [smem:$0x3FA9]  }
0x29: {  	s4 =	sld [smem:$0x3FAB]  }
0x2a: {  	p0 =	seq.s32 s5, $0x0;
	s5 =	sld [smem:$0x3FAC]  }
0x2b: {  	s6 =	sld [smem:$0x3FAD]  }
0x2c: {  	s7 =	sld [smem:$0x3FAE]  }
0x2d: {  	s3 =	simm.s32 $0x108;
	s8 =	sld [smem:$0x3FAF]  }
0x2e: {  	s3 =	simm.s32 @!p0 $0x1082;
	s9 =	sld [smem:$0x3FB0]  }
0x2f: {  	lr =	sadd.s32 s0, s3;
	s0 =	sld [smem:$0x3FA7]  }
0x30: {  	s3 =	sld [smem:$0x3FAA]  }
0x31: {  	[smem:$0x3FB3] =	sst s10  }
0x32: {  	s10 =	sld [smem:$0x3FB1];
	_ =	sdelay $0x3  }
0x33: {  	p0 =	seq.s32 s10, $0x1;
	s10 =	sld [smem:$0x3FB3];
	_ =	sdelay $0x3  }
0x34: {  	[smem:$0x3FB3] =	sst s10  }
0x35: {  	s10 =	sld [smem:$0x3FB2];
	_ =	sdelay $0x3  }
0x36: {  	p1 =	seq.s32 s10, $0x1;
	s10 =	sld [smem:$0x3FB3];
	_ =	sdelay $0x3  }
0x37: {  	[smem:$0x3FB3] =	sst s10  }
0x38: {  	s10 =	sld [smem:$0x3FB4]  }
0x39: {  	_ = 	snop;
	(pc) =	sbr.ind lr, $3  }
0x3a: {  	_ = 	snop  }
0x3b: {  	_ = 	snop  }
0x3c: {  	p2 =	seq.s32 s10, $0x1;
	s10 =	sld [smem:$0x3FB3]  }
0x3d: {  	_ =	shalt  }
0x3e: {  	_ =	shalt  }
0x3f: {  	_ =	shalt  }
0x40: {  	_ =	shalt  }
0x41: {  	_ =	shalt  }
0x42: {  	_ =	shalt  }
0x43: {  	_ =	shalt  }
0x44: {  	_ =	shalt  }
0x45: {  	_ =	shalt  }
0x46: {  	_ =	shalt  }
0x47: {  	_ =	shalt  }
0x48: {  	_ =	shalt  }
0x49: {  	_ =	shalt  }
0x4a: {  	_ =	shalt  }
0x4b: {  	_ =	shalt  }
0x4c: {  	_ =	shalt  }
0x4d: {  	_ =	shalt  }
0x4e: {  	_ =	shalt  }
0x4f: {  	_ =	shalt  }
0x50: {  	_ =	shalt  }
0x51: {  	_ =	shalt  }
0x52: {  	_ =	shalt  }
0x53: {  	_ =	shalt  }
0x54: {  	_ =	shalt  }
0x55: {  	_ =	shalt  }
0x56: {  	_ =	shalt  }
0x57: {  	_ =	shalt  }
0x58: {  	_ =	shalt  }
0x59: {  	_ =	shalt  }
0x5a: {  	_ =	shalt  }
0x5b: {  	_ =	shalt  }
0x5c: {  	_ =	shalt  }
0x5d: {  	_ =	shalt  }
0x5e: {  	_ =	shalt  }
0x5f: {  	_ =	shalt  }
0x60: {  	_ =	shalt  }
0x61: {  	_ =	shalt  }
0x62: {  	_ =	shalt  }
0x63: {  	_ =	shalt  }
0x64: {  	_ =	shalt  }
0x65: {  	_ =	shalt  }
0x66: {  	_ =	shalt  }
0x67: {  	_ =	shalt  }
0x68: {  	_ =	shalt  }
0x69: {  	_ =	shalt  }
0x6a: {  	_ =	shalt  }
0x6b: {  	_ =	shalt  }
0x6c: {  	_ =	shalt  }
0x6d: {  	_ =	shalt  }
0x6e: {  	_ =	shalt  }
0x6f: {  	_ =	shalt  }
0x70: {  	_ =	shalt  }
0x71: {  	_ =	shalt  }
0x72: {  	_ =	shalt  }
0x73: {  	_ =	shalt  }
0x74: {  	_ =	shalt  }
0x75: {  	_ =	shalt  }
0x76: {  	_ =	shalt  }
0x77: {  	_ =	shalt  }
0x78: {  	_ =	shalt  }
0x79: {  	_ =	shalt  }
0x7a: {  	_ =	shalt  }
0x7b: {  	_ =	shalt  }
0x7c: {  	_ =	shalt  }
0x7d: {  	_ =	shalt  }
0x7e: {  	_ =	shalt  }
0x7f: {  	_ =	shalt  }
0x80: {  	_ =	shalt  }
0x81: {  	_ =	shalt  }
0x82: {  	_ =	shalt  }
0x83: {  	_ =	shalt  }
0x84: {  	_ =	shalt  }
0x85: {  	_ =	shalt  }
0x86: {  	_ =	shalt  }
0x87: {  	_ =	shalt  }
.Lfunc_end0:
.L_simem_size_0:
called_computation_lowered:
.L_overlay_start_0:
0x88: {  	s2 =	sld [smem:$0x3FD9]  }
0x89: {  	s3 =	sld [smem:$0x3FFE];
	_ =	sdelay $0x1  }
0x8a: {  	s1 =	srdreg.scid  }
0x8b: {  	s0 =	sand.u32 $0x1, s1  }
0x8c: {  	s17 =	sshll.u32 s0, $0xA;
	s2 =	sadd.s32 s3, s2  }
0x8d: {  	s2 =	sadd.s32 s2, s17  }
0x8e: {  	[smem:$0x3FBF] =	sst s2  }
0x8f: {  	_ = 	snop  }
0x90: {  	s18 =	sld [smem:$0x3FD0];
	(tm) =	ssettm $0x1  }
0x91: {  	s19 =	sld [smem:$0x3FFB];
	_ =	sdelay $0x3  }
0x92: {  	_ =	strace s19  }
0x93: {  	s2 =	sld [smem:$0x3FFC];
	_ =	sdelay $0x3  }
0x94: {  	_ =	strace s2  }
0x95: {  	s2 =	sld [smem:$0x3FFD];
	_ =	sdelay $0x3  }
0x96: {  	_ =	strace s2  }
0x97: {  	_ =	strace $0x8FFFFFFF  }
0x98: {  	s20 =	sld [smem:$0x3FDB];
	_ =	sdelay $0x1  }
0x99: {  	s4 =	simm.s32 $_scs_section_size  }
0x9a: {  	s5 =	simm.s32 $_size__tile_overlayer_lowered;
	s6 =	simm.s32 $_tile_overlayer_lowered  }
0x9b: {  	s7 =	simm.s32 $0x1BFF;
	s21 =	sshll.u32 s6, $0x1;
	s4 =	sadd.s32 s4, s20  }
0x9c: {  	s22 =	simm.s32 $0x0;
	s5 =	sshll.u32 s5, $0x1;
	s6 =	sadd.s32 s21, s4  }
0x9d: {  	[timem:s22], [sflag:s7] =	dma.local [hbm:s6], s5  }
0x9e: {  	_ =	swait.ge [sflag:s7], s5  }
0x9f: {  	s5 =	ssub.s32 $0x0, s5;
	[sflag:s7] =	ssyncset.done $0x0  }
0xa0: {  	[sflag:s7] =	ssyncadd.s32 s5;
	_ =	sdelay $0x1  }
0xa1: {  	s23 =	simm.s32 $0x1B8B  }
0xa2: {  	_ =	swait.ge [sflag:s23], $0x1  }
0xa3: {  	[sflag:s23] =	ssyncset.done $0x0  }
0xa4: {  	[sflag:s23] =	ssyncadd.s32 $0xFFFFFFFF  }
0xa5: {  	s5 =	sld [smem:$0x0]  }
0xa6: {  	s6 =	sand.u32 $0xFFFFFFFE, s1  }
0xa7: {  	p0 =	sne.s32 s1, s6  }
0xa8: {  	s6 =	sshll.u32 @p0 s6, $0xE  }
0xa9: {  	s6 =	sadd.s32 @p0 $0x11B8D, s6;
	s7 =	sshll.u32 @p0 s5, $0x11  }
0xaa: {  	s6 =	sor.u32 @p0 s7, s6  }
0xab: {  	[sflag:s6] =	ssyncadd.remote.s32 @p0 $0x1;
	_ =	sdelay $0x1  }
0xac: {  	s6 =	simm.s32 @p0 $0x1B8D  }
0xad: {  	_ =	swait.eq @p0 [sflag:s6], $0x1  }
0xae: {  	[sflag:s6] =	ssyncadd.s32 @p0 $0xFFFFFFFF  }
0xaf: {  	s7 =	sshll.u32 @!p0 s1, $0xE  }
0xb0: {  	s7 =	sor.u32 @!p0 $0x4000, s7;
	s6 =	simm.s32 @!p0 $0x1B8D  }
0xb1: {  	s5 =	sshll.u32 @!p0 s5, $0x11;
	s7 =	sadd.s32 @!p0 $0x11B8D, s7;
	_ =	swait.eq @!p0 [sflag:s6], $0x1  }
0xb2: {  	s5 =	sor.u32 @!p0 s5, s7;
	[sflag:s6] =	ssyncadd.s32 @!p0 $0xFFFFFFFF  }
0xb3: {  	s25 =	simm.s32 $0x1B8E;
	s24 =	sld [smem:$0x3FFE];
	[sflag:s5] =	ssyncadd.remote.s32 @!p0 $0x1  }
0xb4: {  	s26 =	simm.s32 $execute0_lowered;
	[smem:$0x3FD2] =	sst s25  }
0xb5: {  	s6 =	sshll.u32 s26, $0x1;
	_ =	strace $0x80000049;
	[dreg:$0x1] =	wrdreg $0xFFFFFFFF  }
0xb6: {  	s28 =	simm.s32 $_size_execute0_lowered;
	s4 =	sadd.s32 s4, s6;
	[dreg:$0x0] =	wrdreg $0x0  }
0xb7: {  	s6 =	sshll.u32 s28, $0x1;
	[dreg:$0x2] =	wrdreg s4  }
0xb8: {  	[dreg:$0x3] =	wrdreg s6  }
0xb9: {  	[dreg:$0x4] =	wrdreg $0xC0  }
0xba: {  	_ =	task [dreg:s22], $0x5FFFF  }
0xbb: {  	[dreg:$0x1] =	wrdreg $0xFFFFFFFF  }
0xbc: {  	[dreg:$0x0] =	wrdreg $0x60  }
0xbd: {  	[dreg:$0x2] =	wrdreg s18  }
0xbe: {  	[dreg:$0x3] =	wrdreg s24  }
0xbf: {  	[dreg:$0x4] =	wrdreg $0x98000  }
0xc0: {  	[dreg:$0x5] =	wrdreg $0x9  }
0xc1: {  	_ =	task.clear_ibuf [dreg:s22], $0x6FFFF;
	_ =	strace $0x90000049  }
0xc2: {  	s29 =	simm.s32 $0x9;
	_ =	strace $0x8000004B  }
0xc3: {  	_ =	swait.ge [sflag:s29], $0x1  }
0xc4: {  	[sflag:s29] =	ssyncadd.s32 $0xFFFFFFFF  }
0xc5: {  	_ =	strace $0x9000004B  }
0xc6: {  	_ =	sfence  }
0xc7: {  	s30 =	sld [smem:$0x0];
	_ =	sdelay $0x2  }
0xc8: {  	s31 =	sshll.u32 s1, $0xD;
	s1 =	sshrl.u32 s1, $0x2  }
0xc9: {  	s4 =	sand.u32 $0x4000, s31;
	s1 =	sadd.s32 s1, s30  }
0xca: {  	s0 =	sor.u32 s4, s0;
	s1 =	sshll.u32 s1, $0x11  }
0xcb: {  	s0 =	sor.u32 s1, s0  }
0xcc: {  	s0 =	sadd.s32 $0x8F2B, s0  }
0xcd: {  	[sflag:s0] =	ssyncadd.remote.s32 $0x1  }
0xce: {  	_ =	sfence.sel $0xFFFF  }
0xcf: {  	[dreg:$0x0] =	wrdreg $0xFFFFFFFF;
	(pc) =	sbr.abs _section_cstart, $3  }
0xd0: {  	[dreg:$0x1] =	wrdreg $0xFFFFFFFF  }
0xd1: {  	_ =	task.clear_ibuf [dreg:s22], $0x2FFFF;
	_ =	strace $0x9FFFFFFF  }
0xd2: {  	(tm) =	ssettm $0x7FFFFFFF  }
0xd3: {  	_ =	shalt  }
tec
execute0_lowered:
.L_overlay_start_1:
0x0: {  	(tag) =	ssettag $0x1  }
0x1: {  	s1 =	rddreg [dreg:$0x0]  }
0x2: {  	s0 =	rddreg [dreg:$0x1]  }
0x3: {  	s2 =	rddreg [dreg:$0x2]  }
0x4: {  	s4 =	simm.s32 $0x0;
	s3 =	srdreg.scid;
	s12 =	stileid.u32  }
0x5: {  	s31 =	simm.s32 $0x2000;
	[smem:$0x7FF] =	sst s4;
	s5 =	sadd.s32 $0x2F2000, s0  }
0x6: {  	s3 =	sand.u32 $0x1, s3;
	s8 =	smul.u32 $0x50000, s12;
	s6 =	sadd.s32 $0x577000, s0  }
0x7: {  	s7 =	sadd.s32 $0x563000, s0;
	s0 =	sadd.s32 $0x58B000, s0;
	s29 =	sshll.u32 s12, $0x1  }
0x8: {  	s16 =	smul.u32 $0x14000, s12;
	p0 =	seq.s32 s12, $0xF;
	s12 =	simm.s32 $0x3400  }
0x9: {  	_ =	strace $0x8000004A;
	s9 =	ssub.s32 $0x2, s3;
	s8 =	sshrl.u32 s8, $0x2  }
0xa: {  	s30 =	sor.u32 s3, s29;
	s3 =	smul.u32 $0x138800, s3;
	s20 =	sadd.s32 s8, s2  }
0xb: {  	s10 =	sshrl.u32 s9, $0x1;
	s11 =	sadd.s32 $0x1400, s20;
	[dreg:$0x4] =	wrdreg s20  }
0xc: {  	s21 =	sadd.s32 $0xC800, s16;
	s13 =	sadd.s32 $0x2800, s20;
	[dreg:$0x5] =	wrdreg s11  }
0xd: {  	s22 =	smul.u32 $0x1388, s30;
	s14 =	sadd.s32 $0x3C00, s20;
	[dreg:$0x6] =	wrdreg s13  }
0xe: {  	s9 =	ssub.s32 s9, s10;
	s15 =	sadd.s32 $0x5000, s20;
	[dreg:$0x7] =	wrdreg s14  }
0xf: {  	s10 =	sadd.s32 s16, s3;
	s17 =	sadd.s32 $0x7800, s20;
	[dreg:$0x8] =	wrdreg s15  }
0x10: {  	s3 =	sadd.s32 s3, s21;
	s18 =	sadd.s32 $0x8C00, s20;
	[dreg:$0xa] =	wrdreg s17  }
0x11: {  	s16 =	simm.s32 $0x4;
	s19 =	sadd.s32 $0xA000, s20;
	[dreg:$0xb] =	wrdreg s18  }
0x12: {  	s23 =	sadd.s32 $0xC800, s20;
	s10 =	sshrl.u32 s10, $0x3;
	[dreg:$0xc] =	wrdreg s19  }
0x13: {  	s3 =	sshrl.u32 s3, $0x3;
	s24 =	sadd.s32 $0xDC00, s20;
	[dreg:$0xe] =	wrdreg s23  }
0x14: {  	s25 =	smax.u32 s9, $0x1;
	s26 =	sadd.s32 $0xF000, s20;
	[dreg:$0xf] =	wrdreg s24  }
0x15: {  	s28 =	sadd.s32 $0x10400, s20;
	s29 =	sadd.s32 $0x11800, s20;
	[dreg:$0x12] =	wrdreg s25  }
0x16: {  	s9 =	simm.s32 $0x4800;
	s11 =	sadd.s32 $0x6400, s20;
	[dreg:$0x14] =	wrdreg s26  }
0x17: {  	s13 =	sadd.s32 $0xB400, s20;
	s10 =	sadd.s32 s0, s10;
	[dreg:$0x15] =	wrdreg s28  }
0x18: {  	s0 =	sadd.s32 s0, s3;
	s23 =	smul.u32 $0x5000, s30;
	[dreg:$0x16] =	wrdreg s29  }
0x19: {  	s30 =	sadd.s32 $0x12C00, s20;
	s14 =	simm.s32 $0x1;
	[dreg:$0x9] =	wrdreg s11  }
0x1a: {  	s15 =	simm.s32 $0x7000;
	s17 =	simm.s32 $0x2;
	[dreg:$0xd] =	wrdreg s13  }
0x1b: {  	s18 =	simm.s32 $0x8400;
	s19 =	simm.s32 $0x5;
	[dreg:$0x10] =	wrdreg s10  }
0x1c: {  	s24 =	simm.s32 $0x0;
	s25 =	simm.s32 $0x0;
	[dreg:$0x11] =	wrdreg s0  }
0x1d: {  	s0 =	sadd.s32 s21, s2;
	[dreg:$0x17] =	wrdreg s30;
	s10 =	simm.s32 $0x28  }
0x1e: {  	s11 =	simm.s32 $0x5C00;
	s13 =	simm.s32 $0x3;
	s0 =	sshrl.u32 @!p0 s0, $0x3  }
0x1f: {  	v0 =	vimm.f32 $0.0e+00;
	s21 =	simm.s32 $0x6;
	[dreg:$0x13] =	wrdreg s0;
	s0 =	simm.s32 $0x7  }
.LBB2_1:
0x20: {  	s3 =	simm.s32 $0x0;
	s8 =	simm.s32 $0x200  }
.LBB2_2:
0x21: {  	p1 =	sne.s32 s8, $0x4E00;
	[tilespmem:s3+$0x2070] =	vst v0  }
0x22: {  	[tilespmem:s3+$0x2000] =	vst v0  }
0x23: {  	[tilespmem:s3+$0x2010] =	vst v0  }
.Ltmp0:
0x24: {  	[tilespmem:s3+$0x2020] =	vst v0;
	(pc) =	sbr.rel @p1 .LBB2_2-.Ltmp0, $4  }
0x25: {  	[tilespmem:s3+$0x2030] =	vst v0  }
0x26: {  	[tilespmem:s3+$0x2040] =	vst v0  }
0x27: {  	[tilespmem:s3+$0x2050] =	vst v0  }
0x28: {  	[tilespmem:s3+$0x2060] =	vst v0;
	s3 =	sshra.s32 s8, $0x2;
	s8 =	sadd.s32 $0x200, s8  }
0x29: {  	[tilespmem:s3+$0x2070] =	vst v0  }
0x2a: {  	[tilespmem:s3+$0x2000] =	vst v0  }
0x2b: {  	[tilespmem:s3+$0x2010] =	vst v0  }
0x2c: {  	[tilespmem:s3+$0x2020] =	vst v0  }
0x2d: {  	[tilespmem:s3+$0x2030] =	vst v0  }
0x2e: {  	[tilespmem:s3+$0x2040] =	vst v0  }
0x2f: {  	[tilespmem:s3+$0x2050] =	vst v0  }
0x30: {  	[dreg:$0x18] =	wrdreg s24;
	[tilespmem:s3+$0x2060] =	vst v0  }
0x31: {  	[spmem:s20] =	stream.linear.scatter [tilespmem:s31], [sflag:$0x7], $0x1400, $0x38;
	[tilespmem:$0x1D080] =	vst v63  }
0x32: {  	_ =	swait.ge [sflag:s0], $0x1400  }
0x33: {  	[sflag:s0] =	ssyncset.done $0x0  }
0x34: {  	s29 =	rddreg [dreg:$0x5];
	[sflag:s0] =	ssyncadd.s32 $0xFFFFEC00  }
0x35: {  	[spmem:s29] =	stream.linear.scatter [tilespmem:s31], [sflag:$0x7], $0x1400, $0x38;
	[tilespmem:$0x1D080] =	vst v63  }
0x36: {  	_ =	swait.ge [sflag:s0], $0x1400  }
0x37: {  	[sflag:s0] =	ssyncset.done $0x0  }
0x38: {  	s30 =	rddreg [dreg:$0x6];
	[sflag:s0] =	ssyncadd.s32 $0xFFFFEC00  }
0x39: {  	[spmem:s30] =	stream.linear.scatter [tilespmem:s31], [sflag:$0x7], $0x1400, $0x38;
	[tilespmem:$0x1D080] =	vst v63  }
0x3a: {  	_ =	swait.ge [sflag:s0], $0x1400  }
0x3b: {  	[sflag:s0] =	ssyncset.done $0x0  }
0x3c: {  	s8 =	rddreg [dreg:$0x7];
	[sflag:s0] =	ssyncadd.s32 $0xFFFFEC00  }
0x3d: {  	[spmem:s8] =	stream.linear.scatter [tilespmem:s31], [sflag:$0x7], $0x1400, $0x38;
	[tilespmem:$0x1D080] =	vst v63  }
0x3e: {  	_ =	swait.ge [sflag:s0], $0x1400  }
0x3f: {  	[sflag:s0] =	ssyncset.done $0x0  }
0x40: {  	s20 =	rddreg [dreg:$0x8];
	[sflag:s0] =	ssyncadd.s32 $0xFFFFEC00  }
0x41: {  	[spmem:s20] =	stream.linear.scatter [tilespmem:s31], [sflag:$0x7], $0x1400, $0x38;
	[tilespmem:$0x1D080] =	vst v63  }
0x42: {  	_ =	swait.ge [sflag:s0], $0x1400  }
0x43: {  	[sflag:s0] =	ssyncset.done $0x0  }
0x44: {  	s24 =	rddreg [dreg:$0x9];
	[sflag:s0] =	ssyncadd.s32 $0xFFFFEC00  }
0x45: {  	[spmem:s24] =	stream.linear.scatter [tilespmem:s31], [sflag:$0x7], $0x1400, $0x38;
	[tilespmem:$0x1D080] =	vst v63  }
0x46: {  	_ =	swait.ge [sflag:s0], $0x1400  }
0x47: {  	[sflag:s0] =	ssyncset.done $0x0  }
0x48: {  	s26 =	rddreg [dreg:$0xa];
	[sflag:s0] =	ssyncadd.s32 $0xFFFFEC00  }
0x49: {  	[spmem:s26] =	stream.linear.scatter [tilespmem:s31], [sflag:$0x7], $0x1400, $0x38;
	[tilespmem:$0x1D080] =	vst v63  }
0x4a: {  	_ =	swait.ge [sflag:s0], $0x1400  }
0x4b: {  	[sflag:s0] =	ssyncset.done $0x0  }
0x4c: {  	s28 =	rddreg [dreg:$0xb];
	[sflag:s0] =	ssyncadd.s32 $0xFFFFEC00  }
0x4d: {  	[spmem:s28] =	stream.linear.scatter [tilespmem:s31], [sflag:$0x7], $0x1400, $0x38;
	[tilespmem:$0x1D080] =	vst v63  }
0x4e: {  	_ =	swait.ge [sflag:s0], $0x1400  }
0x4f: {  	[sflag:s0] =	ssyncset.done $0x0  }
0x50: {  	s29 =	rddreg [dreg:$0xc];
	[sflag:s0] =	ssyncadd.s32 $0xFFFFEC00  }
0x51: {  	[spmem:s29] =	stream.linear.scatter [tilespmem:s31], [sflag:$0x7], $0x1400, $0x38;
	[tilespmem:$0x1D080] =	vst v63  }
0x52: {  	_ =	swait.ge [sflag:s0], $0x1400  }
0x53: {  	[sflag:s0] =	ssyncset.done $0x0  }
0x54: {  	s30 =	rddreg [dreg:$0xd];
	[sflag:s0] =	ssyncadd.s32 $0xFFFFEC00  }
0x55: {  	[spmem:s30] =	stream.linear.scatter [tilespmem:s31], [sflag:$0x7], $0x1400, $0x38;
	[tilespmem:$0x1D080] =	vst v63  }
0x56: {  	_ =	swait.ge [sflag:s0], $0x1400  }
0x57: {  	[sflag:s0] =	ssyncset.done $0x0  }
0x58: {  	s3 =	simm.s32 @!p0 $0x2000;
	s8 =	rddreg [dreg:$0xe];
	[sflag:s0] =	ssyncadd.s32 $0xFFFFEC00  }
0x59: {  	[spmem:s8] =	stream.linear.scatter @!p0 [tilespmem:s3], [sflag:$0x7], $0x1400, $0x38;
	[tilespmem:$0x1D080] =	vst v63  }
0x5a: {  	s8 =	simm.s32 @!p0 $0x7  }
0x5b: {  	_ =	swait.ge @!p0 [sflag:s8], $0x1400  }
0x5c: {  	[sflag:s8] =	ssyncset.done @!p0 $0x0  }
0x5d: {  	s20 =	rddreg [dreg:$0xf];
	[sflag:s8] =	ssyncadd.s32 @!p0 $0xFFFFEC00  }
0x5e: {  	[spmem:s20] =	stream.linear.scatter @!p0 [tilespmem:s3], [sflag:$0x7], $0x1400, $0x38;
	[tilespmem:$0x1D080] =	vst v63  }
0x5f: {  	_ =	swait.ge @!p0 [sflag:s8], $0x1400  }
0x60: {  	[sflag:s8] =	ssyncset.done @!p0 $0x0  }
0x61: {  	s20 =	rddreg [dreg:$0x14];
	[sflag:s8] =	ssyncadd.s32 @!p0 $0xFFFFEC00  }
0x62: {  	[spmem:s20] =	stream.linear.scatter @!p0 [tilespmem:s3], [sflag:$0x7], $0x1400, $0x38;
	[tilespmem:$0x1D080] =	vst v63  }
0x63: {  	_ =	swait.ge @!p0 [sflag:s8], $0x1400  }
0x64: {  	[sflag:s8] =	ssyncset.done @!p0 $0x0  }
0x65: {  	s20 =	rddreg [dreg:$0x15];
	[sflag:s8] =	ssyncadd.s32 @!p0 $0xFFFFEC00  }
0x66: {  	[spmem:s20] =	stream.linear.scatter @!p0 [tilespmem:s3], [sflag:$0x7], $0x1400, $0x38;
	[tilespmem:$0x1D080] =	vst v63  }
0x67: {  	_ =	swait.ge @!p0 [sflag:s8], $0x1400  }
0x68: {  	[sflag:s8] =	ssyncset.done @!p0 $0x0  }
0x69: {  	s20 =	rddreg [dreg:$0x16];
	[sflag:s8] =	ssyncadd.s32 @!p0 $0xFFFFEC00  }
0x6a: {  	[spmem:s20] =	stream.linear.scatter @!p0 [tilespmem:s3], [sflag:$0x7], $0x1400, $0x38;
	[tilespmem:$0x1D080] =	vst v63  }
0x6b: {  	_ =	swait.ge @!p0 [sflag:s8], $0x1400  }
0x6c: {  	[sflag:s8] =	ssyncset.done @!p0 $0x0  }
0x6d: {  	s20 =	rddreg [dreg:$0x17];
	[sflag:s8] =	ssyncadd.s32 @!p0 $0xFFFFEC00  }
0x6e: {  	[spmem:s20] =	stream.linear.scatter @!p0 [tilespmem:s3], [sflag:$0x7], $0x1400, $0x38;
	[tilespmem:$0x1D080] =	vst v63  }
0x6f: {  	_ =	swait.ge @!p0 [sflag:s8], $0x1400  }
0x70: {  	[sflag:s8] =	ssyncset.done @!p0 $0x0  }
0x71: {  	[sflag:s8] =	ssyncadd.s32 @!p0 $0xFFFFEC00  }
0x72: {  	s26 =	simm.s32 $0x0;
	[bflag:$0x0] =	sbarrier.arrive $0xFFFF  }
.LBB2_4:
0x73: {  	s3 =	sshll.u32 s26, $0xC  }
0x74: {  	s3 =	sadd.s32 s23, s3  }
0x75: {  	s3 =	sshrl.u32 s3, $0x3  }
0x76: {  	s8 =	sadd.s32 s6, s3  }
0x77: {  	[tilespmem:s25], [sflag:$0x7] =	stream.linear.gather [hbm4b:s8+s25], $0xC80, $0x38;
	[tilespmem:$0x1D080] =	vst v63  }
0x78: {  	_ =	swait.ge [sflag:s0], $0xC80  }
0x79: {  	s24 =	smul.u32 $0x3E8, s26;
	[sflag:s0] =	ssyncset.done $0x0  }
0x7a: {  	s20 =	simm.s32 $0x1000;
	s3 =	sadd.s32 s7, s3;
	[sflag:s0] =	ssyncadd.s32 $0xFFFFF380  }
0x7b: {  	[tilespmem:s20], [sflag:$0x7] =	stream.linear.gather [hbm4b:s3+s25], $0xC80, $0x38;
	[tilespmem:$0x1D080] =	vst v63  }
0x7c: {  	s30 =	sadd.s32 s22, s24;
	_ =	swait.ge [sflag:s0], $0xC80  }
0x7d: {  	s3 =	sshll.u32 s30, $0x4;
	[sflag:s0] =	ssyncset.done $0x0  }
0x7e: {  	s3 =	sadd.s32 s5, s3;
	[sflag:s0] =	ssyncadd.s32 $0xFFFFF380  }
0x7f: {  	[tilespmem:s9], [sflag:$0x3] =	stream.linear.gather [hbm4b:s3+s25], $0x1400, $0x38;
	[tilespmem:$0x1D080] =	vst v63  }
0x80: {  	s28 =	smul.u32 $0x19, s26;
	s29 =	simm.s32 $0x0  }
0x81: {  	[tilespmem:s31], [sflag:$0x1] =	stream.indirect.gather [hbm4b:s1+s10], $0x80, s25, s10, $0xb8;
	[tilespmem:$0x1D080] =	vst v63  }
.LBB2_5:
0x82: {  	s3 =	sshllo.u32 s29, $0x1  }
0x83: {  	s8 =	sadd.s32 s28, s3  }
0x84: {  	s8 =	smul.u32 $0x28, s8;
	_ =	sdelay $0x1  }
0x85: {  	s8 =	sadd.s32 s22, s8  }
0x86: {  	s8 =	sshll.u32 s8, $0x4  }
0x87: {  	s8 =	sadd.s32 s5, s8  }
0x88: {  	[tilespmem:s11], [sflag:$0x4] =	stream.linear.gather [hbm4b:s8+s4], $0x1400, $0x38;
	[tilespmem:$0x1D080] =	vst v63  }
0x89: {  	s30 =	sshll.u32 s3, $0x7  }
0x8a: {  	[tilespmem:s12], [sflag:$0x2] =	stream.indirect.gather [hbm4b:s1+s10], $0x80, s30, s10, $0xb8;
	[tilespmem:$0x1D080] =	vst v63  }
0x8b: {  	_ =	swait.ge [sflag:s13], $0x1400  }
0x8c: {  	[sflag:s13] =	ssyncset.done $0x0  }
0x8d: {  	[sflag:s13] =	ssyncadd.s32 $0xFFFFEC00  }
0x8e: {  	_ =	swait.ge [sflag:s14], $0x1400  }
0x8f: {  	p1 =	seq.s32 s29, $0x0;
	[sflag:s14] =	ssyncset.done $0x0  }
0x90: {  	s3 =	simm.s32 @!p1 $0x5;
	[sflag:s14] =	ssyncadd.s32 $0xFFFFEC00  }
0x91: {  	_ =	swait.ge @!p1 [sflag:s3], $0x1400  }
0x92: {  	[sflag:s3] =	ssyncset.done @!p1 $0x0  }
0x93: {  	s8 =	simm.s32 $0x0;
	[sflag:s3] =	ssyncadd.s32 @!p1 $0xFFFFEC00  }
0x94: {  	v1 =	vld [tilespmem:s8+$0x2070]  }
0x95: {  	v2 =	vld [tilespmem:s8+$0x4870]  }
0x96: {  	v3 =	vld [tilespmem:s8+$0x2000]  }
0x97: {  	v4 =	vld [tilespmem:s8+$0x4800]  }
0x98: {  	v5 =	vld [tilespmem:s8+$0x2010]  }
0x99: {  	v6 =	vld [tilespmem:s8+$0x4810]  }
0x9a: {  	v7 =	vld [tilespmem:s8+$0x2020]  }
0x9b: {  	v8 =	vld [tilespmem:s8+$0x2030]  }
0x9c: {  	v1 =	vmul.f32 v2, v1;
	v2 =	vld [tilespmem:s8+$0x4820]  }
0x9d: {  	v9 =	vld [tilespmem:s8+$0x4830]  }
0x9e: {  	v10 =	vld [tilespmem:s8+$0x4840];
	v3 =	vmul.f32 v4, v3  }
0x9f: {  	[tilespmem:s8+$0x7070] =	vst v1;
	v1 =	vmul.f32 v6, v5;
	v6 =	vld [tilespmem:s8+$0x2040]  }
0xa0: {  	v4 =	vld [tilespmem:s8+$0x4850];
	[tilespmem:s8+$0x7000] =	vst v3  }
0xa1: {  	v3 =	vld [tilespmem:s8+$0x2050];
	[tilespmem:s8+$0x7010] =	vst v1;
	v1 =	vmul.f32 v2, v7  }
0xa2: {  	v5 =	vld [tilespmem:s8+$0x4860];
	v7 =	vmul.f32 v9, v8  }
0xa3: {  	s3 =	simm.s32 $0x80;
	[tilespmem:s8+$0x7020] =	vst v1;
	v1 =	vld [tilespmem:s8+$0x2060]  }
0xa4: {  	s24 =	sshll.u32 s29, $0x1;
	s20 =	simm.s32 $0x400;
	v6 =	vmul.f32 v10, v6;
	v2 =	vld [tilespmem:s3+$0x2070];
	[tilespmem:s8+$0x7030] =	vst v7  }
.LBB2_6:
0xa5: {  	p2 =	sne.s32 s20, $0x4E00;
	v7 =	vld [tilespmem:s3+$0x4870]  }
0xa6: {  	v8 =	vld [tilespmem:s3+$0x2000];
	[tilespmem:s8+$0x7040] =	vst v6;
	v3 =	vmul.f32 v4, v3  }
0xa7: {  	v4 =	vld [tilespmem:s3+$0x4800]  }
0xa8: {  	v6 =	vld [tilespmem:s3+$0x2010];
	[tilespmem:s8+$0x7050] =	vst v3;
	v1 =	vmul.f32 v5, v1  }
0xa9: {  	v3 =	vld [tilespmem:s3+$0x4810]  }
0xaa: {  	v5 =	vld [tilespmem:s3+$0x2020];
	v2 =	vmul.f32 v7, v2;
	[tilespmem:s8+$0x7060] =	vst v1;
	s8 =	smov.u32 s3  }
0xab: {  	v1 =	vld [tilespmem:s8+$0x4820]  }
0xac: {  	v4 =	vmul.f32 v4, v8;
	v7 =	vld [tilespmem:s8+$0x2030];
	[tilespmem:s8+$0x7070] =	vst v2  }
0xad: {  	v2 =	vld [tilespmem:s8+$0x4830]  }
0xae: {  	[tilespmem:s8+$0x7000] =	vst v4;
	v3 =	vmul.f32 v3, v6;
	v6 =	vld [tilespmem:s8+$0x2040]  }
0xaf: {  	v8 =	vld [tilespmem:s8+$0x4840]  }
.Ltmp1:
0xb0: {  	[tilespmem:s8+$0x7010] =	vst v3;
	v1 =	vmul.f32 v1, v5;
	v3 =	vld [tilespmem:s8+$0x2050];
	(pc) =	sbr.rel @p2 .LBB2_6-.Ltmp1, $4  }
0xb1: {  	v4 =	vld [tilespmem:s8+$0x4850]  }
0xb2: {  	[tilespmem:s8+$0x7020] =	vst v1;
	v7 =	vmul.f32 v2, v7;
	v1 =	vld [tilespmem:s8+$0x2060]  }
0xb3: {  	s3 =	sshra.s32 s20, $0x2;
	v5 =	vld [tilespmem:s8+$0x4860]  }
0xb4: {  	s20 =	sadd.s32 $0x200, s20;
	v2 =	vld [tilespmem:s3+$0x2070];
	[tilespmem:s8+$0x7030] =	vst v7;
	v6 =	vmul.f32 v8, v6  }
0xb5: {  	v7 =	vld [tilespmem:s3+$0x4870]  }
0xb6: {  	v8 =	vld [tilespmem:s3+$0x2000];
	[tilespmem:s8+$0x7040] =	vst v6;
	v3 =	vmul.f32 v4, v3  }
0xb7: {  	v4 =	vld [tilespmem:s3+$0x4800]  }
0xb8: {  	v6 =	vld [tilespmem:s3+$0x2010];
	[tilespmem:s8+$0x7050] =	vst v3;
	v1 =	vmul.f32 v5, v1  }
0xb9: {  	v3 =	vld [tilespmem:s3+$0x4810]  }
0xba: {  	v5 =	vld [tilespmem:s3+$0x2020];
	[tilespmem:s8+$0x7060] =	vst v1  }
0xbb: {  	v1 =	vmul.f32 v7, v2;
	v2 =	vld [tilespmem:s3+$0x4820]  }
0xbc: {  	v7 =	vld [tilespmem:s3+$0x2030]  }
0xbd: {  	v4 =	vmul.f32 v4, v8;
	[tilespmem:s3+$0x7070] =	vst v1;
	v1 =	vld [tilespmem:s3+$0x4830]  }
0xbe: {  	v8 =	vld [tilespmem:s3+$0x4860]  }
0xbf: {  	[tilespmem:s3+$0x7000] =	vst v4;
	v3 =	vmul.f32 v3, v6;
	v4 =	vld [tilespmem:s3+$0x2040]  }
0xc0: {  	v6 =	vld [tilespmem:s3+$0x4840]  }
0xc1: {  	[tilespmem:s3+$0x7010] =	vst v3;
	v2 =	vmul.f32 v2, v5;
	v3 =	vld [tilespmem:s3+$0x2050]  }
0xc2: {  	v5 =	vld [tilespmem:s3+$0x4850]  }
0xc3: {  	[tilespmem:s3+$0x7020] =	vst v2;
	v2 =	vld [tilespmem:s3+$0x2060];
	_ =	sdelay $0x1  }
0xc4: {  	v1 =	vmul.f32 v1, v7  }
0xc5: {  	v4 =	vmul.f32 v6, v4  }
0xc6: {  	[tilespmem:s3+$0x7030] =	vst v1;
	v1 =	vmul.f32 v5, v3  }
0xc7: {  	s20 =	sadd.s32 $0x2, s24;
	s8 =	sshll.u32 s29, $0x8;
	[tilespmem:s3+$0x7040] =	vst v4;
	v2 =	vmul.f32 v8, v2  }
0xc8: {  	s24 =	sadd.s32 s28, s20;
	s8 =	sand.u32 $0x3FFFFF00, s8;
	[tilespmem:s3+$0x7050] =	vst v1  }
0xc9: {  	s24 =	smul.u32 $0x28, s24;
	s8 =	sadd.s32 $0x1000, s8;
	[tilespmem:s3+$0x7060] =	vst v2  }
0xca: {  	[spmem:s2] =	stream.indirect.scatter.add.f32 [tilespmem:s15], [sflag:$0x5], $0x80, s8, s10, $0xb8;
	[tilespmem:$0x1D080] =	vst v63  }
0xcb: {  	s8 =	sadd.s32 s22, s24  }
0xcc: {  	s3 =	sshll.u32 s8, $0x4  }
0xcd: {  	s24 =	sshll.u32 s20, $0x7;
	s3 =	sadd.s32 s5, s3  }
0xce: {  	[tilespmem:s9], [sflag:$0x3] =	stream.linear.gather [hbm4b:s3+s4], $0x1400, $0x38;
	[tilespmem:$0x1D080] =	vst v63  }
0xcf: {  	s3 =	sand.u32 $0x3FFFFF80, s24  }
0xd0: {  	[tilespmem:s31], [sflag:$0x1] =	stream.indirect.gather [hbm4b:s1+s10], $0x80, s3, s10, $0xb8;
	[tilespmem:$0x1D080] =	vst v63  }
0xd1: {  	_ =	swait.ge [sflag:s16], $0x1400  }
0xd2: {  	[sflag:s16] =	ssyncset.done $0x0  }
0xd3: {  	[sflag:s16] =	ssyncadd.s32 $0xFFFFEC00  }
0xd4: {  	_ =	swait.ge [sflag:s17], $0x1400  }
0xd5: {  	[sflag:s17] =	ssyncset.done $0x0  }
0xd6: {  	s3 =	simm.s32 @!p1 $0x6;
	[sflag:s17] =	ssyncadd.s32 $0xFFFFEC00  }
0xd7: {  	_ =	swait.ge @!p1 [sflag:s3], $0x1400  }
0xd8: {  	[sflag:s3] =	ssyncset.done @!p1 $0x0  }
0xd9: {  	s8 =	simm.s32 $0x0;
	[sflag:s3] =	ssyncadd.s32 @!p1 $0xFFFFEC00  }
0xda: {  	v1 =	vld [tilespmem:s8+$0x3470]  }
0xdb: {  	v2 =	vld [tilespmem:s8+$0x5C70]  }
0xdc: {  	v3 =	vld [tilespmem:s8+$0x3400]  }
0xdd: {  	v4 =	vld [tilespmem:s8+$0x5C00]  }
0xde: {  	v5 =	vld [tilespmem:s8+$0x3410]  }
0xdf: {  	v6 =	vld [tilespmem:s8+$0x5C10]  }
0xe0: {  	v7 =	vld [tilespmem:s8+$0x3420]  }
0xe1: {  	v8 =	vld [tilespmem:s8+$0x3430]  }
0xe2: {  	v1 =	vmul.f32 v2, v1;
	v2 =	vld [tilespmem:s8+$0x5C20]  }
0xe3: {  	v9 =	vld [tilespmem:s8+$0x5C30]  }
0xe4: {  	v10 =	vld [tilespmem:s8+$0x5C40];
	v3 =	vmul.f32 v4, v3  }
0xe5: {  	[tilespmem:s8+$0x8470] =	vst v1;
	v1 =	vmul.f32 v6, v5;
	v6 =	vld [tilespmem:s8+$0x3440]  }
0xe6: {  	v4 =	vld [tilespmem:s8+$0x5C50];
	[tilespmem:s8+$0x8400] =	vst v3  }
0xe7: {  	v3 =	vld [tilespmem:s8+$0x3450];
	[tilespmem:s8+$0x8410] =	vst v1;
	v1 =	vmul.f32 v2, v7  }
0xe8: {  	v5 =	vld [tilespmem:s8+$0x5C60];
	v7 =	vmul.f32 v9, v8  }
0xe9: {  	s3 =	simm.s32 $0x80;
	[tilespmem:s8+$0x8420] =	vst v1;
	v1 =	vld [tilespmem:s8+$0x3460]  }
0xea: {  	s20 =	simm.s32 $0x400;
	v6 =	vmul.f32 v10, v6;
	v2 =	vld [tilespmem:s3+$0x3470];
	[tilespmem:s8+$0x8430] =	vst v7  }
.LBB2_8:
0xeb: {  	p1 =	sne.s32 s20, $0x4E00;
	v7 =	vld [tilespmem:s3+$0x5C70]  }
0xec: {  	v8 =	vld [tilespmem:s3+$0x3400];
	[tilespmem:s8+$0x8440] =	vst v6;
	v3 =	vmul.f32 v4, v3  }
0xed: {  	v4 =	vld [tilespmem:s3+$0x5C00]  }
0xee: {  	v6 =	vld [tilespmem:s3+$0x3410];
	[tilespmem:s8+$0x8450] =	vst v3;
	v1 =	vmul.f32 v5, v1  }
0xef: {  	v3 =	vld [tilespmem:s3+$0x5C10]  }
0xf0: {  	v5 =	vld [tilespmem:s3+$0x3420];
	v2 =	vmul.f32 v7, v2;
	[tilespmem:s8+$0x8460] =	vst v1;
	s8 =	smov.u32 s3  }
0xf1: {  	v1 =	vld [tilespmem:s8+$0x5C20]  }
0xf2: {  	v4 =	vmul.f32 v4, v8;
	v7 =	vld [tilespmem:s8+$0x3430];
	[tilespmem:s8+$0x8470] =	vst v2  }
0xf3: {  	v2 =	vld [tilespmem:s8+$0x5C30]  }
0xf4: {  	[tilespmem:s8+$0x8400] =	vst v4;
	v3 =	vmul.f32 v3, v6;
	v6 =	vld [tilespmem:s8+$0x3440]  }
0xf5: {  	v8 =	vld [tilespmem:s8+$0x5C40]  }
.Ltmp2:
0xf6: {  	[tilespmem:s8+$0x8410] =	vst v3;
	v1 =	vmul.f32 v1, v5;
	v3 =	vld [tilespmem:s8+$0x3450];
	(pc) =	sbr.rel @p1 .LBB2_8-.Ltmp2, $4  }
0xf7: {  	v4 =	vld [tilespmem:s8+$0x5C50]  }
0xf8: {  	[tilespmem:s8+$0x8420] =	vst v1;
	v7 =	vmul.f32 v2, v7;
	v1 =	vld [tilespmem:s8+$0x3460]  }
0xf9: {  	s3 =	sshra.s32 s20, $0x2;
	v5 =	vld [tilespmem:s8+$0x5C60]  }
0xfa: {  	s20 =	sadd.s32 $0x200, s20;
	v2 =	vld [tilespmem:s3+$0x3470];
	[tilespmem:s8+$0x8430] =	vst v7;
	v6 =	vmul.f32 v8, v6  }
0xfb: {  	v7 =	vld [tilespmem:s3+$0x5C70]  }
0xfc: {  	v8 =	vld [tilespmem:s3+$0x3400];
	[tilespmem:s8+$0x8440] =	vst v6;
	v3 =	vmul.f32 v4, v3  }
0xfd: {  	v57 =	vld [tilespmem:s3+$0x5C00]  }
0xfe: {  	v6 =	vld [tilespmem:s3+$0x3410];
	[tilespmem:s8+$0x8450] =	vst v3;
	v1 =	vmul.f32 v5, v1  }
0xff: {  	v3 =	vld [tilespmem:s3+$0x5C10]  }
0x100: {  	v58 =	vld [tilespmem:s3+$0x3420];
	[tilespmem:s8+$0x8460] =	vst v1  }
0x101: {  	v1 =	vmul.f32 v7, v2;
	v2 =	vld [tilespmem:s3+$0x5C20]  }
0x102: {  	v59 =	vld [tilespmem:s3+$0x3430]  }
0x103: {  	v60 =	vld [tilespmem:s3+$0x3440]  }
0x104: {  	v61 =	vld [tilespmem:s3+$0x5C40]  }
0x105: {  	v62 =	vld [tilespmem:s3+$0x5C50]  }
0x106: {  	[tilespmem:s3+$0x8470] =	vst v1;
	v1 =	vld [tilespmem:s3+$0x5C30];
	v3 =	vmul.f32 v3, v6  }
0x107: {  	v63 =	vld [tilespmem:s3+$0x5C60];
	v2 =	vmul.f32 v2, v58  }
0x108: {  	[tilespmem:s3+$0x8410] =	vst v3;
	v3 =	vld [tilespmem:s3+$0x3450]  }
0x109: {  	[tilespmem:s3+$0x8420] =	vst v2;
	v2 =	vld [tilespmem:s3+$0x3460]  }
0x10a: {  	v4 =	vmul.f32 v57, v8  }
0x10b: {  	s29 =	sadd.s32 $0x1, s29;
	v1 =	vmul.f32 v1, v59  }
0x10c: {  	p1 =	sne.s32 s29, $0xC;
	[tilespmem:s3+$0x8400] =	vst v4;
	v4 =	vmul.f32 v61, v60  }
.Ltmp3:
0x10d: {  	[tilespmem:s3+$0x8430] =	vst v1;
	v1 =	vmul.f32 v62, v3;
	(pc) =	sbr.rel @p1 .LBB2_5-.Ltmp3, $4  }
0x10e: {  	[tilespmem:s3+$0x8440] =	vst v4;
	v2 =	vmul.f32 v63, v2  }
0x10f: {  	[tilespmem:s3+$0x8450] =	vst v1  }
0x110: {  	s30 =	sadd.s32 $0x1000, s30;
	[tilespmem:s3+$0x8460] =	vst v2  }
0x111: {  	[spmem:s2] =	stream.indirect.scatter.add.f32 [tilespmem:s18], [sflag:$0x6], $0x80, s30, s10, $0xb8;
	[tilespmem:$0x1D080] =	vst v63  }
0x112: {  	_ =	swait.ge [sflag:s13], $0x1400  }
0x113: {  	[sflag:s13] =	ssyncset.done $0x0  }
0x114: {  	[sflag:s13] =	ssyncadd.s32 $0xFFFFEC00  }
0x115: {  	_ =	swait.ge [sflag:s14], $0x1400  }
0x116: {  	[sflag:s14] =	ssyncset.done $0x0  }
0x117: {  	[sflag:s14] =	ssyncadd.s32 $0xFFFFEC00  }
0x118: {  	_ =	swait.ge [sflag:s19], $0x1400  }
0x119: {  	[sflag:s19] =	ssyncset.done $0x0  }
0x11a: {  	s8 =	simm.s32 $0x0;
	[sflag:s19] =	ssyncadd.s32 $0xFFFFEC00  }
0x11b: {  	v1 =	vld [tilespmem:s8+$0x2070]  }
0x11c: {  	v2 =	vld [tilespmem:s8+$0x4870]  }
0x11d: {  	v3 =	vld [tilespmem:s8+$0x2000]  }
0x11e: {  	v4 =	vld [tilespmem:s8+$0x4800]  }
0x11f: {  	v5 =	vld [tilespmem:s8+$0x2010]  }
0x120: {  	v6 =	vld [tilespmem:s8+$0x4810]  }
0x121: {  	v7 =	vld [tilespmem:s8+$0x2020]  }
0x122: {  	v8 =	vld [tilespmem:s8+$0x2030]  }
0x123: {  	v1 =	vmul.f32 v2, v1;
	v2 =	vld [tilespmem:s8+$0x4820]  }
0x124: {  	v9 =	vld [tilespmem:s8+$0x4830]  }
0x125: {  	v10 =	vld [tilespmem:s8+$0x4840];
	v3 =	vmul.f32 v4, v3  }
0x126: {  	[tilespmem:s8+$0x7070] =	vst v1;
	v1 =	vmul.f32 v6, v5;
	v6 =	vld [tilespmem:s8+$0x2040]  }
0x127: {  	v4 =	vld [tilespmem:s8+$0x4850];
	[tilespmem:s8+$0x7000] =	vst v3  }
0x128: {  	v3 =	vld [tilespmem:s8+$0x2050];
	[tilespmem:s8+$0x7010] =	vst v1;
	v1 =	vmul.f32 v2, v7  }
0x129: {  	v5 =	vld [tilespmem:s8+$0x4860];
	v7 =	vmul.f32 v9, v8  }
0x12a: {  	s3 =	simm.s32 $0x80;
	[tilespmem:s8+$0x7020] =	vst v1;
	v1 =	vld [tilespmem:s8+$0x2060]  }
0x12b: {  	s20 =	simm.s32 $0x400;
	v6 =	vmul.f32 v10, v6;
	v2 =	vld [tilespmem:s3+$0x2070];
	[tilespmem:s8+$0x7030] =	vst v7  }
.LBB2_11:
0x12c: {  	p1 =	sne.s32 s20, $0x4E00;
	v7 =	vld [tilespmem:s3+$0x4870]  }
0x12d: {  	v8 =	vld [tilespmem:s3+$0x2000];
	[tilespmem:s8+$0x7040] =	vst v6;
	v3 =	vmul.f32 v4, v3  }
0x12e: {  	v4 =	vld [tilespmem:s3+$0x4800]  }
0x12f: {  	v6 =	vld [tilespmem:s3+$0x2010];
	[tilespmem:s8+$0x7050] =	vst v3;
	v1 =	vmul.f32 v5, v1  }
0x130: {  	v3 =	vld [tilespmem:s3+$0x4810]  }
0x131: {  	v5 =	vld [tilespmem:s3+$0x2020];
	v2 =	vmul.f32 v7, v2;
	[tilespmem:s8+$0x7060] =	vst v1;
	s8 =	smov.u32 s3  }
0x132: {  	v1 =	vld [tilespmem:s8+$0x4820]  }
0x133: {  	v4 =	vmul.f32 v4, v8;
	v7 =	vld [tilespmem:s8+$0x2030];
	[tilespmem:s8+$0x7070] =	vst v2  }
0x134: {  	v2 =	vld [tilespmem:s8+$0x4830]  }
0x135: {  	[tilespmem:s8+$0x7000] =	vst v4;
	v3 =	vmul.f32 v3, v6;
	v6 =	vld [tilespmem:s8+$0x2040]  }
0x136: {  	v8 =	vld [tilespmem:s8+$0x4840]  }
.Ltmp4:
0x137: {  	[tilespmem:s8+$0x7010] =	vst v3;
	v1 =	vmul.f32 v1, v5;
	v3 =	vld [tilespmem:s8+$0x2050];
	(pc) =	sbr.rel @p1 .LBB2_11-.Ltmp4, $4  }
0x138: {  	v4 =	vld [tilespmem:s8+$0x4850]  }
0x139: {  	[tilespmem:s8+$0x7020] =	vst v1;
	v7 =	vmul.f32 v2, v7;
	v1 =	vld [tilespmem:s8+$0x2060]  }
0x13a: {  	s3 =	sshra.s32 s20, $0x2;
	v5 =	vld [tilespmem:s8+$0x4860]  }
0x13b: {  	s20 =	sadd.s32 $0x200, s20;
	v2 =	vld [tilespmem:s3+$0x2070];
	[tilespmem:s8+$0x7030] =	vst v7;
	v6 =	vmul.f32 v8, v6  }
0x13c: {  	v7 =	vld [tilespmem:s3+$0x4870]  }
0x13d: {  	v8 =	vld [tilespmem:s3+$0x2000];
	[tilespmem:s8+$0x7040] =	vst v6;
	v3 =	vmul.f32 v4, v3  }
0x13e: {  	v57 =	vld [tilespmem:s3+$0x4800]  }
0x13f: {  	v6 =	vld [tilespmem:s3+$0x2010];
	[tilespmem:s8+$0x7050] =	vst v3;
	v1 =	vmul.f32 v5, v1  }
0x140: {  	v3 =	vld [tilespmem:s3+$0x4810]  }
0x141: {  	v58 =	vld [tilespmem:s3+$0x2020];
	[tilespmem:s8+$0x7060] =	vst v1  }
0x142: {  	v1 =	vmul.f32 v7, v2;
	v2 =	vld [tilespmem:s3+$0x4820]  }
0x143: {  	v59 =	vld [tilespmem:s3+$0x2030]  }
0x144: {  	v60 =	vld [tilespmem:s3+$0x2040]  }
0x145: {  	v61 =	vld [tilespmem:s3+$0x4840]  }
0x146: {  	v62 =	vld [tilespmem:s3+$0x4850]  }
0x147: {  	[tilespmem:s3+$0x7070] =	vst v1;
	v1 =	vld [tilespmem:s3+$0x4830];
	v3 =	vmul.f32 v3, v6  }
0x148: {  	v63 =	vld [tilespmem:s3+$0x4860];
	v2 =	vmul.f32 v2, v58  }
0x149: {  	[tilespmem:s3+$0x7010] =	vst v3;
	v3 =	vld [tilespmem:s3+$0x2050]  }
0x14a: {  	[tilespmem:s3+$0x7020] =	vst v2;
	v2 =	vld [tilespmem:s3+$0x2060]  }
0x14b: {  	v4 =	vmul.f32 v57, v8  }
0x14c: {  	v1 =	vmul.f32 v1, v59  }
0x14d: {  	[tilespmem:s3+$0x7000] =	vst v4;
	v4 =	vmul.f32 v61, v60  }
0x14e: {  	[tilespmem:s3+$0x7030] =	vst v1;
	v1 =	vmul.f32 v62, v3  }
0x14f: {  	[tilespmem:s3+$0x7040] =	vst v4;
	v2 =	vmul.f32 v63, v2  }
0x150: {  	[tilespmem:s3+$0x7050] =	vst v1  }
0x151: {  	s30 =	simm.s32 $0x1C00;
	s26 =	sadd.s32 $0x1, s26;
	[tilespmem:s3+$0x7060] =	vst v2  }
0x152: {  	[spmem:s2] =	stream.indirect.scatter.add.f32 [tilespmem:s15], [sflag:$0x5], $0x80, s30, s10, $0xb8;
	[tilespmem:$0x1D080] =	vst v63  }
0x153: {  	p1 =	sne.s32 s26, $0x5;
	_ =	swait.ge [sflag:s19], $0x1400  }
.Ltmp5:
0x154: {  	[sflag:s19] =	ssyncset.done $0x0;
	(pc) =	sbr.rel @p1 .LBB2_4-.Ltmp5, $4  }
0x155: {  	[sflag:s19] =	ssyncadd.s32 $0xFFFFEC00  }
0x156: {  	_ =	swait.ge [sflag:s21], $0x1400  }
0x157: {  	[sflag:s21] =	ssyncset.done $0x0  }
0x158: {  	[sflag:s21] =	ssyncadd.s32 $0xFFFFEC00  }
0x159: {  	s3 =	stileid.u32;
	[bflag:$0x0] =	sbarrier.arrive $0xFFFF  }
0x15a: {  	s3 =	sshll.u32 s3, $0x6;
	s20 =	rddreg [dreg:$0x4]  }
0x15b: {  	s24 =	rddreg [dreg:$0x10];
	s3 =	sor.u32 $0x1C07, s3;
	s8 =	sshrl.u32 s20, $0x3  }
0x15c: {  	[hbm:s24], [sflag:s3] =	dma.local [spmem:s8], $0x1900  }
0x15d: {  	_ =	swait.ge [sflag:s0], $0x1900  }
0x15e: {  	[sflag:s0] =	ssyncset.done $0x0;
	s8 =	rddreg [dreg:$0x11]  }
0x15f: {  	s24 =	rddreg [dreg:$0x13];
	[sflag:s0] =	ssyncadd.s32 $0xFFFFE700  }
0x160: {  	[hbm:s8], [sflag:s3] =	dma.local @!p0 [spmem:s24], $0xF00  }
0x161: {  	s3 =	simm.s32 @!p0 $0x7  }
0x162: {  	_ =	swait.ge @!p0 [sflag:s3], $0xF00  }
0x163: {  	s29 =	rddreg [dreg:$0x18]  }
0x164: {  	s30 =	rddreg [dreg:$0x12];
	s24 =	sadd.s32 $0x1, s29  }
0x165: {  	p1 =	sne.s32 s24, s30  }
.Ltmp6:
0x166: {  	_ = 	snop;
	(pc) =	sbr.rel @p1 .LBB2_1-.Ltmp6, $3  }
0x167: {  	_ =	sdelay $0x1  }
0x168: {  	[sflag:s3] =	ssyncset.done @!p0 $0x0  }
0x169: {  	[sflag:s3] =	ssyncadd.s32 @!p0 $0xFFFFF100  }
0x16a: {  	_ =	sfence.sel $0x180000  }
0x16b: {  	[bflag:$0x0] =	sbarrier.arrive $0xFFFF  }
0x16c: {  	_ =	strace $0x9000004A  }
0x16d: {  	s0 =	stileid.u32;
	[bflag:$0x2] =	sbarrier.arrive $0xFFFF  }
0x16e: {  	p0 =	sne.s32 s0, $0x0;
	s0 =	rddreg [dreg:$0x3]  }
0x16f: {  	s0 =	sadd.s32 @!p0 $0x100000, s0  }
0x170: {  	[sflag:s0] =	ssyncadd.tile.s32 @!p0 $0x1;
	_ =	shalt  }
.Lfunc_end2:
_tile_overlayer_lowered:
.L_overlay_start_2:
0x171: {  	(tag) =	ssettag $0x2  }
0x172: {  	s0 =	rddreg [dreg:$0x0];
	s2 =	stileid.u32  }
0x173: {  	s1 =	rddreg [dreg:$0x1];
	p0 =	sne.s32 s2, $0x0  }
0x174: {  	s3 =	rddreg [dreg:$0x2];
	[bflag:$0x3] =	sbarrier.arrive $0xFFFF;
	s2 =	simm.s32 @!p0 $0x1C07  }
0x175: {  	[timem:s3], [sflag:s2] =	dma.local @!p0 [hbm:s0], s1  }
0x176: {  	s0 =	simm.s32 @!p0 $0x7  }
0x177: {  	_ =	swait.ge @!p0 [sflag:s0], s1  }
0x178: {  	s1 =	ssub.s32 @!p0 $0x0, s1;
	[sflag:s0] =	ssyncset.done @!p0 $0x0  }
0x179: {  	[sflag:s0] =	ssyncadd.s32 @!p0 s1  }
0x17a: {  	[bflag:$0x3] =	sbarrier.arrive $0xFFFF  }
0x17b: {  	_ =	shalt  }

// kernel: sc_gather_mul_scatter_h1.3.cloned.1.call-start
scs
__scs_entry_jumppad:
0x0: {  	(pc) =	sbr.rel $0x88, $3  }
0x1: {  	(tag) =	ssettag $0x0;
	lr =	simm.s32 $0x1  }
0x2: {  	[smem:$0x3F98] =	sst lr;
	_ =	strace $0xD0000000  }
0x3: {  	_ = 	snop  }
0x4: {  	_ = 	snop  }
0x5: {  	_ = 	snop  }
0x6: {  	_ = 	snop  }
0x7: {  	_ = 	snop  }
__scs_overlays_trampoline_lowered:
0x8: {  	[smem:$0x3FA7] =	sst s0  }
0x9: {  	[smem:$0x3FA8] =	sst s1  }
0xa: {  	[smem:$0x3FA9] =	sst s2  }
0xb: {  	[smem:$0x3FAA] =	sst s3  }
0xc: {  	[smem:$0x3FAB] =	sst s4  }
0xd: {  	[smem:$0x3FAC] =	sst s5  }
0xe: {  	[smem:$0x3FAD] =	sst s6  }
0xf: {  	[smem:$0x3FAE] =	sst s7  }
0x10: {  	[smem:$0x3FAF] =	sst s8  }
0x11: {  	[smem:$0x3FB0] =	sst s9;
	s0 =	simm.s32 @!p0 $0x0  }
0x12: {  	s1 =	sld [smem:$0x3F96];
	s0 =	simm.s32 @p0 $0x1  }
0x13: {  	[smem:$0x3FB1] =	sst s0;
	s0 =	simm.s32 @!p1 $0x0  }
0x14: {  	s2 =	sld [smem:$0x3F95];
	s0 =	simm.s32 @p1 $0x1  }
0x15: {  	[smem:$0x3FB2] =	sst s0;
	s0 =	simm.s32 @!p2 $0x0  }
0x16: {  	s3 =	sld [smem:$0x3FDB];
	s0 =	simm.s32 @p2 $0x1  }
0x17: {  	s4 =	simm.s32 $0x1BF5;
	[smem:$0x3FB4] =	sst s0  }
0x18: {  	s0 =	sld [smem:$0x3F97];
	_ =	swait.ge [sflag:s4], $0x0  }
0x19: {  	s7 =	sld [smem:$0x3F98]  }
0x1a: {  	s8 =	sadd.s32 $0xFFFFE003, lr  }
0x1b: {  	s9 =	sadd.s32 $0xFFFFFEF7, lr;
	s5 =	simm.s32 $0xFFFFFFFF;
	p2 =	slt.u32 s8, $0xFFFFF086  }
0x1c: {  	p1 =	slt.u32 s9, $0xF7A;
	s5 =	simm.s32 @!p2 $0x0  }
0x1d: {  	s5 =	simm.s32 @p1 $0x1;
	p0 =	seq.s32 s7, s2  }
0x1e: {  	s7 =	smul.u32 @!p0 $0xF7A, s2;
	p2 =	seq.s32 @!p0 s5, $0x0  }
0x1f: {  	s9 =	smul.u32 $0xF7A, s1;
	s8 =	simm.s32 @!p0 $0x1BF5;
	p2 =	por !p2, p0  }
0x20: {  	[sflag:s8] =	ssyncset.s32 @!p0 $0xFFFFF086;
	s6 =	sadd.s32 @!p0 s3, s7;
	s7 =	simm.s32 @!p0 $0x108  }
0x21: {  	s3 =	sadd.s32 s3, s9;
	s6 =	sadd.s32 @!p0 $0x88, s6;
	s7 =	simm.s32 @p2 $0x1082  }
0x22: {  	[simem:s7], [sflag:s8] =	dma.local @!p0 [hbm:s6], $0xF7A  }
0x23: {  	s9 =	sor.u32 $0xD0000000, s2;
	s6 =	simm.s32 $0x108;
	_ =	swait.ge @!p0 [sflag:s8], $0x0  }
0x24: {  	s3 =	sadd.s32 $0x88, s3;
	s6 =	simm.s32 @!p1 $0x1082;
	[sflag:s4] =	ssyncset.s32 $0xFFFFF086  }
0x25: {  	[simem:s6], [sflag:s4] =	dma.local [hbm:s3], $0xF7A  }
0x26: {  	[smem:$0x3F98] =	sst s1;
	(tag) =	ssettag s2;
	_ =	strace s9  }
0x27: {  	s1 =	sld [smem:$0x3FA8]  }
0x28: {  	s2 =	sld [smem:$0x3FA9]  }
0x29: {  	s4 =	sld [smem:$0x3FAB]  }
0x2a: {  	p0 =	seq.s32 s5, $0x0;
	s5 =	sld [smem:$0x3FAC]  }
0x2b: {  	s6 =	sld [smem:$0x3FAD]  }
0x2c: {  	s7 =	sld [smem:$0x3FAE]  }
0x2d: {  	s3 =	simm.s32 $0x108;
	s8 =	sld [smem:$0x3FAF]  }
0x2e: {  	s3 =	simm.s32 @!p0 $0x1082;
	s9 =	sld [smem:$0x3FB0]  }
0x2f: {  	lr =	sadd.s32 s0, s3;
	s0 =	sld [smem:$0x3FA7]  }
0x30: {  	s3 =	sld [smem:$0x3FAA]  }
0x31: {  	[smem:$0x3FB3] =	sst s10  }
0x32: {  	s10 =	sld [smem:$0x3FB1];
	_ =	sdelay $0x3  }
0x33: {  	p0 =	seq.s32 s10, $0x1;
	s10 =	sld [smem:$0x3FB3];
	_ =	sdelay $0x3  }
0x34: {  	[smem:$0x3FB3] =	sst s10  }
0x35: {  	s10 =	sld [smem:$0x3FB2];
	_ =	sdelay $0x3  }
0x36: {  	p1 =	seq.s32 s10, $0x1;
	s10 =	sld [smem:$0x3FB3];
	_ =	sdelay $0x3  }
0x37: {  	[smem:$0x3FB3] =	sst s10  }
0x38: {  	s10 =	sld [smem:$0x3FB4]  }
0x39: {  	_ = 	snop;
	(pc) =	sbr.ind lr, $3  }
0x3a: {  	_ = 	snop  }
0x3b: {  	_ = 	snop  }
0x3c: {  	p2 =	seq.s32 s10, $0x1;
	s10 =	sld [smem:$0x3FB3]  }
0x3d: {  	_ =	shalt  }
0x3e: {  	_ =	shalt  }
0x3f: {  	_ =	shalt  }
0x40: {  	_ =	shalt  }
0x41: {  	_ =	shalt  }
0x42: {  	_ =	shalt  }
0x43: {  	_ =	shalt  }
0x44: {  	_ =	shalt  }
0x45: {  	_ =	shalt  }
0x46: {  	_ =	shalt  }
0x47: {  	_ =	shalt  }
0x48: {  	_ =	shalt  }
0x49: {  	_ =	shalt  }
0x4a: {  	_ =	shalt  }
0x4b: {  	_ =	shalt  }
0x4c: {  	_ =	shalt  }
0x4d: {  	_ =	shalt  }
0x4e: {  	_ =	shalt  }
0x4f: {  	_ =	shalt  }
0x50: {  	_ =	shalt  }
0x51: {  	_ =	shalt  }
0x52: {  	_ =	shalt  }
0x53: {  	_ =	shalt  }
0x54: {  	_ =	shalt  }
0x55: {  	_ =	shalt  }
0x56: {  	_ =	shalt  }
0x57: {  	_ =	shalt  }
0x58: {  	_ =	shalt  }
0x59: {  	_ =	shalt  }
0x5a: {  	_ =	shalt  }
0x5b: {  	_ =	shalt  }
0x5c: {  	_ =	shalt  }
0x5d: {  	_ =	shalt  }
0x5e: {  	_ =	shalt  }
0x5f: {  	_ =	shalt  }
0x60: {  	_ =	shalt  }
0x61: {  	_ =	shalt  }
0x62: {  	_ =	shalt  }
0x63: {  	_ =	shalt  }
0x64: {  	_ =	shalt  }
0x65: {  	_ =	shalt  }
0x66: {  	_ =	shalt  }
0x67: {  	_ =	shalt  }
0x68: {  	_ =	shalt  }
0x69: {  	_ =	shalt  }
0x6a: {  	_ =	shalt  }
0x6b: {  	_ =	shalt  }
0x6c: {  	_ =	shalt  }
0x6d: {  	_ =	shalt  }
0x6e: {  	_ =	shalt  }
0x6f: {  	_ =	shalt  }
0x70: {  	_ =	shalt  }
0x71: {  	_ =	shalt  }
0x72: {  	_ =	shalt  }
0x73: {  	_ =	shalt  }
0x74: {  	_ =	shalt  }
0x75: {  	_ =	shalt  }
0x76: {  	_ =	shalt  }
0x77: {  	_ =	shalt  }
0x78: {  	_ =	shalt  }
0x79: {  	_ =	shalt  }
0x7a: {  	_ =	shalt  }
0x7b: {  	_ =	shalt  }
0x7c: {  	_ =	shalt  }
0x7d: {  	_ =	shalt  }
0x7e: {  	_ =	shalt  }
0x7f: {  	_ =	shalt  }
0x80: {  	_ =	shalt  }
0x81: {  	_ =	shalt  }
0x82: {  	_ =	shalt  }
0x83: {  	_ =	shalt  }
0x84: {  	_ =	shalt  }
0x85: {  	_ =	shalt  }
0x86: {  	_ =	shalt  }
0x87: {  	_ =	shalt  }
.Lfunc_end0:
.L_simem_size_0:
called_computation.1_lowered:
.L_overlay_start_0:
0x88: {  	s2 =	sld [smem:$0x3FD9]  }
0x89: {  	s3 =	sld [smem:$0x3FFE];
	_ =	sdelay $0x1  }
0x8a: {  	s1 =	srdreg.scid  }
0x8b: {  	s0 =	sand.u32 $0x1, s1  }
0x8c: {  	s17 =	sshll.u32 s0, $0xA;
	s2 =	sadd.s32 s3, s2  }
0x8d: {  	s2 =	sadd.s32 s2, s17  }
0x8e: {  	[smem:$0x3FBF] =	sst s2  }
0x8f: {  	_ = 	snop  }
0x90: {  	s2 =	sld [smem:$0x3FD0];
	(tm) =	ssettm $0x1  }
0x91: {  	s18 =	sld [smem:$0x3FFB];
	_ =	sdelay $0x3  }
0x92: {  	_ =	strace s18  }
0x93: {  	s3 =	sld [smem:$0x3FFC];
	_ =	sdelay $0x3  }
0x94: {  	_ =	strace s3  }
0x95: {  	s3 =	sld [smem:$0x3FFD];
	_ =	sdelay $0x3  }
0x96: {  	_ =	strace s3  }
0x97: {  	_ =	strace $0x8FFFFFFF  }
0x98: {  	s19 =	sld [smem:$0x3FDB];
	_ =	sdelay $0x1  }
0x99: {  	s4 =	simm.s32 $_scs_section_size  }
0x9a: {  	s5 =	simm.s32 $_size__tile_overlayer_lowered;
	s6 =	simm.s32 $_tile_overlayer_lowered  }
0x9b: {  	s22 =	simm.s32 $0x1BFF;
	s21 =	sshll.u32 s6, $0x1;
	s3 =	sadd.s32 s4, s19  }
0x9c: {  	s7 =	simm.s32 $0x0;
	s20 =	sshll.u32 s5, $0x1;
	s5 =	sadd.s32 s21, s3  }
0x9d: {  	[timem:s7], [sflag:s22] =	dma.local [hbm:s5], s20  }
0x9e: {  	_ =	swait.ge [sflag:s22], s20  }
0x9f: {  	s4 =	ssub.s32 $0x0, s20;
	[sflag:s22] =	ssyncset.done $0x0  }
0xa0: {  	[sflag:s22] =	ssyncadd.s32 s4;
	_ =	sdelay $0x1  }
0xa1: {  	s23 =	simm.s32 $0x1B8B  }
0xa2: {  	_ =	swait.ge [sflag:s23], $0x1  }
0xa3: {  	[sflag:s23] =	ssyncset.done $0x0  }
0xa4: {  	s25 =	simm.s32 $0x1B8E;
	s24 =	sld [smem:$0x3FFE];
	[sflag:s23] =	ssyncadd.s32 $0xFFFFFFFF  }
0xa5: {  	s26 =	simm.s32 $execute0_lowered;
	[smem:$0x3FD2] =	sst s25  }
0xa6: {  	s5 =	sshll.u32 s26, $0x1;
	_ =	strace $0x80000046;
	[dreg:$0x1] =	wrdreg $0xFFFFFFFF  }
0xa7: {  	s28 =	simm.s32 $_size_execute0_lowered;
	s3 =	sadd.s32 s3, s5;
	[dreg:$0x0] =	wrdreg $0x0  }
0xa8: {  	s5 =	sshll.u32 s28, $0x1;
	[dreg:$0x2] =	wrdreg s3  }
0xa9: {  	[dreg:$0x3] =	wrdreg s5  }
0xaa: {  	[dreg:$0x4] =	wrdreg $0xC0  }
0xab: {  	_ =	task [dreg:s7], $0x5FFFF  }
0xac: {  	[dreg:$0x1] =	wrdreg $0xFFFFFFFF  }
0xad: {  	[dreg:$0x0] =	wrdreg $0x60  }
0xae: {  	[dreg:$0x2] =	wrdreg s2  }
0xaf: {  	[dreg:$0x3] =	wrdreg s24  }
0xb0: {  	[dreg:$0x4] =	wrdreg $0x98000  }
0xb1: {  	[dreg:$0x5] =	wrdreg $0xA  }
0xb2: {  	_ =	task.clear_ibuf [dreg:s7], $0x6FFFF;
	_ =	strace $0x90000046  }
0xb3: {  	s29 =	simm.s32 $0xA;
	_ =	strace $0x80000048  }
0xb4: {  	_ =	swait.ge [sflag:s29], $0x1  }
0xb5: {  	[sflag:s29] =	ssyncadd.s32 $0xFFFFFFFF  }
0xb6: {  	_ =	strace $0x90000048  }
0xb7: {  	_ =	sfence  }
0xb8: {  	s30 =	sld [smem:$0x0];
	_ =	sdelay $0x2  }
0xb9: {  	s31 =	sshll.u32 s1, $0xD;
	s1 =	sshrl.u32 s1, $0x2  }
0xba: {  	s3 =	sand.u32 $0x4000, s31;
	s1 =	sadd.s32 s1, s30  }
0xbb: {  	s0 =	sor.u32 s3, s0;
	s1 =	sshll.u32 s1, $0x11  }
0xbc: {  	s0 =	sor.u32 s1, s0  }
0xbd: {  	s0 =	sadd.s32 $0x8F2B, s0  }
0xbe: {  	[sflag:s0] =	ssyncadd.remote.s32 $0x1  }
0xbf: {  	_ =	sfence.sel $0xFFFF  }
0xc0: {  	[dreg:$0x0] =	wrdreg $0xFFFFFFFF;
	(pc) =	sbr.abs _section_cstart, $3  }
0xc1: {  	[dreg:$0x1] =	wrdreg $0xFFFFFFFF  }
0xc2: {  	_ =	task.clear_ibuf [dreg:s7], $0x2FFFF;
	_ =	strace $0x9FFFFFFF  }
0xc3: {  	(tm) =	ssettm $0x7FFFFFFF  }
tec
execute0_lowered:
.L_overlay_start_1:
0x0: {  	(tag) =	ssettag $0x1  }
0x1: {  	s1 =	rddreg [dreg:$0x0]  }
0x2: {  	s0 =	rddreg [dreg:$0x1]  }
0x3: {  	s2 =	rddreg [dreg:$0x2]  }
0x4: {  	s4 =	simm.s32 $0x0;
	s3 =	srdreg.scid;
	s12 =	stileid.u32  }
0x5: {  	s31 =	simm.s32 $0x2000;
	[smem:$0x7FF] =	sst s4;
	s5 =	sadd.s32 $0x32E00, s0  }
0x6: {  	s3 =	sand.u32 $0x1, s3;
	s8 =	smul.u32 $0x50000, s12;
	s6 =	sadd.s32 $0x1EE00, s0  }
0x7: {  	s7 =	sadd.s32 $0xAE00, s0;
	s0 =	sadd.s32 $0x2A3E00, s0;
	s29 =	sshll.u32 s12, $0x1  }
0x8: {  	s16 =	smul.u32 $0x14000, s12;
	p0 =	seq.s32 s12, $0xF;
	s12 =	simm.s32 $0x3400  }
0x9: {  	_ =	strace $0x80000047;
	s9 =	ssub.s32 $0x2, s3;
	s8 =	sshrl.u32 s8, $0x2  }
0xa: {  	s30 =	sor.u32 s3, s29;
	s3 =	smul.u32 $0x138800, s3;
	s20 =	sadd.s32 s8, s2  }
0xb: {  	s10 =	sshrl.u32 s9, $0x1;
	s11 =	sadd.s32 $0x1400, s20;
	[dreg:$0x4] =	wrdreg s20  }
0xc: {  	s21 =	sadd.s32 $0xC800, s16;
	s13 =	sadd.s32 $0x2800, s20;
	[dreg:$0x5] =	wrdreg s11  }
0xd: {  	s22 =	smul.u32 $0x1388, s30;
	s14 =	sadd.s32 $0x3C00, s20;
	[dreg:$0x6] =	wrdreg s13  }
0xe: {  	s9 =	ssub.s32 s9, s10;
	s15 =	sadd.s32 $0x5000, s20;
	[dreg:$0x7] =	wrdreg s14  }
0xf: {  	s10 =	sadd.s32 s16, s3;
	s17 =	sadd.s32 $0x7800, s20;
	[dreg:$0x8] =	wrdreg s15  }
0x10: {  	s3 =	sadd.s32 s3, s21;
	s18 =	sadd.s32 $0x8C00, s20;
	[dreg:$0xa] =	wrdreg s17  }
0x11: {  	s16 =	simm.s32 $0x4;
	s19 =	sadd.s32 $0xA000, s20;
	[dreg:$0xb] =	wrdreg s18  }
0x12: {  	s23 =	sadd.s32 $0xC800, s20;
	s10 =	sshrl.u32 s10, $0x3;
	[dreg:$0xc] =	wrdreg s19  }
0x13: {  	s3 =	sshrl.u32 s3, $0x3;
	s24 =	sadd.s32 $0xDC00, s20;
	[dreg:$0xe] =	wrdreg s23  }
0x14: {  	s25 =	smax.u32 s9, $0x1;
	s26 =	sadd.s32 $0xF000, s20;
	[dreg:$0xf] =	wrdreg s24  }
0x15: {  	s28 =	sadd.s32 $0x10400, s20;
	s29 =	sadd.s32 $0x11800, s20;
	[dreg:$0x12] =	wrdreg s25  }
0x16: {  	s9 =	simm.s32 $0x4800;
	s11 =	sadd.s32 $0x6400, s20;
	[dreg:$0x14] =	wrdreg s26  }
0x17: {  	s13 =	sadd.s32 $0xB400, s20;
	s10 =	sadd.s32 s0, s10;
	[dreg:$0x15] =	wrdreg s28  }
0x18: {  	s0 =	sadd.s32 s0, s3;
	s23 =	smul.u32 $0x5000, s30;
	[dreg:$0x16] =	wrdreg s29  }
0x19: {  	s30 =	sadd.s32 $0x12C00, s20;
	s14 =	simm.s32 $0x1;
	[dreg:$0x9] =	wrdreg s11  }
0x1a: {  	s15 =	simm.s32 $0x7000;
	s17 =	simm.s32 $0x2;
	[dreg:$0xd] =	wrdreg s13  }
0x1b: {  	s18 =	simm.s32 $0x8400;
	s19 =	simm.s32 $0x5;
	[dreg:$0x10] =	wrdreg s10  }
0x1c: {  	s24 =	simm.s32 $0x0;
	s25 =	simm.s32 $0x0;
	[dreg:$0x11] =	wrdreg s0  }
0x1d: {  	s0 =	sadd.s32 s21, s2;
	[dreg:$0x17] =	wrdreg s30;
	s10 =	simm.s32 $0x28  }
0x1e: {  	s11 =	simm.s32 $0x5C00;
	s13 =	simm.s32 $0x3;
	s0 =	sshrl.u32 @!p0 s0, $0x3  }
0x1f: {  	v0 =	vimm.f32 $0.0e+00;
	s21 =	simm.s32 $0x6;
	[dreg:$0x13] =	wrdreg s0;
	s0 =	simm.s32 $0x7  }
.LBB2_1:
0x20: {  	s3 =	simm.s32 $0x0;
	s8 =	simm.s32 $0x200  }
.LBB2_2:
0x21: {  	p1 =	sne.s32 s8, $0x4E00;
	[tilespmem:s3+$0x2070] =	vst v0  }
0x22: {  	[tilespmem:s3+$0x2000] =	vst v0  }
0x23: {  	[tilespmem:s3+$0x2010] =	vst v0  }
.Ltmp0:
0x24: {  	[tilespmem:s3+$0x2020] =	vst v0;
	(pc) =	sbr.rel @p1 .LBB2_2-.Ltmp0, $4  }
0x25: {  	[tilespmem:s3+$0x2030] =	vst v0  }
0x26: {  	[tilespmem:s3+$0x2040] =	vst v0  }
0x27: {  	[tilespmem:s3+$0x2050] =	vst v0  }
0x28: {  	[tilespmem:s3+$0x2060] =	vst v0;
	s3 =	sshra.s32 s8, $0x2;
	s8 =	sadd.s32 $0x200, s8  }
0x29: {  	[tilespmem:s3+$0x2070] =	vst v0  }
0x2a: {  	[tilespmem:s3+$0x2000] =	vst v0  }
0x2b: {  	[tilespmem:s3+$0x2010] =	vst v0  }
0x2c: {  	[tilespmem:s3+$0x2020] =	vst v0  }
0x2d: {  	[tilespmem:s3+$0x2030] =	vst v0  }
0x2e: {  	[tilespmem:s3+$0x2040] =	vst v0  }
0x2f: {  	[tilespmem:s3+$0x2050] =	vst v0  }
0x30: {  	[dreg:$0x18] =	wrdreg s24;
	[tilespmem:s3+$0x2060] =	vst v0  }
0x31: {  	[spmem:s20] =	stream.linear.scatter [tilespmem:s31], [sflag:$0x7], $0x1400, $0x38;
	[tilespmem:$0x1D080] =	vst v63  }
0x32: {  	_ =	swait.ge [sflag:s0], $0x1400  }
0x33: {  	[sflag:s0] =	ssyncset.done $0x0  }
0x34: {  	s29 =	rddreg [dreg:$0x5];
	[sflag:s0] =	ssyncadd.s32 $0xFFFFEC00  }
0x35: {  	[spmem:s29] =	stream.linear.scatter [tilespmem:s31], [sflag:$0x7], $0x1400, $0x38;
	[tilespmem:$0x1D080] =	vst v63  }
0x36: {  	_ =	swait.ge [sflag:s0], $0x1400  }
0x37: {  	[sflag:s0] =	ssyncset.done $0x0  }
0x38: {  	s30 =	rddreg [dreg:$0x6];
	[sflag:s0] =	ssyncadd.s32 $0xFFFFEC00  }
0x39: {  	[spmem:s30] =	stream.linear.scatter [tilespmem:s31], [sflag:$0x7], $0x1400, $0x38;
	[tilespmem:$0x1D080] =	vst v63  }
0x3a: {  	_ =	swait.ge [sflag:s0], $0x1400  }
0x3b: {  	[sflag:s0] =	ssyncset.done $0x0  }
0x3c: {  	s8 =	rddreg [dreg:$0x7];
	[sflag:s0] =	ssyncadd.s32 $0xFFFFEC00  }
0x3d: {  	[spmem:s8] =	stream.linear.scatter [tilespmem:s31], [sflag:$0x7], $0x1400, $0x38;
	[tilespmem:$0x1D080] =	vst v63  }
0x3e: {  	_ =	swait.ge [sflag:s0], $0x1400  }
0x3f: {  	[sflag:s0] =	ssyncset.done $0x0  }
0x40: {  	s20 =	rddreg [dreg:$0x8];
	[sflag:s0] =	ssyncadd.s32 $0xFFFFEC00  }
0x41: {  	[spmem:s20] =	stream.linear.scatter [tilespmem:s31], [sflag:$0x7], $0x1400, $0x38;
	[tilespmem:$0x1D080] =	vst v63  }
0x42: {  	_ =	swait.ge [sflag:s0], $0x1400  }
0x43: {  	[sflag:s0] =	ssyncset.done $0x0  }
0x44: {  	s24 =	rddreg [dreg:$0x9];
	[sflag:s0] =	ssyncadd.s32 $0xFFFFEC00  }
0x45: {  	[spmem:s24] =	stream.linear.scatter [tilespmem:s31], [sflag:$0x7], $0x1400, $0x38;
	[tilespmem:$0x1D080] =	vst v63  }
0x46: {  	_ =	swait.ge [sflag:s0], $0x1400  }
0x47: {  	[sflag:s0] =	ssyncset.done $0x0  }
0x48: {  	s26 =	rddreg [dreg:$0xa];
	[sflag:s0] =	ssyncadd.s32 $0xFFFFEC00  }
0x49: {  	[spmem:s26] =	stream.linear.scatter [tilespmem:s31], [sflag:$0x7], $0x1400, $0x38;
	[tilespmem:$0x1D080] =	vst v63  }
0x4a: {  	_ =	swait.ge [sflag:s0], $0x1400  }
0x4b: {  	[sflag:s0] =	ssyncset.done $0x0  }
0x4c: {  	s28 =	rddreg [dreg:$0xb];
	[sflag:s0] =	ssyncadd.s32 $0xFFFFEC00  }
0x4d: {  	[spmem:s28] =	stream.linear.scatter [tilespmem:s31], [sflag:$0x7], $0x1400, $0x38;
	[tilespmem:$0x1D080] =	vst v63  }
0x4e: {  	_ =	swait.ge [sflag:s0], $0x1400  }
0x4f: {  	[sflag:s0] =	ssyncset.done $0x0  }
0x50: {  	s29 =	rddreg [dreg:$0xc];
	[sflag:s0] =	ssyncadd.s32 $0xFFFFEC00  }
0x51: {  	[spmem:s29] =	stream.linear.scatter [tilespmem:s31], [sflag:$0x7], $0x1400, $0x38;
	[tilespmem:$0x1D080] =	vst v63  }
0x52: {  	_ =	swait.ge [sflag:s0], $0x1400  }
0x53: {  	[sflag:s0] =	ssyncset.done $0x0  }
0x54: {  	s30 =	rddreg [dreg:$0xd];
	[sflag:s0] =	ssyncadd.s32 $0xFFFFEC00  }
0x55: {  	[spmem:s30] =	stream.linear.scatter [tilespmem:s31], [sflag:$0x7], $0x1400, $0x38;
	[tilespmem:$0x1D080] =	vst v63  }
0x56: {  	_ =	swait.ge [sflag:s0], $0x1400  }
0x57: {  	[sflag:s0] =	ssyncset.done $0x0  }
0x58: {  	s3 =	simm.s32 @!p0 $0x2000;
	s8 =	rddreg [dreg:$0xe];
	[sflag:s0] =	ssyncadd.s32 $0xFFFFEC00  }
0x59: {  	[spmem:s8] =	stream.linear.scatter @!p0 [tilespmem:s3], [sflag:$0x7], $0x1400, $0x38;
	[tilespmem:$0x1D080] =	vst v63  }
0x5a: {  	s8 =	simm.s32 @!p0 $0x7  }
0x5b: {  	_ =	swait.ge @!p0 [sflag:s8], $0x1400  }
0x5c: {  	[sflag:s8] =	ssyncset.done @!p0 $0x0  }
0x5d: {  	s20 =	rddreg [dreg:$0xf];
	[sflag:s8] =	ssyncadd.s32 @!p0 $0xFFFFEC00  }
0x5e: {  	[spmem:s20] =	stream.linear.scatter @!p0 [tilespmem:s3], [sflag:$0x7], $0x1400, $0x38;
	[tilespmem:$0x1D080] =	vst v63  }
0x5f: {  	_ =	swait.ge @!p0 [sflag:s8], $0x1400  }
0x60: {  	[sflag:s8] =	ssyncset.done @!p0 $0x0  }
0x61: {  	s20 =	rddreg [dreg:$0x14];
	[sflag:s8] =	ssyncadd.s32 @!p0 $0xFFFFEC00  }
0x62: {  	[spmem:s20] =	stream.linear.scatter @!p0 [tilespmem:s3], [sflag:$0x7], $0x1400, $0x38;
	[tilespmem:$0x1D080] =	vst v63  }
0x63: {  	_ =	swait.ge @!p0 [sflag:s8], $0x1400  }
0x64: {  	[sflag:s8] =	ssyncset.done @!p0 $0x0  }
0x65: {  	s20 =	rddreg [dreg:$0x15];
	[sflag:s8] =	ssyncadd.s32 @!p0 $0xFFFFEC00  }
0x66: {  	[spmem:s20] =	stream.linear.scatter @!p0 [tilespmem:s3], [sflag:$0x7], $0x1400, $0x38;
	[tilespmem:$0x1D080] =	vst v63  }
0x67: {  	_ =	swait.ge @!p0 [sflag:s8], $0x1400  }
0x68: {  	[sflag:s8] =	ssyncset.done @!p0 $0x0  }
0x69: {  	s20 =	rddreg [dreg:$0x16];
	[sflag:s8] =	ssyncadd.s32 @!p0 $0xFFFFEC00  }
0x6a: {  	[spmem:s20] =	stream.linear.scatter @!p0 [tilespmem:s3], [sflag:$0x7], $0x1400, $0x38;
	[tilespmem:$0x1D080] =	vst v63  }
0x6b: {  	_ =	swait.ge @!p0 [sflag:s8], $0x1400  }
0x6c: {  	[sflag:s8] =	ssyncset.done @!p0 $0x0  }
0x6d: {  	s20 =	rddreg [dreg:$0x17];
	[sflag:s8] =	ssyncadd.s32 @!p0 $0xFFFFEC00  }
0x6e: {  	[spmem:s20] =	stream.linear.scatter @!p0 [tilespmem:s3], [sflag:$0x7], $0x1400, $0x38;
	[tilespmem:$0x1D080] =	vst v63  }
0x6f: {  	_ =	swait.ge @!p0 [sflag:s8], $0x1400  }
0x70: {  	[sflag:s8] =	ssyncset.done @!p0 $0x0  }
0x71: {  	[sflag:s8] =	ssyncadd.s32 @!p0 $0xFFFFEC00  }
0x72: {  	s26 =	simm.s32 $0x0;
	[bflag:$0x0] =	sbarrier.arrive $0xFFFF  }
.LBB2_4:
0x73: {  	s3 =	sshll.u32 s26, $0xC  }
0x74: {  	s3 =	sadd.s32 s23, s3  }
0x75: {  	s3 =	sshrl.u32 s3, $0x3  }
0x76: {  	s8 =	sadd.s32 s6, s3  }
0x77: {  	[tilespmem:s25], [sflag:$0x7] =	stream.linear.gather [hbm4b:s8+s25], $0xC80, $0x38;
	[tilespmem:$0x1D080] =	vst v63  }
0x78: {  	_ =	swait.ge [sflag:s0], $0xC80  }
0x79: {  	s24 =	smul.u32 $0x3E8, s26;
	[sflag:s0] =	ssyncset.done $0x0  }
0x7a: {  	s20 =	simm.s32 $0x1000;
	s3 =	sadd.s32 s7, s3;
	[sflag:s0] =	ssyncadd.s32 $0xFFFFF380  }
0x7b: {  	[tilespmem:s20], [sflag:$0x7] =	stream.linear.gather [hbm4b:s3+s25], $0xC80, $0x38;
	[tilespmem:$0x1D080] =	vst v63  }
0x7c: {  	s30 =	sadd.s32 s22, s24;
	_ =	swait.ge [sflag:s0], $0xC80  }
0x7d: {  	s3 =	sshll.u32 s30, $0x4;
	[sflag:s0] =	ssyncset.done $0x0  }
0x7e: {  	s3 =	sadd.s32 s5, s3;
	[sflag:s0] =	ssyncadd.s32 $0xFFFFF380  }
0x7f: {  	[tilespmem:s9], [sflag:$0x3] =	stream.linear.gather [hbm4b:s3+s25], $0x1400, $0x38;
	[tilespmem:$0x1D080] =	vst v63  }
0x80: {  	s28 =	smul.u32 $0x19, s26;
	s29 =	simm.s32 $0x0  }
0x81: {  	[tilespmem:s31], [sflag:$0x1] =	stream.indirect.gather [hbm4b:s1+s10], $0x80, s25, s10, $0xb8;
	[tilespmem:$0x1D080] =	vst v63  }
.LBB2_5:
0x82: {  	s3 =	sshllo.u32 s29, $0x1  }
0x83: {  	s8 =	sadd.s32 s28, s3  }
0x84: {  	s8 =	smul.u32 $0x28, s8;
	_ =	sdelay $0x1  }
0x85: {  	s8 =	sadd.s32 s22, s8  }
0x86: {  	s8 =	sshll.u32 s8, $0x4  }
0x87: {  	s8 =	sadd.s32 s5, s8  }
0x88: {  	[tilespmem:s11], [sflag:$0x4] =	stream.linear.gather [hbm4b:s8+s4], $0x1400, $0x38;
	[tilespmem:$0x1D080] =	vst v63  }
0x89: {  	s30 =	sshll.u32 s3, $0x7  }
0x8a: {  	[tilespmem:s12], [sflag:$0x2] =	stream.indirect.gather [hbm4b:s1+s10], $0x80, s30, s10, $0xb8;
	[tilespmem:$0x1D080] =	vst v63  }
0x8b: {  	_ =	swait.ge [sflag:s13], $0x1400  }
0x8c: {  	[sflag:s13] =	ssyncset.done $0x0  }
0x8d: {  	[sflag:s13] =	ssyncadd.s32 $0xFFFFEC00  }
0x8e: {  	_ =	swait.ge [sflag:s14], $0x1400  }
0x8f: {  	p1 =	seq.s32 s29, $0x0;
	[sflag:s14] =	ssyncset.done $0x0  }
0x90: {  	s3 =	simm.s32 @!p1 $0x5;
	[sflag:s14] =	ssyncadd.s32 $0xFFFFEC00  }
0x91: {  	_ =	swait.ge @!p1 [sflag:s3], $0x1400  }
0x92: {  	[sflag:s3] =	ssyncset.done @!p1 $0x0  }
0x93: {  	s8 =	simm.s32 $0x0;
	[sflag:s3] =	ssyncadd.s32 @!p1 $0xFFFFEC00  }
0x94: {  	v1 =	vld [tilespmem:s8+$0x2070]  }
0x95: {  	v2 =	vld [tilespmem:s8+$0x4870]  }
0x96: {  	v3 =	vld [tilespmem:s8+$0x2000]  }
0x97: {  	v4 =	vld [tilespmem:s8+$0x4800]  }
0x98: {  	v5 =	vld [tilespmem:s8+$0x2010]  }
0x99: {  	v6 =	vld [tilespmem:s8+$0x4810]  }
0x9a: {  	v7 =	vld [tilespmem:s8+$0x2020]  }
0x9b: {  	v8 =	vld [tilespmem:s8+$0x2030]  }
0x9c: {  	v1 =	vmul.f32 v2, v1;
	v2 =	vld [tilespmem:s8+$0x4820]  }
0x9d: {  	v9 =	vld [tilespmem:s8+$0x4830]  }
0x9e: {  	v10 =	vld [tilespmem:s8+$0x4840];
	v3 =	vmul.f32 v4, v3  }
0x9f: {  	[tilespmem:s8+$0x7070] =	vst v1;
	v1 =	vmul.f32 v6, v5;
	v6 =	vld [tilespmem:s8+$0x2040]  }
0xa0: {  	v4 =	vld [tilespmem:s8+$0x4850];
	[tilespmem:s8+$0x7000] =	vst v3  }
0xa1: {  	v3 =	vld [tilespmem:s8+$0x2050];
	[tilespmem:s8+$0x7010] =	vst v1;
	v1 =	vmul.f32 v2, v7  }
0xa2: {  	v5 =	vld [tilespmem:s8+$0x4860];
	v7 =	vmul.f32 v9, v8  }
0xa3: {  	s3 =	simm.s32 $0x80;
	[tilespmem:s8+$0x7020] =	vst v1;
	v1 =	vld [tilespmem:s8+$0x2060]  }
0xa4: {  	s24 =	sshll.u32 s29, $0x1;
	s20 =	simm.s32 $0x400;
	v6 =	vmul.f32 v10, v6;
	v2 =	vld [tilespmem:s3+$0x2070];
	[tilespmem:s8+$0x7030] =	vst v7  }
.LBB2_6:
0xa5: {  	p2 =	sne.s32 s20, $0x4E00;
	v7 =	vld [tilespmem:s3+$0x4870]  }
0xa6: {  	v8 =	vld [tilespmem:s3+$0x2000];
	[tilespmem:s8+$0x7040] =	vst v6;
	v3 =	vmul.f32 v4, v3  }
0xa7: {  	v4 =	vld [tilespmem:s3+$0x4800]  }
0xa8: {  	v6 =	vld [tilespmem:s3+$0x2010];
	[tilespmem:s8+$0x7050] =	vst v3;
	v1 =	vmul.f32 v5, v1  }
0xa9: {  	v3 =	vld [tilespmem:s3+$0x4810]  }
0xaa: {  	v5 =	vld [tilespmem:s3+$0x2020];
	v2 =	vmul.f32 v7, v2;
	[tilespmem:s8+$0x7060] =	vst v1;
	s8 =	smov.u32 s3  }
0xab: {  	v1 =	vld [tilespmem:s8+$0x4820]  }
0xac: {  	v4 =	vmul.f32 v4, v8;
	v7 =	vld [tilespmem:s8+$0x2030];
	[tilespmem:s8+$0x7070] =	vst v2  }
0xad: {  	v2 =	vld [tilespmem:s8+$0x4830]  }
0xae: {  	[tilespmem:s8+$0x7000] =	vst v4;
	v3 =	vmul.f32 v3, v6;
	v6 =	vld [tilespmem:s8+$0x2040]  }
0xaf: {  	v8 =	vld [tilespmem:s8+$0x4840]  }
.Ltmp1:
0xb0: {  	[tilespmem:s8+$0x7010] =	vst v3;
	v1 =	vmul.f32 v1, v5;
	v3 =	vld [tilespmem:s8+$0x2050];
	(pc) =	sbr.rel @p2 .LBB2_6-.Ltmp1, $4  }
0xb1: {  	v4 =	vld [tilespmem:s8+$0x4850]  }
0xb2: {  	[tilespmem:s8+$0x7020] =	vst v1;
	v7 =	vmul.f32 v2, v7;
	v1 =	vld [tilespmem:s8+$0x2060]  }
0xb3: {  	s3 =	sshra.s32 s20, $0x2;
	v5 =	vld [tilespmem:s8+$0x4860]  }
0xb4: {  	s20 =	sadd.s32 $0x200, s20;
	v2 =	vld [tilespmem:s3+$0x2070];
	[tilespmem:s8+$0x7030] =	vst v7;
	v6 =	vmul.f32 v8, v6  }
0xb5: {  	v7 =	vld [tilespmem:s3+$0x4870]  }
0xb6: {  	v8 =	vld [tilespmem:s3+$0x2000];
	[tilespmem:s8+$0x7040] =	vst v6;
	v3 =	vmul.f32 v4, v3  }
0xb7: {  	v4 =	vld [tilespmem:s3+$0x4800]  }
0xb8: {  	v6 =	vld [tilespmem:s3+$0x2010];
	[tilespmem:s8+$0x7050] =	vst v3;
	v1 =	vmul.f32 v5, v1  }
0xb9: {  	v3 =	vld [tilespmem:s3+$0x4810]  }
0xba: {  	v5 =	vld [tilespmem:s3+$0x2020];
	[tilespmem:s8+$0x7060] =	vst v1  }
0xbb: {  	v1 =	vmul.f32 v7, v2;
	v2 =	vld [tilespmem:s3+$0x4820]  }
0xbc: {  	v7 =	vld [tilespmem:s3+$0x2030]  }
0xbd: {  	v4 =	vmul.f32 v4, v8;
	[tilespmem:s3+$0x7070] =	vst v1;
	v1 =	vld [tilespmem:s3+$0x4830]  }
0xbe: {  	v8 =	vld [tilespmem:s3+$0x4860]  }
0xbf: {  	[tilespmem:s3+$0x7000] =	vst v4;
	v3 =	vmul.f32 v3, v6;
	v4 =	vld [tilespmem:s3+$0x2040]  }
0xc0: {  	v6 =	vld [tilespmem:s3+$0x4840]  }
0xc1: {  	[tilespmem:s3+$0x7010] =	vst v3;
	v2 =	vmul.f32 v2, v5;
	v3 =	vld [tilespmem:s3+$0x2050]  }
0xc2: {  	v5 =	vld [tilespmem:s3+$0x4850]  }
0xc3: {  	[tilespmem:s3+$0x7020] =	vst v2;
	v2 =	vld [tilespmem:s3+$0x2060];
	_ =	sdelay $0x1  }
0xc4: {  	v1 =	vmul.f32 v1, v7  }
0xc5: {  	v4 =	vmul.f32 v6, v4  }
0xc6: {  	[tilespmem:s3+$0x7030] =	vst v1;
	v1 =	vmul.f32 v5, v3  }
0xc7: {  	s20 =	sadd.s32 $0x2, s24;
	s8 =	sshll.u32 s29, $0x8;
	[tilespmem:s3+$0x7040] =	vst v4;
	v2 =	vmul.f32 v8, v2  }
0xc8: {  	s24 =	sadd.s32 s28, s20;
	s8 =	sand.u32 $0x3FFFFF00, s8;
	[tilespmem:s3+$0x7050] =	vst v1  }
0xc9: {  	s24 =	smul.u32 $0x28, s24;
	s8 =	sadd.s32 $0x1000, s8;
	[tilespmem:s3+$0x7060] =	vst v2  }
0xca: {  	[spmem:s2] =	stream.indirect.scatter.add.f32 [tilespmem:s15], [sflag:$0x5], $0x80, s8, s10, $0xb8;
	[tilespmem:$0x1D080] =	vst v63  }
0xcb: {  	s8 =	sadd.s32 s22, s24  }
0xcc: {  	s3 =	sshll.u32 s8, $0x4  }
0xcd: {  	s24 =	sshll.u32 s20, $0x7;
	s3 =	sadd.s32 s5, s3  }
0xce: {  	[tilespmem:s9], [sflag:$0x3] =	stream.linear.gather [hbm4b:s3+s4], $0x1400, $0x38;
	[tilespmem:$0x1D080] =	vst v63  }
0xcf: {  	s3 =	sand.u32 $0x3FFFFF80, s24  }
0xd0: {  	[tilespmem:s31], [sflag:$0x1] =	stream.indirect.gather [hbm4b:s1+s10], $0x80, s3, s10, $0xb8;
	[tilespmem:$0x1D080] =	vst v63  }
0xd1: {  	_ =	swait.ge [sflag:s16], $0x1400  }
0xd2: {  	[sflag:s16] =	ssyncset.done $0x0  }
0xd3: {  	[sflag:s16] =	ssyncadd.s32 $0xFFFFEC00  }
0xd4: {  	_ =	swait.ge [sflag:s17], $0x1400  }
0xd5: {  	[sflag:s17] =	ssyncset.done $0x0  }
0xd6: {  	s3 =	simm.s32 @!p1 $0x6;
	[sflag:s17] =	ssyncadd.s32 $0xFFFFEC00  }
0xd7: {  	_ =	swait.ge @!p1 [sflag:s3], $0x1400  }
0xd8: {  	[sflag:s3] =	ssyncset.done @!p1 $0x0  }
0xd9: {  	s8 =	simm.s32 $0x0;
	[sflag:s3] =	ssyncadd.s32 @!p1 $0xFFFFEC00  }
0xda: {  	v1 =	vld [tilespmem:s8+$0x3470]  }
0xdb: {  	v2 =	vld [tilespmem:s8+$0x5C70]  }
0xdc: {  	v3 =	vld [tilespmem:s8+$0x3400]  }
0xdd: {  	v4 =	vld [tilespmem:s8+$0x5C00]  }
0xde: {  	v5 =	vld [tilespmem:s8+$0x3410]  }
0xdf: {  	v6 =	vld [tilespmem:s8+$0x5C10]  }
0xe0: {  	v7 =	vld [tilespmem:s8+$0x3420]  }
0xe1: {  	v8 =	vld [tilespmem:s8+$0x3430]  }
0xe2: {  	v1 =	vmul.f32 v2, v1;
	v2 =	vld [tilespmem:s8+$0x5C20]  }
0xe3: {  	v9 =	vld [tilespmem:s8+$0x5C30]  }
0xe4: {  	v10 =	vld [tilespmem:s8+$0x5C40];
	v3 =	vmul.f32 v4, v3  }
0xe5: {  	[tilespmem:s8+$0x8470] =	vst v1;
	v1 =	vmul.f32 v6, v5;
	v6 =	vld [tilespmem:s8+$0x3440]  }
0xe6: {  	v4 =	vld [tilespmem:s8+$0x5C50];
	[tilespmem:s8+$0x8400] =	vst v3  }
0xe7: {  	v3 =	vld [tilespmem:s8+$0x3450];
	[tilespmem:s8+$0x8410] =	vst v1;
	v1 =	vmul.f32 v2, v7  }
0xe8: {  	v5 =	vld [tilespmem:s8+$0x5C60];
	v7 =	vmul.f32 v9, v8  }
0xe9: {  	s3 =	simm.s32 $0x80;
	[tilespmem:s8+$0x8420] =	vst v1;
	v1 =	vld [tilespmem:s8+$0x3460]  }
0xea: {  	s20 =	simm.s32 $0x400;
	v6 =	vmul.f32 v10, v6;
	v2 =	vld [tilespmem:s3+$0x3470];
	[tilespmem:s8+$0x8430] =	vst v7  }
.LBB2_8:
0xeb: {  	p1 =	sne.s32 s20, $0x4E00;
	v7 =	vld [tilespmem:s3+$0x5C70]  }
0xec: {  	v8 =	vld [tilespmem:s3+$0x3400];
	[tilespmem:s8+$0x8440] =	vst v6;
	v3 =	vmul.f32 v4, v3  }
0xed: {  	v4 =	vld [tilespmem:s3+$0x5C00]  }
0xee: {  	v6 =	vld [tilespmem:s3+$0x3410];
	[tilespmem:s8+$0x8450] =	vst v3;
	v1 =	vmul.f32 v5, v1  }
0xef: {  	v3 =	vld [tilespmem:s3+$0x5C10]  }
0xf0: {  	v5 =	vld [tilespmem:s3+$0x3420];
	v2 =	vmul.f32 v7, v2;
	[tilespmem:s8+$0x8460] =	vst v1;
	s8 =	smov.u32 s3  }
0xf1: {  	v1 =	vld [tilespmem:s8+$0x5C20]  }
0xf2: {  	v4 =	vmul.f32 v4, v8;
	v7 =	vld [tilespmem:s8+$0x3430];
	[tilespmem:s8+$0x8470] =	vst v2  }
0xf3: {  	v2 =	vld [tilespmem:s8+$0x5C30]  }
0xf4: {  	[tilespmem:s8+$0x8400] =	vst v4;
	v3 =	vmul.f32 v3, v6;
	v6 =	vld [tilespmem:s8+$0x3440]  }
0xf5: {  	v8 =	vld [tilespmem:s8+$0x5C40]  }
.Ltmp2:
0xf6: {  	[tilespmem:s8+$0x8410] =	vst v3;
	v1 =	vmul.f32 v1, v5;
	v3 =	vld [tilespmem:s8+$0x3450];
	(pc) =	sbr.rel @p1 .LBB2_8-.Ltmp2, $4  }
0xf7: {  	v4 =	vld [tilespmem:s8+$0x5C50]  }
0xf8: {  	[tilespmem:s8+$0x8420] =	vst v1;
	v7 =	vmul.f32 v2, v7;
	v1 =	vld [tilespmem:s8+$0x3460]  }
0xf9: {  	s3 =	sshra.s32 s20, $0x2;
	v5 =	vld [tilespmem:s8+$0x5C60]  }
0xfa: {  	s20 =	sadd.s32 $0x200, s20;
	v2 =	vld [tilespmem:s3+$0x3470];
	[tilespmem:s8+$0x8430] =	vst v7;
	v6 =	vmul.f32 v8, v6  }
0xfb: {  	v7 =	vld [tilespmem:s3+$0x5C70]  }
0xfc: {  	v8 =	vld [tilespmem:s3+$0x3400];
	[tilespmem:s8+$0x8440] =	vst v6;
	v3 =	vmul.f32 v4, v3  }
0xfd: {  	v57 =	vld [tilespmem:s3+$0x5C00]  }
0xfe: {  	v6 =	vld [tilespmem:s3+$0x3410];
	[tilespmem:s8+$0x8450] =	vst v3;
	v1 =	vmul.f32 v5, v1  }
0xff: {  	v3 =	vld [tilespmem:s3+$0x5C10]  }
0x100: {  	v58 =	vld [tilespmem:s3+$0x3420];
	[tilespmem:s8+$0x8460] =	vst v1  }
0x101: {  	v1 =	vmul.f32 v7, v2;
	v2 =	vld [tilespmem:s3+$0x5C20]  }
0x102: {  	v59 =	vld [tilespmem:s3+$0x3430]  }
0x103: {  	v60 =	vld [tilespmem:s3+$0x3440]  }
0x104: {  	v61 =	vld [tilespmem:s3+$0x5C40]  }
0x105: {  	v62 =	vld [tilespmem:s3+$0x5C50]  }
0x106: {  	[tilespmem:s3+$0x8470] =	vst v1;
	v1 =	vld [tilespmem:s3+$0x5C30];
	v3 =	vmul.f32 v3, v6  }
0x107: {  	v63 =	vld [tilespmem:s3+$0x5C60];
	v2 =	vmul.f32 v2, v58  }
0x108: {  	[tilespmem:s3+$0x8410] =	vst v3;
	v3 =	vld [tilespmem:s3+$0x3450]  }
0x109: {  	[tilespmem:s3+$0x8420] =	vst v2;
	v2 =	vld [tilespmem:s3+$0x3460]  }
0x10a: {  	v4 =	vmul.f32 v57, v8  }
0x10b: {  	s29 =	sadd.s32 $0x1, s29;
	v1 =	vmul.f32 v1, v59  }
0x10c: {  	p1 =	sne.s32 s29, $0xC;
	[tilespmem:s3+$0x8400] =	vst v4;
	v4 =	vmul.f32 v61, v60  }
.Ltmp3:
0x10d: {  	[tilespmem:s3+$0x8430] =	vst v1;
	v1 =	vmul.f32 v62, v3;
	(pc) =	sbr.rel @p1 .LBB2_5-.Ltmp3, $4  }
0x10e: {  	[tilespmem:s3+$0x8440] =	vst v4;
	v2 =	vmul.f32 v63, v2  }
0x10f: {  	[tilespmem:s3+$0x8450] =	vst v1  }
0x110: {  	s30 =	sadd.s32 $0x1000, s30;
	[tilespmem:s3+$0x8460] =	vst v2  }
0x111: {  	[spmem:s2] =	stream.indirect.scatter.add.f32 [tilespmem:s18], [sflag:$0x6], $0x80, s30, s10, $0xb8;
	[tilespmem:$0x1D080] =	vst v63  }
0x112: {  	_ =	swait.ge [sflag:s13], $0x1400  }
0x113: {  	[sflag:s13] =	ssyncset.done $0x0  }
0x114: {  	[sflag:s13] =	ssyncadd.s32 $0xFFFFEC00  }
0x115: {  	_ =	swait.ge [sflag:s14], $0x1400  }
0x116: {  	[sflag:s14] =	ssyncset.done $0x0  }
0x117: {  	[sflag:s14] =	ssyncadd.s32 $0xFFFFEC00  }
0x118: {  	_ =	swait.ge [sflag:s19], $0x1400  }
0x119: {  	[sflag:s19] =	ssyncset.done $0x0  }
0x11a: {  	s8 =	simm.s32 $0x0;
	[sflag:s19] =	ssyncadd.s32 $0xFFFFEC00  }
0x11b: {  	v1 =	vld [tilespmem:s8+$0x2070]  }
0x11c: {  	v2 =	vld [tilespmem:s8+$0x4870]  }
0x11d: {  	v3 =	vld [tilespmem:s8+$0x2000]  }
0x11e: {  	v4 =	vld [tilespmem:s8+$0x4800]  }
0x11f: {  	v5 =	vld [tilespmem:s8+$0x2010]  }
0x120: {  	v6 =	vld [tilespmem:s8+$0x4810]  }
0x121: {  	v7 =	vld [tilespmem:s8+$0x2020]  }
0x122: {  	v8 =	vld [tilespmem:s8+$0x2030]  }
0x123: {  	v1 =	vmul.f32 v2, v1;
	v2 =	vld [tilespmem:s8+$0x4820]  }
0x124: {  	v9 =	vld [tilespmem:s8+$0x4830]  }
0x125: {  	v10 =	vld [tilespmem:s8+$0x4840];
	v3 =	vmul.f32 v4, v3  }
0x126: {  	[tilespmem:s8+$0x7070] =	vst v1;
	v1 =	vmul.f32 v6, v5;
	v6 =	vld [tilespmem:s8+$0x2040]  }
0x127: {  	v4 =	vld [tilespmem:s8+$0x4850];
	[tilespmem:s8+$0x7000] =	vst v3  }
0x128: {  	v3 =	vld [tilespmem:s8+$0x2050];
	[tilespmem:s8+$0x7010] =	vst v1;
	v1 =	vmul.f32 v2, v7  }
0x129: {  	v5 =	vld [tilespmem:s8+$0x4860];
	v7 =	vmul.f32 v9, v8  }
0x12a: {  	s3 =	simm.s32 $0x80;
	[tilespmem:s8+$0x7020] =	vst v1;
	v1 =	vld [tilespmem:s8+$0x2060]  }
0x12b: {  	s20 =	simm.s32 $0x400;
	v6 =	vmul.f32 v10, v6;
	v2 =	vld [tilespmem:s3+$0x2070];
	[tilespmem:s8+$0x7030] =	vst v7  }
.LBB2_11:
0x12c: {  	p1 =	sne.s32 s20, $0x4E00;
	v7 =	vld [tilespmem:s3+$0x4870]  }
0x12d: {  	v8 =	vld [tilespmem:s3+$0x2000];
	[tilespmem:s8+$0x7040] =	vst v6;
	v3 =	vmul.f32 v4, v3  }
0x12e: {  	v4 =	vld [tilespmem:s3+$0x4800]  }
0x12f: {  	v6 =	vld [tilespmem:s3+$0x2010];
	[tilespmem:s8+$0x7050] =	vst v3;
	v1 =	vmul.f32 v5, v1  }
0x130: {  	v3 =	vld [tilespmem:s3+$0x4810]  }
0x131: {  	v5 =	vld [tilespmem:s3+$0x2020];
	v2 =	vmul.f32 v7, v2;
	[tilespmem:s8+$0x7060] =	vst v1;
	s8 =	smov.u32 s3  }
0x132: {  	v1 =	vld [tilespmem:s8+$0x4820]  }
0x133: {  	v4 =	vmul.f32 v4, v8;
	v7 =	vld [tilespmem:s8+$0x2030];
	[tilespmem:s8+$0x7070] =	vst v2  }
0x134: {  	v2 =	vld [tilespmem:s8+$0x4830]  }
0x135: {  	[tilespmem:s8+$0x7000] =	vst v4;
	v3 =	vmul.f32 v3, v6;
	v6 =	vld [tilespmem:s8+$0x2040]  }
0x136: {  	v8 =	vld [tilespmem:s8+$0x4840]  }
.Ltmp4:
0x137: {  	[tilespmem:s8+$0x7010] =	vst v3;
	v1 =	vmul.f32 v1, v5;
	v3 =	vld [tilespmem:s8+$0x2050];
	(pc) =	sbr.rel @p1 .LBB2_11-.Ltmp4, $4  }
0x138: {  	v4 =	vld [tilespmem:s8+$0x4850]  }
0x139: {  	[tilespmem:s8+$0x7020] =	vst v1;
	v7 =	vmul.f32 v2, v7;
	v1 =	vld [tilespmem:s8+$0x2060]  }
0x13a: {  	s3 =	sshra.s32 s20, $0x2;
	v5 =	vld [tilespmem:s8+$0x4860]  }
0x13b: {  	s20 =	sadd.s32 $0x200, s20;
	v2 =	vld [tilespmem:s3+$0x2070];
	[tilespmem:s8+$0x7030] =	vst v7;
	v6 =	vmul.f32 v8, v6  }
0x13c: {  	v7 =	vld [tilespmem:s3+$0x4870]  }
0x13d: {  	v8 =	vld [tilespmem:s3+$0x2000];
	[tilespmem:s8+$0x7040] =	vst v6;
	v3 =	vmul.f32 v4, v3  }
0x13e: {  	v57 =	vld [tilespmem:s3+$0x4800]  }
0x13f: {  	v6 =	vld [tilespmem:s3+$0x2010];
	[tilespmem:s8+$0x7050] =	vst v3;
	v1 =	vmul.f32 v5, v1  }
0x140: {  	v3 =	vld [tilespmem:s3+$0x4810]  }
0x141: {  	v58 =	vld [tilespmem:s3+$0x2020];
	[tilespmem:s8+$0x7060] =	vst v1  }
0x142: {  	v1 =	vmul.f32 v7, v2;
	v2 =	vld [tilespmem:s3+$0x4820]  }
0x143: {  	v59 =	vld [tilespmem:s3+$0x2030]  }
0x144: {  	v60 =	vld [tilespmem:s3+$0x2040]  }
0x145: {  	v61 =	vld [tilespmem:s3+$0x4840]  }
0x146: {  	v62 =	vld [tilespmem:s3+$0x4850]  }
0x147: {  	[tilespmem:s3+$0x7070] =	vst v1;
	v1 =	vld [tilespmem:s3+$0x4830];
	v3 =	vmul.f32 v3, v6  }
0x148: {  	v63 =	vld [tilespmem:s3+$0x4860];
	v2 =	vmul.f32 v2, v58  }
0x149: {  	[tilespmem:s3+$0x7010] =	vst v3;
	v3 =	vld [tilespmem:s3+$0x2050]  }
0x14a: {  	[tilespmem:s3+$0x7020] =	vst v2;
	v2 =	vld [tilespmem:s3+$0x2060]  }
0x14b: {  	v4 =	vmul.f32 v57, v8  }
0x14c: {  	v1 =	vmul.f32 v1, v59  }
0x14d: {  	[tilespmem:s3+$0x7000] =	vst v4;
	v4 =	vmul.f32 v61, v60  }
0x14e: {  	[tilespmem:s3+$0x7030] =	vst v1;
	v1 =	vmul.f32 v62, v3  }
0x14f: {  	[tilespmem:s3+$0x7040] =	vst v4;
	v2 =	vmul.f32 v63, v2  }
0x150: {  	[tilespmem:s3+$0x7050] =	vst v1  }
0x151: {  	s30 =	simm.s32 $0x1C00;
	s26 =	sadd.s32 $0x1, s26;
	[tilespmem:s3+$0x7060] =	vst v2  }
0x152: {  	[spmem:s2] =	stream.indirect.scatter.add.f32 [tilespmem:s15], [sflag:$0x5], $0x80, s30, s10, $0xb8;
	[tilespmem:$0x1D080] =	vst v63  }
0x153: {  	p1 =	sne.s32 s26, $0x5;
	_ =	swait.ge [sflag:s19], $0x1400  }
.Ltmp5:
0x154: {  	[sflag:s19] =	ssyncset.done $0x0;
	(pc) =	sbr.rel @p1 .LBB2_4-.Ltmp5, $4  }
0x155: {  	[sflag:s19] =	ssyncadd.s32 $0xFFFFEC00  }
0x156: {  	_ =	swait.ge [sflag:s21], $0x1400  }
0x157: {  	[sflag:s21] =	ssyncset.done $0x0  }
0x158: {  	[sflag:s21] =	ssyncadd.s32 $0xFFFFEC00  }
0x159: {  	s3 =	stileid.u32;
	[bflag:$0x0] =	sbarrier.arrive $0xFFFF  }
0x15a: {  	s3 =	sshll.u32 s3, $0x6;
	s20 =	rddreg [dreg:$0x4]  }
0x15b: {  	s24 =	rddreg [dreg:$0x10];
	s3 =	sor.u32 $0x1C07, s3;
	s8 =	sshrl.u32 s20, $0x3  }
0x15c: {  	[hbm:s24], [sflag:s3] =	dma.local [spmem:s8], $0x1900  }
0x15d: {  	_ =	swait.ge [sflag:s0], $0x1900  }
0x15e: {  	[sflag:s0] =	ssyncset.done $0x0;
	s8 =	rddreg [dreg:$0x11]  }
0x15f: {  	s24 =	rddreg [dreg:$0x13];
	[sflag:s0] =	ssyncadd.s32 $0xFFFFE700  }
0x160: {  	[hbm:s8], [sflag:s3] =	dma.local @!p0 [spmem:s24], $0xF00  }
0x161: {  	s3 =	simm.s32 @!p0 $0x7  }
0x162: {  	_ =	swait.ge @!p0 [sflag:s3], $0xF00  }
0x163: {  	s29 =	rddreg [dreg:$0x18]  }
0x164: {  	s30 =	rddreg [dreg:$0x12];
	s24 =	sadd.s32 $0x1, s29  }
0x165: {  	p1 =	sne.s32 s24, s30  }
.Ltmp6:
0x166: {  	_ = 	snop;
	(pc) =	sbr.rel @p1 .LBB2_1-.Ltmp6, $3  }
0x167: {  	_ =	sdelay $0x1  }
0x168: {  	[sflag:s3] =	ssyncset.done @!p0 $0x0  }
0x169: {  	[sflag:s3] =	ssyncadd.s32 @!p0 $0xFFFFF100  }
0x16a: {  	_ =	sfence.sel $0x180000  }
0x16b: {  	[bflag:$0x0] =	sbarrier.arrive $0xFFFF  }
0x16c: {  	_ =	strace $0x90000047  }
0x16d: {  	s0 =	stileid.u32;
	[bflag:$0x2] =	sbarrier.arrive $0xFFFF  }
0x16e: {  	p0 =	sne.s32 s0, $0x0;
	s0 =	rddreg [dreg:$0x3]  }
0x16f: {  	s0 =	sadd.s32 @!p0 $0x100000, s0  }
0x170: {  	[sflag:s0] =	ssyncadd.tile.s32 @!p0 $0x1;
	_ =	shalt  }
.Lfunc_end2:
_tile_overlayer_lowered:
.L_overlay_start_2:
0x171: {  	(tag) =	ssettag $0x2  }
0x172: {  	s0 =	rddreg [dreg:$0x0];
	s2 =	stileid.u32  }
0x173: {  	s1 =	rddreg [dreg:$0x1];
	p0 =	sne.s32 s2, $0x0  }
0x174: {  	s3 =	rddreg [dreg:$0x2];
	[bflag:$0x3] =	sbarrier.arrive $0xFFFF;
	s2 =	simm.s32 @!p0 $0x1C07  }
0x175: {  	[timem:s3], [sflag:s2] =	dma.local @!p0 [hbm:s0], s1  }
0x176: {  	s0 =	simm.s32 @!p0 $0x7  }
0x177: {  	_ =	swait.ge @!p0 [sflag:s0], s1  }
0x178: {  	s1 =	ssub.s32 @!p0 $0x0, s1;
	[sflag:s0] =	ssyncset.done @!p0 $0x0  }
0x179: {  	[sflag:s0] =	ssyncadd.s32 @!p0 s1  }
0x17a: {  	[bflag:$0x3] =	sbarrier.arrive $0xFFFF  }
0x17b: {  	_ =	shalt  }

</sc_bundles>
